<compile_context>
chip_gen: v7x
topology: tpu7x:2x2x1
jax: 0.10.2.dev20260603
libtpu: 0.0.44.dev20260713+nightly
codegen_flags: <defaults>
</compile_context>

<pallas_src>
import functools
import jax
import jax.numpy as jnp
from jax import lax
from jax.experimental import pallas as pl
from jax.experimental.pallas import tpu as pltpu
from jax.experimental.pallas import tpu_sc as plsc

_N = 10000
_E = 320000
_H = 8
_D = 16
_HD = 128
_NP = 10240
_NW = 32
_EPW = _E // _NW
_BC = 80
_NCH = _EPW // _BC


def _node_proj_body(x_ref, wnt_ref, b1_ref, b2_ref, zn_ref, s1_ref, s2_ref,
                    m1_ref, m2_ref):
    x = x_ref[...]
    zn = jnp.dot(x, wnt_ref[...], preferred_element_type=jnp.float32)
    zn_ref[...] = zn
    s1 = jnp.dot(zn, b1_ref[...], preferred_element_type=jnp.float32)
    s2 = jnp.dot(zn, b2_ref[...], preferred_element_type=jnp.float32)
    s1_ref[...] = s1
    s2_ref[...] = s2
    m1 = jnp.broadcast_to(jnp.max(s1, axis=0, keepdims=True), (8, 16))
    m2 = jnp.broadcast_to(jnp.max(s2, axis=0, keepdims=True), (8, 16))

    @pl.when(pl.program_id(0) == 0)
    def _():
        m1_ref[...] = m1
        m2_ref[...] = m2

    @pl.when(pl.program_id(0) > 0)
    def _():
        m1_ref[...] = jnp.maximum(m1_ref[...], m1)
        m2_ref[...] = jnp.maximum(m2_ref[...], m2)


def _node_proj(node_feats, WnT, B1p, B2p):
    bn = 2000
    grid = (_N // bn,)
    return pl.pallas_call(
        _node_proj_body,
        grid=grid,
        in_specs=[
            pl.BlockSpec((bn, 128), lambda i: (i, 0)),
            pl.BlockSpec((128, 128), lambda i: (0, 0)),
            pl.BlockSpec((128, 16), lambda i: (0, 0)),
            pl.BlockSpec((128, 16), lambda i: (0, 0)),
        ],
        out_specs=[
            pl.BlockSpec((bn, 128), lambda i: (i, 0)),
            pl.BlockSpec((bn, 16), lambda i: (i, 0)),
            pl.BlockSpec((bn, 16), lambda i: (i, 0)),
            pl.BlockSpec((8, 16), lambda i: (0, 0)),
            pl.BlockSpec((8, 16), lambda i: (0, 0)),
        ],
        out_shape=[
            jax.ShapeDtypeStruct((_N, 128), jnp.float32),
            jax.ShapeDtypeStruct((_N, 16), jnp.float32),
            jax.ShapeDtypeStruct((_N, 16), jnp.float32),
            jax.ShapeDtypeStruct((8, 16), jnp.float32),
            jax.ShapeDtypeStruct((8, 16), jnp.float32),
        ],
    )(node_feats, WnT, B1p, B2p)


def _edge_proj_body(x_ref, wse_ref, se_ref, m3_ref):
    se = jnp.dot(x_ref[...], wse_ref[...], preferred_element_type=jnp.float32)
    se_ref[...] = se
    m3 = jnp.broadcast_to(jnp.max(se, axis=0, keepdims=True), (8, 16))

    @pl.when(pl.program_id(0) == 0)
    def _():
        m3_ref[...] = m3

    @pl.when(pl.program_id(0) > 0)
    def _():
        m3_ref[...] = jnp.maximum(m3_ref[...], m3)


def _edge_proj(edge_feats, Wse):
    be = 8000
    grid = (_E // be,)
    return pl.pallas_call(
        _edge_proj_body,
        grid=grid,
        in_specs=[
            pl.BlockSpec((be, 16), lambda i: (i, 0)),
            pl.BlockSpec((16, 16), lambda i: (0, 0)),
        ],
        out_specs=[
            pl.BlockSpec((be, 16), lambda i: (i, 0)),
            pl.BlockSpec((8, 16), lambda i: (0, 0)),
        ],
        out_shape=[
            jax.ShapeDtypeStruct((_E, 16), jnp.float32),
            jax.ShapeDtypeStruct((8, 16), jnp.float32),
        ],
    )(edge_feats, Wse)


def _edge_pass_body(s1_hbm, s2_hbm, se_hbm, ef_hbm, src_hbm, dst_hbm,
                    m1_hbm, m2_hbm, m3_hbm, zagg_hbm, zden_hbm,
                    aggp, denp,
                    src_v, dst_v, dsc_v, se_v, ze_v, g1_v, g2_v, al_v, wz_v,
                    m_v, c_v, agg_sh, den_sh,
                    sem_lin, sem_g1, sem_g2, sem_s1, sem_s2):
    core = lax.axis_index("c")
    sub = lax.axis_index("s")
    wid = sub * 2 + core
    base = sub * 640

    pltpu.sync_copy(zagg_hbm, agg_sh.at[pl.ds(base, 640)])
    pltpu.sync_copy(zden_hbm, den_sh.at[pl.ds(base, 640)])
    pltpu.sync_copy(m1_hbm, m_v.at[0])
    pltpu.sync_copy(m2_hbm, m_v.at[1])
    pltpu.sync_copy(m3_hbm, m_v.at[2])
    cs = jnp.maximum(m_v.at[0][0] + m_v.at[1][0] + m_v.at[2][0], 0.0)
    lane = lax.iota(jnp.int32, 16)
    c_v[...] = jnp.where(lane < _H, cs, jnp.float32(1e30))
    plsc.subcore_barrier()

    e0 = wid * _EPW
    end = e0 + _EPW

    def lin_issue(i, p):
        @pl.when(i * _BC < _EPW)
        def _():
            b = e0 + i * _BC
            pltpu.async_copy(src_hbm.at[pl.ds(b, _BC)], src_v.at[p], sem_lin)
            pltpu.async_copy(dst_hbm.at[pl.ds(b, _BC)], dst_v.at[p], sem_lin)
            pltpu.async_copy(se_hbm.at[pl.ds(b, _BC)], se_v.at[p], sem_lin)
            pltpu.async_copy(ef_hbm.at[pl.ds(b, _BC)], ze_v.at[p], sem_lin)

    def lin_wait(p):
        pltpu.make_async_copy(src_hbm.at[pl.ds(0, _BC)], src_v.at[p], sem_lin).wait()
        pltpu.make_async_copy(dst_hbm.at[pl.ds(0, _BC)], dst_v.at[p], sem_lin).wait()
        pltpu.make_async_copy(se_hbm.at[pl.ds(0, _BC)], se_v.at[p], sem_lin).wait()
        pltpu.make_async_copy(ef_hbm.at[pl.ds(0, _BC)], ze_v.at[p], sem_lin).wait()

    def g_issue(p):
        pltpu.async_copy(s1_hbm.at[src_v.at[p]], g1_v.at[p], sem_g1)
        pltpu.async_copy(s2_hbm.at[dst_v.at[p]], g2_v.at[p], sem_g2)

    def g_wait(p):
        pltpu.make_async_copy(s1_hbm.at[src_v.at[p]], g1_v.at[p], sem_g1).wait()
        pltpu.make_async_copy(s2_hbm.at[dst_v.at[p]], g2_v.at[p], sem_g2).wait()

    def compute(p):
        cv = c_v[...]
        g1p, g2p, sep, zep = g1_v.at[p], g2_v.at[p], se_v.at[p], ze_v.at[p]
        alp, wzp = al_v.at[p], wz_v.at[p]

        def edge_body(k, c2):
            for u in range(2):
                j = k * 2 + u
                t = g1p[j] + g2p[j] + sep[j]
                e = jnp.where(t > 0.0, t, t * jnp.float32(0.01))
                a = jnp.exp(e - cv)
                alp[j] = a
                ef = zep[j]
                for h in range(_H):
                    wzp[j, pl.ds(h * 16, 16)] = ef * a[h]
            return c2

        lax.fori_loop(0, _BC // 2, edge_body, 0, unroll=False)

    def scat_issue(p):
        pltpu.async_copy(wz_v.at[p], agg_sh.at[dsc_v.at[p]], sem_s1, add=True)
        pltpu.async_copy(al_v.at[p], den_sh.at[dsc_v.at[p]], sem_s2, add=True)

    def scat_wait(p):
        pltpu.make_async_copy(wz_v.at[p], agg_sh.at[dsc_v.at[p]], sem_s1).wait()
        pltpu.make_async_copy(al_v.at[p], den_sh.at[dsc_v.at[p]], sem_s2).wait()

    lin_issue(0, 0)
    lin_wait(0)
    g_issue(0)
    lin_issue(1, 1)

    def step(i, p):
        g_wait(p)

        @pl.when(i + 1 < _NCH)
        def _():
            lin_wait(1 - p)
            g_issue(1 - p)

        @pl.when(i >= 2)
        def _():
            scat_wait(p)

        for o in (0, 16, 32, 48, 64):
            dsc_v.at[p][pl.ds(o, 16)] = dst_v.at[p][pl.ds(o, 16)]
        compute(p)
        scat_issue(p)
        lin_issue(i + 2, p)

    def pair(k, carry):
        step(2 * k, 0)
        step(2 * k + 1, 1)
        return carry

    lax.fori_loop(0, _NCH // 2, pair, 0, unroll=False)
    step(_NCH - 1, 0)
    scat_wait(1)
    scat_wait(0)
    plsc.subcore_barrier()

    pltpu.sync_copy(agg_sh.at[pl.ds(base, 640)], aggp.at[core, pl.ds(base, 640)])
    pltpu.sync_copy(den_sh.at[pl.ds(base, 640)], denp.at[core, pl.ds(base, 640)])


def _edge_pass(S1, S2, se16, edge_feats, src, dst, m1, m2, m3, zagg, zden):
    mesh = plsc.VectorSubcoreMesh(core_axis_name="c", subcore_axis_name="s")
    return pl.kernel(
        _edge_pass_body,
        out_type=[
            jax.ShapeDtypeStruct((2, _NP, 128), jnp.float32),
            jax.ShapeDtypeStruct((2, _NP, 16), jnp.float32),
        ],
        mesh=mesh,
        compiler_params=pltpu.CompilerParams(use_tc_tiling_on_sc=False),
        scratch_types=[
            pltpu.VMEM((2, _BC), jnp.int32),
            pltpu.VMEM((2, _BC), jnp.int32),
            pltpu.VMEM((2, _BC), jnp.int32),
            pltpu.VMEM((2, _BC, 16), jnp.float32),
            pltpu.VMEM((2, _BC, 16), jnp.float32),
            pltpu.VMEM((2, _BC, 16), jnp.float32),
            pltpu.VMEM((2, _BC, 16), jnp.float32),
            pltpu.VMEM((2, _BC, 16), jnp.float32),
            pltpu.VMEM((2, _BC, 128), jnp.float32),
            pltpu.VMEM((3, 8, 16), jnp.float32),
            pltpu.VMEM((16,), jnp.float32),
            pltpu.VMEM_SHARED((_NP, 128), jnp.float32),
            pltpu.VMEM_SHARED((_NP, 16), jnp.float32),
            pltpu.SemaphoreType.DMA,
            pltpu.SemaphoreType.DMA,
            pltpu.SemaphoreType.DMA,
            pltpu.SemaphoreType.DMA,
            pltpu.SemaphoreType.DMA,
        ],
    )(S1, S2, se16, edge_feats, src, dst, m1, m2, m3, zagg, zden)


def _combine_body(aggp_ref, denp_ref, zn_ref, r_ref, bd_ref, wot_ref, out_ref):
    agg = aggp_ref[0] + aggp_ref[1]
    den = denp_ref[0] + denp_ref[1]
    denr = jnp.dot(den, r_ref[...], preferred_element_type=jnp.float32)
    mask = denr > 0.0
    den_safe = jnp.where(mask, denr, 1.0)
    zz = jnp.dot(agg / den_safe, bd_ref[...], preferred_element_type=jnp.float32)
    z = jnp.where(mask, zz, zn_ref[...])
    out = jnp.dot(z, wot_ref[...], preferred_element_type=jnp.float32)
    out_ref[...] = jnp.maximum(out, 0.0)


def _combine(aggp, denp, z_n, R, BD, WoT):
    bn = 2000
    grid = (_N // bn,)
    return pl.pallas_call(
        _combine_body,
        grid=grid,
        in_specs=[
            pl.BlockSpec((2, bn, 128), lambda i: (0, i, 0)),
            pl.BlockSpec((2, bn, 16), lambda i: (0, i, 0)),
            pl.BlockSpec((bn, 128), lambda i: (i, 0)),
            pl.BlockSpec((16, 128), lambda i: (0, 0)),
            pl.BlockSpec((128, 128), lambda i: (0, 0)),
            pl.BlockSpec((128, 16), lambda i: (0, 0)),
        ],
        out_specs=pl.BlockSpec((bn, 16), lambda i: (i, 0)),
        out_shape=jax.ShapeDtypeStruct((_N, 16), jnp.float32),
    )(aggp, denp, z_n, R, BD, WoT)


def kernel(node_feats, edge_feats, edge_index, Wn, We, Wa, Wo):
    a1 = Wa[0, :_D]
    a2 = Wa[0, _D:]
    eye = jnp.eye(_H, dtype=jnp.float32)
    B1 = jnp.kron(eye, a1[:, None])
    B2 = jnp.kron(eye, a2[:, None])
    B12 = jnp.kron(eye, (a1 + a2)[:, None])
    pad = jnp.zeros((128, 8), jnp.float32)
    B1p = jnp.concatenate([B1, pad], axis=1)
    B2p = jnp.concatenate([B2, pad], axis=1)
    WeT = We.T
    Wse = WeT @ jnp.concatenate([B12, pad], axis=1)

    z_n, S1, S2, m1, m2 = _node_proj(node_feats, Wn.T, B1p, B2p)
    se16, m3 = _edge_proj(edge_feats, Wse)

    zagg = jnp.zeros((640, 128), jnp.float32)
    zden = jnp.zeros((640, 16), jnp.float32)
    aggp, denp = _edge_pass(S1, S2, se16, edge_feats,
                            edge_index[0], edge_index[1], m1, m2, m3,
                            zagg, zden)

    R = jnp.kron(jnp.concatenate([eye, jnp.zeros((8, 8), jnp.float32)], axis=0),
                 jnp.ones((1, 16), jnp.float32))
    blockmask = jnp.kron(eye, jnp.ones((16, 16), jnp.float32))
    BD = jnp.tile(WeT, (_H, 1)) * blockmask
    return _combine(aggp[:, :_N], denp[:, :_N], z_n, R, BD, Wo.T)

# --- scband reference (transcript-rebuilt; emitter-appended) ---
"""Pipeline reference for scband-egatlayer-70153995813489 (READ-ONLY COPY).

The authoritative reference and input builder live on the scoring server;
editing this copy changes nothing except your own understanding.
"""

import jax, jax.numpy as jnp
import numpy as np

N = 10000
E = 320000
IN_DIM = 128
EDGE_DIM = 16
OUT_DIM = 16
HEADS = 8
HD = OUT_DIM * HEADS


def _xavier(key, shape, gain=np.sqrt(2.0)):
    fan_out, fan_in = shape
    std = gain * np.sqrt(2.0 / (fan_in + fan_out))
    return jax.random.normal(key, shape, dtype=jnp.float32) * std


def setup_inputs(seed: int = 0) -> dict:
    key = jax.random.key(seed)
    k1, k2, k3, k4, k5, k6, k7 = jax.random.split(key, 7)
    node_feats = jax.random.normal(k1, (N, IN_DIM), dtype=jnp.float32)
    edge_feats = jax.random.normal(k2, (E, EDGE_DIM), dtype=jnp.float32)
    edge_index = jax.random.randint(k3, (2, E), 0, N, dtype=jnp.int32)
    Wn = _xavier(k4, (HD, IN_DIM))
    We = _xavier(k5, (HD, EDGE_DIM))
    Wa = _xavier(k6, (1, 2 * OUT_DIM))
    Wo = _xavier(k7, (OUT_DIM, HD))
    return {"node_feats": node_feats, "edge_feats": edge_feats, "edge_index": edge_index,
            "Wn": Wn, "We": We, "Wa": Wa, "Wo": Wo}


def reference(node_feats, edge_feats, edge_index, Wn, We, Wa, Wo):
    src = edge_index[0]
    dst = edge_index[1]
    # project node and edge features
    z_n = (node_feats @ Wn.T).reshape(N, HEADS, OUT_DIM)
    z_e = (edge_feats @ We.T).reshape(E, HEADS, OUT_DIM)
    # edge attention: concat([z_src + z_edge, z_dst + z_edge]) -> attn_fc -> leaky_relu
    concat = jnp.concatenate([z_n[src] + z_e, z_n[dst] + z_e], axis=-1)  # [E, H, 2D]
    e = concat @ Wa.T  # [E, H, 1]
    e = jax.nn.leaky_relu(e, negative_slope=0.01)
    # per-dst-node softmax over incoming edges (DGL reduce_func softmax over mailbox)
    emax = jax.ops.segment_max(e, dst, num_segments=N)
    emax = jnp.where(jnp.isfinite(emax), emax, 0.0)
    alpha_un = jnp.exp(e - emax[dst])  # [E, H, 1]
    denom = jax.ops.segment_sum(alpha_un, dst, num_segments=N)  # [N, H, 1]
    agg = jax.ops.segment_sum(alpha_un * z_e, dst, num_segments=N)  # [N, H, D]
    denom_safe = jnp.where(denom > 0, denom, 1.0)
    z = agg / denom_safe
    # nodes with zero in-degree keep their projected features (DGL update_all semantics)
    deg = jax.ops.segment_sum(jnp.ones((E,), jnp.float32), dst, num_segments=N)
    z = jnp.where((deg > 0)[:, None, None], z, z_n)
    out = z.reshape(N, HD) @ Wo.T  # output_fc
    out = jax.nn.relu(out)  # activation; dropout p=0.0 is identity
    return out

if __name__ == "__main__":
    import jax
    _d = setup_inputs()
    print(jax.jit(kernel)(*tuple(_d.values())))

</pallas_src>

<mosaic_0001>
#map = affine_map<(d0, d1) -> (0, 0)>
#map1 = affine_map<(d0, d1) -> (0)>
#map2 = affine_map<(d0, d1) -> (0, 0, 0)>
module attributes {stable_mosaic.version = 14 : i64} {
  func.func @_edge_pass_body(%arg0: i32, %arg1: i32, %arg2: memref<10000x16xf32, #tpu.memory_space<hbm>>, %arg3: memref<10000x16xf32, #tpu.memory_space<hbm>>, %arg4: memref<320000x16xf32, #tpu.memory_space<hbm>>, %arg5: memref<320000x16xf32, #tpu.memory_space<hbm>>, %arg6: memref<320000xi32, #tpu.memory_space<hbm>>, %arg7: memref<320000xi32, #tpu.memory_space<hbm>>, %arg8: memref<8x16xf32, #tpu.memory_space<hbm>>, %arg9: memref<8x16xf32, #tpu.memory_space<hbm>>, %arg10: memref<8x16xf32, #tpu.memory_space<hbm>>, %arg11: memref<640x128xf32, #tpu.memory_space<hbm>>, %arg12: memref<640x16xf32, #tpu.memory_space<hbm>>, %arg13: memref<2x10240x128xf32, #tpu.memory_space<hbm>>, %arg14: memref<2x10240x16xf32, #tpu.memory_space<hbm>>, %arg15: memref<2x80xi32, #tpu.memory_space<vmem>>, %arg16: memref<2x80xi32, #tpu.memory_space<vmem>>, %arg17: memref<2x80xi32, #tpu.memory_space<vmem>>, %arg18: memref<2x80x16xf32, #tpu.memory_space<vmem>>, %arg19: memref<2x80x16xf32, #tpu.memory_space<vmem>>, %arg20: memref<2x80x16xf32, #tpu.memory_space<vmem>>, %arg21: memref<2x80x16xf32, #tpu.memory_space<vmem>>, %arg22: memref<2x80x16xf32, #tpu.memory_space<vmem>>, %arg23: memref<2x80x128xf32, #tpu.memory_space<vmem>>, %arg24: memref<3x8x16xf32, #tpu.memory_space<vmem>>, %arg25: memref<16xf32, #tpu.memory_space<vmem>>, %arg26: memref<10240x128xf32, #tpu.memory_space<vmem_shared>>, %arg27: memref<10240x16xf32, #tpu.memory_space<vmem_shared>>, %arg28: memref<!tpu.dma_semaphore, #tpu.memory_space<semaphore_mem>>, %arg29: memref<!tpu.dma_semaphore, #tpu.memory_space<semaphore_mem>>, %arg30: memref<!tpu.dma_semaphore, #tpu.memory_space<semaphore_mem>>, %arg31: memref<!tpu.dma_semaphore, #tpu.memory_space<semaphore_mem>>, %arg32: memref<!tpu.dma_semaphore, #tpu.memory_space<semaphore_mem>>) attributes {dimension_semantics = [#tpu.dimension_semantics<core_parallel>, #tpu.dimension_semantics<subcore_parallel>], iteration_bounds = array<i64: 2, 16>, scalar_prefetch = 0 : i64, scratch_operands = 18 : i64, tpu.core_type = #tpu.core_type<sc_vector_subcore>, window_params = [{transform_indices = #map}, {transform_indices = #map}, {transform_indices = #map}, {transform_indices = #map}, {transform_indices = #map1}, {transform_indices = #map1}, {transform_indices = #map}, {transform_indices = #map}, {transform_indices = #map}, {transform_indices = #map}, {transform_indices = #map}, {transform_indices = #map2}, {transform_indices = #map2}]} {
    %mul3A = arith.constant 2 : i32
    %mul3A_0 = arith.muli %arg1, %mul3A : i32
    %add3A = arith.addi %mul3A_0, %arg0 : i32
    %mul3A_1 = arith.constant 640 : i32
    %mul3A_2 = arith.muli %arg1, %mul3A_1 : i32
    "tpu.region"() ({
      %run_scoped3A_429 = tpu.sem_alloc : memref<!tpu.dma_semaphore, #tpu.memory_space<semaphore_mem>>
      %dma_start3A_430 = arith.constant 0 : i32
      %dma_start3A_431 = tpu.memref_slice %arg26[%mul3A_2, %dma_start3A_430] : memref<10240x128xf32, #tpu.memory_space<vmem_shared>> -> memref<640x128xf32, #tpu.memory_space<vmem_shared>>
      tpu.enqueue_dma source(%arg11 : memref<640x128xf32, #tpu.memory_space<hbm>>) target(%dma_start3A_431 : memref<640x128xf32, #tpu.memory_space<vmem_shared>>) target_semaphore(%run_scoped3A_429 : memref<!tpu.dma_semaphore, #tpu.memory_space<semaphore_mem>>)
      %dma_wait3A_432 = arith.constant 0 : i32
      %dma_wait3A_433 = tpu.memref_slice %arg26[%mul3A_2, %dma_wait3A_432] : memref<10240x128xf32, #tpu.memory_space<vmem_shared>> -> memref<640x128xf32, #tpu.memory_space<vmem_shared>>
      tpu.wait_dma2 semaphore(%run_scoped3A_429 : memref<!tpu.dma_semaphore, #tpu.memory_space<semaphore_mem>>) src(%arg11 : memref<640x128xf32, #tpu.memory_space<hbm>>) dst(%dma_wait3A_433 : memref<640x128xf32, #tpu.memory_space<vmem_shared>>)
      tpu.yield
    }) : () -> ()
    "tpu.region"() ({
      %run_scoped3A_429 = tpu.sem_alloc : memref<!tpu.dma_semaphore, #tpu.memory_space<semaphore_mem>>
      %dma_start3A_430 = arith.constant 0 : i32
      %dma_start3A_431 = tpu.memref_slice %arg27[%mul3A_2, %dma_start3A_430] : memref<10240x16xf32, #tpu.memory_space<vmem_shared>> -> memref<640x16xf32, #tpu.memory_space<vmem_shared>>
      tpu.enqueue_dma source(%arg12 : memref<640x16xf32, #tpu.memory_space<hbm>>) target(%dma_start3A_431 : memref<640x16xf32, #tpu.memory_space<vmem_shared>>) target_semaphore(%run_scoped3A_429 : memref<!tpu.dma_semaphore, #tpu.memory_space<semaphore_mem>>)
      %dma_wait3A_432 = arith.constant 0 : i32
      %dma_wait3A_433 = tpu.memref_slice %arg27[%mul3A_2, %dma_wait3A_432] : memref<10240x16xf32, #tpu.memory_space<vmem_shared>> -> memref<640x16xf32, #tpu.memory_space<vmem_shared>>
      tpu.wait_dma2 semaphore(%run_scoped3A_429 : memref<!tpu.dma_semaphore, #tpu.memory_space<semaphore_mem>>) src(%arg12 : memref<640x16xf32, #tpu.memory_space<hbm>>) dst(%dma_wait3A_433 : memref<640x16xf32, #tpu.memory_space<vmem_shared>>)
      tpu.yield
    }) : () -> ()
    %run_scoped3A = arith.constant 0 : i32
    "tpu.region"() ({
      %run_scoped3A_429 = tpu.sem_alloc : memref<!tpu.dma_semaphore, #tpu.memory_space<semaphore_mem>>
      %dma_start3A_430 = arith.constant 0 : i32
      %dma_start3A_431 = arith.constant 0 : i32
      %dma_start3A_432 = tpu.memref_slice %arg24[%run_scoped3A, %dma_start3A_430, %dma_start3A_431] : memref<3x8x16xf32, #tpu.memory_space<vmem>> -> memref<1x8x16xf32, #tpu.memory_space<vmem>>
      %dma_start3A_433 = tpu.memref_squeeze %dma_start3A_432 : memref<1x8x16xf32, #tpu.memory_space<vmem>> -> memref<8x16xf32, #tpu.memory_space<vmem>>
      %dma_start3A_434 = arith.constant 0 : i32
      %dma_start3A_435 = arith.constant 0 : i32
      %dma_start3A_436 = tpu.memref_slice %arg24[%run_scoped3A, %dma_start3A_434, %dma_start3A_435] : memref<3x8x16xf32, #tpu.memory_space<vmem>> -> memref<1x8x16xf32, #tpu.memory_space<vmem>>
      %dma_start3A_437 = tpu.memref_squeeze %dma_start3A_436 : memref<1x8x16xf32, #tpu.memory_space<vmem>> -> memref<8x16xf32, #tpu.memory_space<vmem>>
      tpu.enqueue_dma source(%arg8 : memref<8x16xf32, #tpu.memory_space<hbm>>) target(%dma_start3A_437 : memref<8x16xf32, #tpu.memory_space<vmem>>) target_semaphore(%run_scoped3A_429 : memref<!tpu.dma_semaphore, #tpu.memory_space<semaphore_mem>>)
      %dma_wait3A_438 = arith.constant 0 : i32
      %dma_wait3A_439 = arith.constant 0 : i32
      %dma_wait3A_440 = tpu.memref_slice %arg24[%run_scoped3A, %dma_wait3A_438, %dma_wait3A_439] : memref<3x8x16xf32, #tpu.memory_space<vmem>> -> memref<1x8x16xf32, #tpu.memory_space<vmem>>
      %dma_wait3A_441 = tpu.memref_squeeze %dma_wait3A_440 : memref<1x8x16xf32, #tpu.memory_space<vmem>> -> memref<8x16xf32, #tpu.memory_space<vmem>>
      %dma_wait3A_442 = arith.constant 0 : i32
      %dma_wait3A_443 = arith.constant 0 : i32
      %dma_wait3A_444 = tpu.memref_slice %arg24[%run_scoped3A, %dma_wait3A_442, %dma_wait3A_443] : memref<3x8x16xf32, #tpu.memory_space<vmem>> -> memref<1x8x16xf32, #tpu.memory_space<vmem>>
      %dma_wait3A_445 = tpu.memref_squeeze %dma_wait3A_444 : memref<1x8x16xf32, #tpu.memory_space<vmem>> -> memref<8x16xf32, #tpu.memory_space<vmem>>
      tpu.wait_dma2 semaphore(%run_scoped3A_429 : memref<!tpu.dma_semaphore, #tpu.memory_space<semaphore_mem>>) src(%arg8 : memref<8x16xf32, #tpu.memory_space<hbm>>) dst(%dma_wait3A_445 : memref<8x16xf32, #tpu.memory_space<vmem>>)
      tpu.yield
    }) : () -> ()
    %run_scoped3A_3 = arith.constant 1 : i32
    "tpu.region"() ({
      %run_scoped3A_429 = tpu.sem_alloc : memref<!tpu.dma_semaphore, #tpu.memory_space<semaphore_mem>>
      %dma_start3A_430 = arith.constant 0 : i32
      %dma_start3A_431 = arith.constant 0 : i32
      %dma_start3A_432 = tpu.memref_slice %arg24[%run_scoped3A_3, %dma_start3A_430, %dma_start3A_431] : memref<3x8x16xf32, #tpu.memory_space<vmem>> -> memref<1x8x16xf32, #tpu.memory_space<vmem>>
      %dma_start3A_433 = tpu.memref_squeeze %dma_start3A_432 : memref<1x8x16xf32, #tpu.memory_space<vmem>> -> memref<8x16xf32, #tpu.memory_space<vmem>>
      %dma_start3A_434 = arith.constant 0 : i32
      %dma_start3A_435 = arith.constant 0 : i32
      %dma_start3A_436 = tpu.memref_slice %arg24[%run_scoped3A_3, %dma_start3A_434, %dma_start3A_435] : memref<3x8x16xf32, #tpu.memory_space<vmem>> -> memref<1x8x16xf32, #tpu.memory_space<vmem>>
      %dma_start3A_437 = tpu.memref_squeeze %dma_start3A_436 : memref<1x8x16xf32, #tpu.memory_space<vmem>> -> memref<8x16xf32, #tpu.memory_space<vmem>>
      tpu.enqueue_dma source(%arg9 : memref<8x16xf32, #tpu.memory_space<hbm>>) target(%dma_start3A_437 : memref<8x16xf32, #tpu.memory_space<vmem>>) target_semaphore(%run_scoped3A_429 : memref<!tpu.dma_semaphore, #tpu.memory_space<semaphore_mem>>)
      %dma_wait3A_438 = arith.constant 0 : i32
      %dma_wait3A_439 = arith.constant 0 : i32
      %dma_wait3A_440 = tpu.memref_slice %arg24[%run_scoped3A_3, %dma_wait3A_438, %dma_wait3A_439] : memref<3x8x16xf32, #tpu.memory_space<vmem>> -> memref<1x8x16xf32, #tpu.memory_space<vmem>>
      %dma_wait3A_441 = tpu.memref_squeeze %dma_wait3A_440 : memref<1x8x16xf32, #tpu.memory_space<vmem>> -> memref<8x16xf32, #tpu.memory_space<vmem>>
      %dma_wait3A_442 = arith.constant 0 : i32
      %dma_wait3A_443 = arith.constant 0 : i32
      %dma_wait3A_444 = tpu.memref_slice %arg24[%run_scoped3A_3, %dma_wait3A_442, %dma_wait3A_443] : memref<3x8x16xf32, #tpu.memory_space<vmem>> -> memref<1x8x16xf32, #tpu.memory_space<vmem>>
      %dma_wait3A_445 = tpu.memref_squeeze %dma_wait3A_444 : memref<1x8x16xf32, #tpu.memory_space<vmem>> -> memref<8x16xf32, #tpu.memory_space<vmem>>
      tpu.wait_dma2 semaphore(%run_scoped3A_429 : memref<!tpu.dma_semaphore, #tpu.memory_space<semaphore_mem>>) src(%arg9 : memref<8x16xf32, #tpu.memory_space<hbm>>) dst(%dma_wait3A_445 : memref<8x16xf32, #tpu.memory_space<vmem>>)
      tpu.yield
    }) : () -> ()
    %run_scoped3A_4 = arith.constant 2 : i32
    "tpu.region"() ({
      %run_scoped3A_429 = tpu.sem_alloc : memref<!tpu.dma_semaphore, #tpu.memory_space<semaphore_mem>>
      %dma_start3A_430 = arith.constant 0 : i32
      %dma_start3A_431 = arith.constant 0 : i32
      %dma_start3A_432 = tpu.memref_slice %arg24[%run_scoped3A_4, %dma_start3A_430, %dma_start3A_431] : memref<3x8x16xf32, #tpu.memory_space<vmem>> -> memref<1x8x16xf32, #tpu.memory_space<vmem>>
      %dma_start3A_433 = tpu.memref_squeeze %dma_start3A_432 : memref<1x8x16xf32, #tpu.memory_space<vmem>> -> memref<8x16xf32, #tpu.memory_space<vmem>>
      %dma_start3A_434 = arith.constant 0 : i32
      %dma_start3A_435 = arith.constant 0 : i32
      %dma_start3A_436 = tpu.memref_slice %arg24[%run_scoped3A_4, %dma_start3A_434, %dma_start3A_435] : memref<3x8x16xf32, #tpu.memory_space<vmem>> -> memref<1x8x16xf32, #tpu.memory_space<vmem>>
      %dma_start3A_437 = tpu.memref_squeeze %dma_start3A_436 : memref<1x8x16xf32, #tpu.memory_space<vmem>> -> memref<8x16xf32, #tpu.memory_space<vmem>>
      tpu.enqueue_dma source(%arg10 : memref<8x16xf32, #tpu.memory_space<hbm>>) target(%dma_start3A_437 : memref<8x16xf32, #tpu.memory_space<vmem>>) target_semaphore(%run_scoped3A_429 : memref<!tpu.dma_semaphore, #tpu.memory_space<semaphore_mem>>)
      %dma_wait3A_438 = arith.constant 0 : i32
      %dma_wait3A_439 = arith.constant 0 : i32
      %dma_wait3A_440 = tpu.memref_slice %arg24[%run_scoped3A_4, %dma_wait3A_438, %dma_wait3A_439] : memref<3x8x16xf32, #tpu.memory_space<vmem>> -> memref<1x8x16xf32, #tpu.memory_space<vmem>>
      %dma_wait3A_441 = tpu.memref_squeeze %dma_wait3A_440 : memref<1x8x16xf32, #tpu.memory_space<vmem>> -> memref<8x16xf32, #tpu.memory_space<vmem>>
      %dma_wait3A_442 = arith.constant 0 : i32
      %dma_wait3A_443 = arith.constant 0 : i32
      %dma_wait3A_444 = tpu.memref_slice %arg24[%run_scoped3A_4, %dma_wait3A_442, %dma_wait3A_443] : memref<3x8x16xf32, #tpu.memory_space<vmem>> -> memref<1x8x16xf32, #tpu.memory_space<vmem>>
      %dma_wait3A_445 = tpu.memref_squeeze %dma_wait3A_444 : memref<1x8x16xf32, #tpu.memory_space<vmem>> -> memref<8x16xf32, #tpu.memory_space<vmem>>
      tpu.wait_dma2 semaphore(%run_scoped3A_429 : memref<!tpu.dma_semaphore, #tpu.memory_space<semaphore_mem>>) src(%arg10 : memref<8x16xf32, #tpu.memory_space<hbm>>) dst(%dma_wait3A_445 : memref<8x16xf32, #tpu.memory_space<vmem>>)
      tpu.yield
    }) : () -> ()
    %get3A = arith.constant 0 : i32
    %get3A_5 = arith.constant 0 : i32
    %get3A_6 = arith.constant 0 : i32
    %get3A_7 = arith.constant 0 : i32
    %get3A_8 = tpu.memref_slice %arg24[%get3A, %get3A_6, %get3A_7] : memref<3x8x16xf32, #tpu.memory_space<vmem>> -> memref<1x8x16xf32, #tpu.memory_space<vmem>>
    %get3A_9 = tpu.memref_squeeze %get3A_8 : memref<1x8x16xf32, #tpu.memory_space<vmem>> -> memref<8x16xf32, #tpu.memory_space<vmem>>
    %get3A_10 = arith.index_cast %get3A_5 : i32 to index
    %get3A_11 = arith.constant 0 : index
    %get3A_12 = tpu.vector_load %get3A_9[%get3A_10, %get3A_11] {strides = array<i32>} : memref<8x16xf32, #tpu.memory_space<vmem>>, vector<1x16xf32>,
    %get3A_13 = vector.shape_cast %get3A_12 : vector<1x16xf32> to vector<16xf32>
    %get3A_14 = arith.constant 1 : i32
    %get3A_15 = arith.constant 0 : i32
    %get3A_16 = arith.constant 0 : i32
    %get3A_17 = arith.constant 0 : i32
    %get3A_18 = tpu.memref_slice %arg24[%get3A_14, %get3A_16, %get3A_17] : memref<3x8x16xf32, #tpu.memory_space<vmem>> -> memref<1x8x16xf32, #tpu.memory_space<vmem>>
    %get3A_19 = tpu.memref_squeeze %get3A_18 : memref<1x8x16xf32, #tpu.memory_space<vmem>> -> memref<8x16xf32, #tpu.memory_space<vmem>>
    %get3A_20 = arith.index_cast %get3A_15 : i32 to index
    %get3A_21 = arith.constant 0 : index
    %get3A_22 = tpu.vector_load %get3A_19[%get3A_20, %get3A_21] {strides = array<i32>} : memref<8x16xf32, #tpu.memory_space<vmem>>, vector<1x16xf32>,
    %get3A_23 = vector.shape_cast %get3A_22 : vector<1x16xf32> to vector<16xf32>
    %add3A_24 = arith.addf %get3A_13, %get3A_23 : vector<16xf32>
    %get3A_25 = arith.constant 2 : i32
    %get3A_26 = arith.constant 0 : i32
    %get3A_27 = arith.constant 0 : i32
    %get3A_28 = arith.constant 0 : i32
    %get3A_29 = tpu.memref_slice %arg24[%get3A_25, %get3A_27, %get3A_28] : memref<3x8x16xf32, #tpu.memory_space<vmem>> -> memref<1x8x16xf32, #tpu.memory_space<vmem>>
    %get3A_30 = tpu.memref_squeeze %get3A_29 : memref<1x8x16xf32, #tpu.memory_space<vmem>> -> memref<8x16xf32, #tpu.memory_space<vmem>>
    %get3A_31 = arith.index_cast %get3A_26 : i32 to index
    %get3A_32 = arith.constant 0 : index
    %get3A_33 = tpu.vector_load %get3A_30[%get3A_31, %get3A_32] {strides = array<i32>} : memref<8x16xf32, #tpu.memory_space<vmem>>, vector<1x16xf32>,
    %get3A_34 = vector.shape_cast %get3A_33 : vector<1x16xf32> to vector<16xf32>
    %add3A_35 = arith.addf %add3A_24, %get3A_34 : vector<16xf32>
    %max3A = arith.constant 0.000000e+00 : f32
    %max3A_36 = vector.broadcast %max3A : f32 to vector<16xf32>
    %max3A_37 = arith.maximumf %add3A_35, %max3A_36 : vector<16xf32>
    %iota3A = tpu.iota {dimensions = array<i32: 0>} : vector<16xi32>
    %lt3A = arith.constant 8 : i32
    %lt3A_38 = vector.broadcast %lt3A : i32 to vector<16xi32>
    %lt3A_39 = arith.cmpi slt, %iota3A, %lt3A_38 : vector<16xi32>
    %jit3A = arith.constant 1.000000e+30 : f32
    %broadcast_in_dim3A = vector.broadcast %jit3A : f32 to vector<16xf32>
    %select_n3A = arith.select %lt3A_39, %max3A_37, %broadcast_in_dim3A : vector<16xi1>, vector<16xf32>
    %swap3A = arith.constant 0 : index
    %swap3A_40 = tpu.vector_load %arg25[%swap3A] {strides = array<i32>} : memref<16xf32, #tpu.memory_space<vmem>>, vector<16xf32>,
    %swap3A_41 = vector.shape_cast %swap3A_40 : vector<16xf32> to vector<16xf32>
    %swap3A_42 = vector.shape_cast %select_n3A : vector<16xf32> to vector<16xf32>
    tpu.vector_store %arg25[%swap3A], %swap3A_42 {strides = array<i32>} : memref<16xf32, #tpu.memory_space<vmem>>, vector<16xf32>,
    %barrier3A = arith.constant 0 : index
    tpu.barrier barrier_id(%barrier3A)
    %mul3A_43 = arith.constant 10000 : i32
    %mul3A_44 = arith.muli %add3A, %mul3A_43 : i32
    %add3A_45 = arith.constant 10000 : i32
    %add3A_46 = arith.addi %mul3A_44, %add3A_45 : i32
    %add3A_47 = arith.constant 0 : i32
    %add3A_48 = arith.addi %mul3A_44, %add3A_47 : i32
    %dma_start3A = arith.constant 0 : i32
    %dma_start3A_49 = arith.constant 0 : i32
    %dma_start3A_50 = tpu.memref_slice %arg15[%dma_start3A, %dma_start3A_49] : memref<2x80xi32, #tpu.memory_space<vmem>> -> memref<1x80xi32, #tpu.memory_space<vmem>>
    %dma_start3A_51 = tpu.memref_squeeze %dma_start3A_50 : memref<1x80xi32, #tpu.memory_space<vmem>> -> memref<80xi32, #tpu.memory_space<vmem>>
    %dma_start3A_52 = tpu.memref_slice %arg6[%add3A_48] : memref<320000xi32, #tpu.memory_space<hbm>> -> memref<80xi32, #tpu.memory_space<hbm>>
    %dma_start3A_53 = arith.constant 0 : i32
    %dma_start3A_54 = tpu.memref_slice %arg15[%dma_start3A, %dma_start3A_53] : memref<2x80xi32, #tpu.memory_space<vmem>> -> memref<1x80xi32, #tpu.memory_space<vmem>>
    %dma_start3A_55 = tpu.memref_squeeze %dma_start3A_54 : memref<1x80xi32, #tpu.memory_space<vmem>> -> memref<80xi32, #tpu.memory_space<vmem>>
    %dma_start3A_56 = tpu.memref_slice %arg6[%add3A_48] : memref<320000xi32, #tpu.memory_space<hbm>> -> memref<80xi32, #tpu.memory_space<hbm>>
    tpu.enqueue_dma source(%dma_start3A_56 : memref<80xi32, #tpu.memory_space<hbm>>) target(%dma_start3A_55 : memref<80xi32, #tpu.memory_space<vmem>>) target_semaphore(%arg28 : memref<!tpu.dma_semaphore, #tpu.memory_space<semaphore_mem>>)
    %dma_start3A_57 = arith.constant 0 : i32
    %dma_start3A_58 = arith.constant 0 : i32
    %dma_start3A_59 = tpu.memref_slice %arg16[%dma_start3A_57, %dma_start3A_58] : memref<2x80xi32, #tpu.memory_space<vmem>> -> memref<1x80xi32, #tpu.memory_space<vmem>>
    %dma_start3A_60 = tpu.memref_squeeze %dma_start3A_59 : memref<1x80xi32, #tpu.memory_space<vmem>> -> memref<80xi32, #tpu.memory_space<vmem>>
    %dma_start3A_61 = tpu.memref_slice %arg7[%add3A_48] : memref<320000xi32, #tpu.memory_space<hbm>> -> memref<80xi32, #tpu.memory_space<hbm>>
    %dma_start3A_62 = arith.constant 0 : i32
    %dma_start3A_63 = tpu.memref_slice %arg16[%dma_start3A_57, %dma_start3A_62] : memref<2x80xi32, #tpu.memory_space<vmem>> -> memref<1x80xi32, #tpu.memory_space<vmem>>
    %dma_start3A_64 = tpu.memref_squeeze %dma_start3A_63 : memref<1x80xi32, #tpu.memory_space<vmem>> -> memref<80xi32, #tpu.memory_space<vmem>>
    %dma_start3A_65 = tpu.memref_slice %arg7[%add3A_48] : memref<320000xi32, #tpu.memory_space<hbm>> -> memref<80xi32, #tpu.memory_space<hbm>>
    tpu.enqueue_dma source(%dma_start3A_65 : memref<80xi32, #tpu.memory_space<hbm>>) target(%dma_start3A_64 : memref<80xi32, #tpu.memory_space<vmem>>) target_semaphore(%arg28 : memref<!tpu.dma_semaphore, #tpu.memory_space<semaphore_mem>>)
    %dma_start3A_66 = arith.constant 0 : i32
    %dma_start3A_67 = arith.constant 0 : i32
    %dma_start3A_68 = arith.constant 0 : i32
    %dma_start3A_69 = tpu.memref_slice %arg18[%dma_start3A_66, %dma_start3A_67, %dma_start3A_68] : memref<2x80x16xf32, #tpu.memory_space<vmem>> -> memref<1x80x16xf32, #tpu.memory_space<vmem>>
    %dma_start3A_70 = tpu.memref_squeeze %dma_start3A_69 : memref<1x80x16xf32, #tpu.memory_space<vmem>> -> memref<80x16xf32, #tpu.memory_space<vmem>>
    %dma_start3A_71 = arith.constant 0 : i32
    %dma_start3A_72 = tpu.memref_slice %arg4[%add3A_48, %dma_start3A_71] : memref<320000x16xf32, #tpu.memory_space<hbm>> -> memref<80x16xf32, #tpu.memory_space<hbm>>
    %dma_start3A_73 = arith.constant 0 : i32
    %dma_start3A_74 = arith.constant 0 : i32
    %dma_start3A_75 = tpu.memref_slice %arg18[%dma_start3A_66, %dma_start3A_73, %dma_start3A_74] : memref<2x80x16xf32, #tpu.memory_space<vmem>> -> memref<1x80x16xf32, #tpu.memory_space<vmem>>
    %dma_start3A_76 = tpu.memref_squeeze %dma_start3A_75 : memref<1x80x16xf32, #tpu.memory_space<vmem>> -> memref<80x16xf32, #tpu.memory_space<vmem>>
    %dma_start3A_77 = arith.constant 0 : i32
    %dma_start3A_78 = tpu.memref_slice %arg4[%add3A_48, %dma_start3A_77] : memref<320000x16xf32, #tpu.memory_space<hbm>> -> memref<80x16xf32, #tpu.memory_space<hbm>>
    tpu.enqueue_dma source(%dma_start3A_78 : memref<80x16xf32, #tpu.memory_space<hbm>>) target(%dma_start3A_76 : memref<80x16xf32, #tpu.memory_space<vmem>>) target_semaphore(%arg28 : memref<!tpu.dma_semaphore, #tpu.memory_space<semaphore_mem>>)
    %dma_start3A_79 = arith.constant 0 : i32
    %dma_start3A_80 = arith.constant 0 : i32
    %dma_start3A_81 = arith.constant 0 : i32
    %dma_start3A_82 = tpu.memref_slice %arg19[%dma_start3A_79, %dma_start3A_80, %dma_start3A_81] : memref<2x80x16xf32, #tpu.memory_space<vmem>> -> memref<1x80x16xf32, #tpu.memory_space<vmem>>
    %dma_start3A_83 = tpu.memref_squeeze %dma_start3A_82 : memref<1x80x16xf32, #tpu.memory_space<vmem>> -> memref<80x16xf32, #tpu.memory_space<vmem>>
    %dma_start3A_84 = arith.constant 0 : i32
    %dma_start3A_85 = tpu.memref_slice %arg5[%add3A_48, %dma_start3A_84] : memref<320000x16xf32, #tpu.memory_space<hbm>> -> memref<80x16xf32, #tpu.memory_space<hbm>>
    %dma_start3A_86 = arith.constant 0 : i32
    %dma_start3A_87 = arith.constant 0 : i32
    %dma_start3A_88 = tpu.memref_slice %arg19[%dma_start3A_79, %dma_start3A_86, %dma_start3A_87] : memref<2x80x16xf32, #tpu.memory_space<vmem>> -> memref<1x80x16xf32, #tpu.memory_space<vmem>>
    %dma_start3A_89 = tpu.memref_squeeze %dma_start3A_88 : memref<1x80x16xf32, #tpu.memory_space<vmem>> -> memref<80x16xf32, #tpu.memory_space<vmem>>
    %dma_start3A_90 = arith.constant 0 : i32
    %dma_start3A_91 = tpu.memref_slice %arg5[%add3A_48, %dma_start3A_90] : memref<320000x16xf32, #tpu.memory_space<hbm>> -> memref<80x16xf32, #tpu.memory_space<hbm>>
    tpu.enqueue_dma source(%dma_start3A_91 : memref<80x16xf32, #tpu.memory_space<hbm>>) target(%dma_start3A_89 : memref<80x16xf32, #tpu.memory_space<vmem>>) target_semaphore(%arg28 : memref<!tpu.dma_semaphore, #tpu.memory_space<semaphore_mem>>)
    %dma_wait3A = arith.constant 0 : i32
    %dma_wait3A_92 = arith.constant 0 : i32
    %dma_wait3A_93 = tpu.memref_slice %arg15[%dma_wait3A, %dma_wait3A_92] : memref<2x80xi32, #tpu.memory_space<vmem>> -> memref<1x80xi32, #tpu.memory_space<vmem>>
    %dma_wait3A_94 = tpu.memref_squeeze %dma_wait3A_93 : memref<1x80xi32, #tpu.memory_space<vmem>> -> memref<80xi32, #tpu.memory_space<vmem>>
    %dma_wait3A_95 = arith.constant 0 : i32
    %dma_wait3A_96 = tpu.memref_slice %arg6[%dma_wait3A_95] : memref<320000xi32, #tpu.memory_space<hbm>> -> memref<80xi32, #tpu.memory_space<hbm>>
    %dma_wait3A_97 = arith.constant 0 : i32
    %dma_wait3A_98 = tpu.memref_slice %arg15[%dma_wait3A, %dma_wait3A_97] : memref<2x80xi32, #tpu.memory_space<vmem>> -> memref<1x80xi32, #tpu.memory_space<vmem>>
    %dma_wait3A_99 = tpu.memref_squeeze %dma_wait3A_98 : memref<1x80xi32, #tpu.memory_space<vmem>> -> memref<80xi32, #tpu.memory_space<vmem>>
    %dma_wait3A_100 = arith.constant 0 : i32
    %dma_wait3A_101 = tpu.memref_slice %arg6[%dma_wait3A_100] : memref<320000xi32, #tpu.memory_space<hbm>> -> memref<80xi32, #tpu.memory_space<hbm>>
    tpu.wait_dma2 semaphore(%arg28 : memref<!tpu.dma_semaphore, #tpu.memory_space<semaphore_mem>>) src(%dma_wait3A_101 : memref<80xi32, #tpu.memory_space<hbm>>) dst(%dma_wait3A_99 : memref<80xi32, #tpu.memory_space<vmem>>)
    %dma_wait3A_102 = arith.constant 0 : i32
    %dma_wait3A_103 = arith.constant 0 : i32
    %dma_wait3A_104 = tpu.memref_slice %arg16[%dma_wait3A_102, %dma_wait3A_103] : memref<2x80xi32, #tpu.memory_space<vmem>> -> memref<1x80xi32, #tpu.memory_space<vmem>>
    %dma_wait3A_105 = tpu.memref_squeeze %dma_wait3A_104 : memref<1x80xi32, #tpu.memory_space<vmem>> -> memref<80xi32, #tpu.memory_space<vmem>>
    %dma_wait3A_106 = arith.constant 0 : i32
    %dma_wait3A_107 = tpu.memref_slice %arg7[%dma_wait3A_106] : memref<320000xi32, #tpu.memory_space<hbm>> -> memref<80xi32, #tpu.memory_space<hbm>>
    %dma_wait3A_108 = arith.constant 0 : i32
    %dma_wait3A_109 = tpu.memref_slice %arg16[%dma_wait3A_102, %dma_wait3A_108] : memref<2x80xi32, #tpu.memory_space<vmem>> -> memref<1x80xi32, #tpu.memory_space<vmem>>
    %dma_wait3A_110 = tpu.memref_squeeze %dma_wait3A_109 : memref<1x80xi32, #tpu.memory_space<vmem>> -> memref<80xi32, #tpu.memory_space<vmem>>
    %dma_wait3A_111 = arith.constant 0 : i32
    %dma_wait3A_112 = tpu.memref_slice %arg7[%dma_wait3A_111] : memref<320000xi32, #tpu.memory_space<hbm>> -> memref<80xi32, #tpu.memory_space<hbm>>
    tpu.wait_dma2 semaphore(%arg28 : memref<!tpu.dma_semaphore, #tpu.memory_space<semaphore_mem>>) src(%dma_wait3A_112 : memref<80xi32, #tpu.memory_space<hbm>>) dst(%dma_wait3A_110 : memref<80xi32, #tpu.memory_space<vmem>>)
    %dma_wait3A_113 = arith.constant 0 : i32
    %dma_wait3A_114 = arith.constant 0 : i32
    %dma_wait3A_115 = arith.constant 0 : i32
    %dma_wait3A_116 = tpu.memref_slice %arg18[%dma_wait3A_113, %dma_wait3A_114, %dma_wait3A_115] : memref<2x80x16xf32, #tpu.memory_space<vmem>> -> memref<1x80x16xf32, #tpu.memory_space<vmem>>
    %dma_wait3A_117 = tpu.memref_squeeze %dma_wait3A_116 : memref<1x80x16xf32, #tpu.memory_space<vmem>> -> memref<80x16xf32, #tpu.memory_space<vmem>>
    %dma_wait3A_118 = arith.constant 0 : i32
    %dma_wait3A_119 = arith.constant 0 : i32
    %dma_wait3A_120 = tpu.memref_slice %arg4[%dma_wait3A_118, %dma_wait3A_119] : memref<320000x16xf32, #tpu.memory_space<hbm>> -> memref<80x16xf32, #tpu.memory_space<hbm>>
    %dma_wait3A_121 = arith.constant 0 : i32
    %dma_wait3A_122 = arith.constant 0 : i32
    %dma_wait3A_123 = tpu.memref_slice %arg18[%dma_wait3A_113, %dma_wait3A_121, %dma_wait3A_122] : memref<2x80x16xf32, #tpu.memory_space<vmem>> -> memref<1x80x16xf32, #tpu.memory_space<vmem>>
    %dma_wait3A_124 = tpu.memref_squeeze %dma_wait3A_123 : memref<1x80x16xf32, #tpu.memory_space<vmem>> -> memref<80x16xf32, #tpu.memory_space<vmem>>
    %dma_wait3A_125 = arith.constant 0 : i32
    %dma_wait3A_126 = arith.constant 0 : i32
    %dma_wait3A_127 = tpu.memref_slice %arg4[%dma_wait3A_125, %dma_wait3A_126] : memref<320000x16xf32, #tpu.memory_space<hbm>> -> memref<80x16xf32, #tpu.memory_space<hbm>>
    tpu.wait_dma2 semaphore(%arg28 : memref<!tpu.dma_semaphore, #tpu.memory_space<semaphore_mem>>) src(%dma_wait3A_127 : memref<80x16xf32, #tpu.memory_space<hbm>>) dst(%dma_wait3A_124 : memref<80x16xf32, #tpu.memory_space<vmem>>)
    %dma_wait3A_128 = arith.constant 0 : i32
    %dma_wait3A_129 = arith.constant 0 : i32
    %dma_wait3A_130 = arith.constant 0 : i32
    %dma_wait3A_131 = tpu.memref_slice %arg19[%dma_wait3A_128, %dma_wait3A_129, %dma_wait3A_130] : memref<2x80x16xf32, #tpu.memory_space<vmem>> -> memref<1x80x16xf32, #tpu.memory_space<vmem>>
    %dma_wait3A_132 = tpu.memref_squeeze %dma_wait3A_131 : memref<1x80x16xf32, #tpu.memory_space<vmem>> -> memref<80x16xf32, #tpu.memory_space<vmem>>
    %dma_wait3A_133 = arith.constant 0 : i32
    %dma_wait3A_134 = arith.constant 0 : i32
    %dma_wait3A_135 = tpu.memref_slice %arg5[%dma_wait3A_133, %dma_wait3A_134] : memref<320000x16xf32, #tpu.memory_space<hbm>> -> memref<80x16xf32, #tpu.memory_space<hbm>>
    %dma_wait3A_136 = arith.constant 0 : i32
    %dma_wait3A_137 = arith.constant 0 : i32
    %dma_wait3A_138 = tpu.memref_slice %arg19[%dma_wait3A_128, %dma_wait3A_136, %dma_wait3A_137] : memref<2x80x16xf32, #tpu.memory_space<vmem>> -> memref<1x80x16xf32, #tpu.memory_space<vmem>>
    %dma_wait3A_139 = tpu.memref_squeeze %dma_wait3A_138 : memref<1x80x16xf32, #tpu.memory_space<vmem>> -> memref<80x16xf32, #tpu.memory_space<vmem>>
    %dma_wait3A_140 = arith.constant 0 : i32
    %dma_wait3A_141 = arith.constant 0 : i32
    %dma_wait3A_142 = tpu.memref_slice %arg5[%dma_wait3A_140, %dma_wait3A_141] : memref<320000x16xf32, #tpu.memory_space<hbm>> -> memref<80x16xf32, #tpu.memory_space<hbm>>
    tpu.wait_dma2 semaphore(%arg28 : memref<!tpu.dma_semaphore, #tpu.memory_space<semaphore_mem>>) src(%dma_wait3A_142 : memref<80x16xf32, #tpu.memory_space<hbm>>) dst(%dma_wait3A_139 : memref<80x16xf32, #tpu.memory_space<vmem>>)
    %dma_start3A_143 = arith.constant 0 : i32
    %dma_start3A_144 = arith.constant 0 : i32
    %dma_start3A_145 = arith.constant 0 : i32
    %dma_start3A_146 = arith.constant 0 : i32
    %dma_start3A_147 = tpu.memref_slice %arg20[%dma_start3A_144, %dma_start3A_145, %dma_start3A_146] : memref<2x80x16xf32, #tpu.memory_space<vmem>> -> memref<1x80x16xf32, #tpu.memory_space<vmem>>
    %dma_start3A_148 = tpu.memref_squeeze %dma_start3A_147 : memref<1x80x16xf32, #tpu.memory_space<vmem>> -> memref<80x16xf32, #tpu.memory_space<vmem>>
    %dma_start3A_149 = arith.constant 0 : i32
    %dma_start3A_150 = tpu.memref_slice %arg15[%dma_start3A_143, %dma_start3A_149] : memref<2x80xi32, #tpu.memory_space<vmem>> -> memref<1x80xi32, #tpu.memory_space<vmem>>
    %dma_start3A_151 = tpu.memref_squeeze %dma_start3A_150 : memref<1x80xi32, #tpu.memory_space<vmem>> -> memref<80xi32, #tpu.memory_space<vmem>>
    %dma_start3A_152 = arith.constant 0 : i32
    %dma_start3A_153 = arith.constant 0 : i32
    %dma_start3A_154 = tpu.memref_slice %arg2[%dma_start3A_152, %dma_start3A_153] : memref<10000x16xf32, #tpu.memory_space<hbm>> -> memref<10000x16xf32, #tpu.memory_space<hbm>>
    tpu.enqueue_indirect_dma source(%dma_start3A_154 : memref<10000x16xf32, #tpu.memory_space<hbm>>) target(%dma_start3A_148 : memref<80x16xf32, #tpu.memory_space<vmem>>) offsets(%dma_start3A_151 : memref<80xi32, #tpu.memory_space<vmem>>) semaphore(%arg29 : memref<!tpu.dma_semaphore, #tpu.memory_space<semaphore_mem>>)
    %dma_start3A_155 = arith.constant 0 : i32
    %dma_start3A_156 = arith.constant 0 : i32
    %dma_start3A_157 = arith.constant 0 : i32
    %dma_start3A_158 = arith.constant 0 : i32
    %dma_start3A_159 = tpu.memref_slice %arg21[%dma_start3A_156, %dma_start3A_157, %dma_start3A_158] : memref<2x80x16xf32, #tpu.memory_space<vmem>> -> memref<1x80x16xf32, #tpu.memory_space<vmem>>
    %dma_start3A_160 = tpu.memref_squeeze %dma_start3A_159 : memref<1x80x16xf32, #tpu.memory_space<vmem>> -> memref<80x16xf32, #tpu.memory_space<vmem>>
    %dma_start3A_161 = arith.constant 0 : i32
    %dma_start3A_162 = tpu.memref_slice %arg16[%dma_start3A_155, %dma_start3A_161] : memref<2x80xi32, #tpu.memory_space<vmem>> -> memref<1x80xi32, #tpu.memory_space<vmem>>
    %dma_start3A_163 = tpu.memref_squeeze %dma_start3A_162 : memref<1x80xi32, #tpu.memory_space<vmem>> -> memref<80xi32, #tpu.memory_space<vmem>>
    %dma_start3A_164 = arith.constant 0 : i32
    %dma_start3A_165 = arith.constant 0 : i32
    %dma_start3A_166 = tpu.memref_slice %arg3[%dma_start3A_164, %dma_start3A_165] : memref<10000x16xf32, #tpu.memory_space<hbm>> -> memref<10000x16xf32, #tpu.memory_space<hbm>>
    tpu.enqueue_indirect_dma source(%dma_start3A_166 : memref<10000x16xf32, #tpu.memory_space<hbm>>) target(%dma_start3A_160 : memref<80x16xf32, #tpu.memory_space<vmem>>) offsets(%dma_start3A_163 : memref<80xi32, #tpu.memory_space<vmem>>) semaphore(%arg30 : memref<!tpu.dma_semaphore, #tpu.memory_space<semaphore_mem>>)
    %add3A_167 = arith.constant 80 : i32
    %add3A_168 = arith.addi %mul3A_44, %add3A_167 : i32
    %dma_start3A_169 = arith.constant 1 : i32
    %dma_start3A_170 = arith.constant 0 : i32
    %dma_start3A_171 = tpu.memref_slice %arg15[%dma_start3A_169, %dma_start3A_170] : memref<2x80xi32, #tpu.memory_space<vmem>> -> memref<1x80xi32, #tpu.memory_space<vmem>>
    %dma_start3A_172 = tpu.memref_squeeze %dma_start3A_171 : memref<1x80xi32, #tpu.memory_space<vmem>> -> memref<80xi32, #tpu.memory_space<vmem>>
    %dma_start3A_173 = tpu.memref_slice %arg6[%add3A_168] : memref<320000xi32, #tpu.memory_space<hbm>> -> memref<80xi32, #tpu.memory_space<hbm>>
    %dma_start3A_174 = arith.constant 0 : i32
    %dma_start3A_175 = tpu.memref_slice %arg15[%dma_start3A_169, %dma_start3A_174] : memref<2x80xi32, #tpu.memory_space<vmem>> -> memref<1x80xi32, #tpu.memory_space<vmem>>
    %dma_start3A_176 = tpu.memref_squeeze %dma_start3A_175 : memref<1x80xi32, #tpu.memory_space<vmem>> -> memref<80xi32, #tpu.memory_space<vmem>>
    %dma_start3A_177 = tpu.memref_slice %arg6[%add3A_168] : memref<320000xi32, #tpu.memory_space<hbm>> -> memref<80xi32, #tpu.memory_space<hbm>>
    tpu.enqueue_dma source(%dma_start3A_177 : memref<80xi32, #tpu.memory_space<hbm>>) target(%dma_start3A_176 : memref<80xi32, #tpu.memory_space<vmem>>) target_semaphore(%arg28 : memref<!tpu.dma_semaphore, #tpu.memory_space<semaphore_mem>>)
    %dma_start3A_178 = arith.constant 1 : i32
    %dma_start3A_179 = arith.constant 0 : i32
    %dma_start3A_180 = tpu.memref_slice %arg16[%dma_start3A_178, %dma_start3A_179] : memref<2x80xi32, #tpu.memory_space<vmem>> -> memref<1x80xi32, #tpu.memory_space<vmem>>
    %dma_start3A_181 = tpu.memref_squeeze %dma_start3A_180 : memref<1x80xi32, #tpu.memory_space<vmem>> -> memref<80xi32, #tpu.memory_space<vmem>>
    %dma_start3A_182 = tpu.memref_slice %arg7[%add3A_168] : memref<320000xi32, #tpu.memory_space<hbm>> -> memref<80xi32, #tpu.memory_space<hbm>>
    %dma_start3A_183 = arith.constant 0 : i32
    %dma_start3A_184 = tpu.memref_slice %arg16[%dma_start3A_178, %dma_start3A_183] : memref<2x80xi32, #tpu.memory_space<vmem>> -> memref<1x80xi32, #tpu.memory_space<vmem>>
    %dma_start3A_185 = tpu.memref_squeeze %dma_start3A_184 : memref<1x80xi32, #tpu.memory_space<vmem>> -> memref<80xi32, #tpu.memory_space<vmem>>
    %dma_start3A_186 = tpu.memref_slice %arg7[%add3A_168] : memref<320000xi32, #tpu.memory_space<hbm>> -> memref<80xi32, #tpu.memory_space<hbm>>
    tpu.enqueue_dma source(%dma_start3A_186 : memref<80xi32, #tpu.memory_space<hbm>>) target(%dma_start3A_185 : memref<80xi32, #tpu.memory_space<vmem>>) target_semaphore(%arg28 : memref<!tpu.dma_semaphore, #tpu.memory_space<semaphore_mem>>)
    %dma_start3A_187 = arith.constant 1 : i32
    %dma_start3A_188 = arith.constant 0 : i32
    %dma_start3A_189 = arith.constant 0 : i32
    %dma_start3A_190 = tpu.memref_slice %arg18[%dma_start3A_187, %dma_start3A_188, %dma_start3A_189] : memref<2x80x16xf32, #tpu.memory_space<vmem>> -> memref<1x80x16xf32, #tpu.memory_space<vmem>>
    %dma_start3A_191 = tpu.memref_squeeze %dma_start3A_190 : memref<1x80x16xf32, #tpu.memory_space<vmem>> -> memref<80x16xf32, #tpu.memory_space<vmem>>
    %dma_start3A_192 = arith.constant 0 : i32
    %dma_start3A_193 = tpu.memref_slice %arg4[%add3A_168, %dma_start3A_192] : memref<320000x16xf32, #tpu.memory_space<hbm>> -> memref<80x16xf32, #tpu.memory_space<hbm>>
    %dma_start3A_194 = arith.constant 0 : i32
    %dma_start3A_195 = arith.constant 0 : i32
    %dma_start3A_196 = tpu.memref_slice %arg18[%dma_start3A_187, %dma_start3A_194, %dma_start3A_195] : memref<2x80x16xf32, #tpu.memory_space<vmem>> -> memref<1x80x16xf32, #tpu.memory_space<vmem>>
    %dma_start3A_197 = tpu.memref_squeeze %dma_start3A_196 : memref<1x80x16xf32, #tpu.memory_space<vmem>> -> memref<80x16xf32, #tpu.memory_space<vmem>>
    %dma_start3A_198 = arith.constant 0 : i32
    %dma_start3A_199 = tpu.memref_slice %arg4[%add3A_168, %dma_start3A_198] : memref<320000x16xf32, #tpu.memory_space<hbm>> -> memref<80x16xf32, #tpu.memory_space<hbm>>
    tpu.enqueue_dma source(%dma_start3A_199 : memref<80x16xf32, #tpu.memory_space<hbm>>) target(%dma_start3A_197 : memref<80x16xf32, #tpu.memory_space<vmem>>) target_semaphore(%arg28 : memref<!tpu.dma_semaphore, #tpu.memory_space<semaphore_mem>>)
    %dma_start3A_200 = arith.constant 1 : i32
    %dma_start3A_201 = arith.constant 0 : i32
    %dma_start3A_202 = arith.constant 0 : i32
    %dma_start3A_203 = tpu.memref_slice %arg19[%dma_start3A_200, %dma_start3A_201, %dma_start3A_202] : memref<2x80x16xf32, #tpu.memory_space<vmem>> -> memref<1x80x16xf32, #tpu.memory_space<vmem>>
    %dma_start3A_204 = tpu.memref_squeeze %dma_start3A_203 : memref<1x80x16xf32, #tpu.memory_space<vmem>> -> memref<80x16xf32, #tpu.memory_space<vmem>>
    %dma_start3A_205 = arith.constant 0 : i32
    %dma_start3A_206 = tpu.memref_slice %arg5[%add3A_168, %dma_start3A_205] : memref<320000x16xf32, #tpu.memory_space<hbm>> -> memref<80x16xf32, #tpu.memory_space<hbm>>
    %dma_start3A_207 = arith.constant 0 : i32
    %dma_start3A_208 = arith.constant 0 : i32
    %dma_start3A_209 = tpu.memref_slice %arg19[%dma_start3A_200, %dma_start3A_207, %dma_start3A_208] : memref<2x80x16xf32, #tpu.memory_space<vmem>> -> memref<1x80x16xf32, #tpu.memory_space<vmem>>
    %dma_start3A_210 = tpu.memref_squeeze %dma_start3A_209 : memref<1x80x16xf32, #tpu.memory_space<vmem>> -> memref<80x16xf32, #tpu.memory_space<vmem>>
    %dma_start3A_211 = arith.constant 0 : i32
    %dma_start3A_212 = tpu.memref_slice %arg5[%add3A_168, %dma_start3A_211] : memref<320000x16xf32, #tpu.memory_space<hbm>> -> memref<80x16xf32, #tpu.memory_space<hbm>>
    tpu.enqueue_dma source(%dma_start3A_212 : memref<80x16xf32, #tpu.memory_space<hbm>>) target(%dma_start3A_210 : memref<80x16xf32, #tpu.memory_space<vmem>>) target_semaphore(%arg28 : memref<!tpu.dma_semaphore, #tpu.memory_space<semaphore_mem>>)
    %scan3A = arith.constant 0 : i32
    %scan3A_213 = arith.constant 0 : i32
    %scan3A_214 = arith.constant 62 : i32
    %scan3A_215 = arith.addi %scan3A_213, %scan3A_214 : i32
    %scan3A_216 = arith.constant 1 : i32
    scf.for %scan3A_429 = %scan3A_213 to %scan3A_215 step %scan3A_216  : i32 {
      %mul3A_430 = arith.constant 2 : i32
      %mul3A_431 = arith.muli %mul3A_430, %scan3A_429 : i32
      %dma_wait3A_432 = arith.constant 0 : i32
      %dma_wait3A_433 = arith.constant 0 : i32
      %dma_wait3A_434 = arith.constant 0 : i32
      %dma_wait3A_435 = arith.constant 0 : i32
      %dma_wait3A_436 = tpu.memref_slice %arg20[%dma_wait3A_433, %dma_wait3A_434, %dma_wait3A_435] : memref<2x80x16xf32, #tpu.memory_space<vmem>> -> memref<1x80x16xf32, #tpu.memory_space<vmem>>
      %dma_wait3A_437 = tpu.memref_squeeze %dma_wait3A_436 : memref<1x80x16xf32, #tpu.memory_space<vmem>> -> memref<80x16xf32, #tpu.memory_space<vmem>>
      %dma_wait3A_438 = arith.constant 0 : i32
      %dma_wait3A_439 = tpu.memref_slice %arg15[%dma_wait3A_432, %dma_wait3A_438] : memref<2x80xi32, #tpu.memory_space<vmem>> -> memref<1x80xi32, #tpu.memory_space<vmem>>
      %dma_wait3A_440 = tpu.memref_squeeze %dma_wait3A_439 : memref<1x80xi32, #tpu.memory_space<vmem>> -> memref<80xi32, #tpu.memory_space<vmem>>
      %dma_wait3A_441 = arith.constant 0 : i32
      %dma_wait3A_442 = arith.constant 0 : i32
      %dma_wait3A_443 = tpu.memref_slice %arg2[%dma_wait3A_441, %dma_wait3A_442] : memref<10000x16xf32, #tpu.memory_space<hbm>> -> memref<10000x16xf32, #tpu.memory_space<hbm>>
      tpu.wait_indirect_dma semaphore(%arg29 : memref<!tpu.dma_semaphore, #tpu.memory_space<semaphore_mem>>) src(%dma_wait3A_443 : memref<10000x16xf32, #tpu.memory_space<hbm>>) dst(%dma_wait3A_437 : memref<80x16xf32, #tpu.memory_space<vmem>>)
      %dma_wait3A_444 = arith.constant 0 : i32
      %dma_wait3A_445 = arith.constant 0 : i32
      %dma_wait3A_446 = arith.constant 0 : i32
      %dma_wait3A_447 = arith.constant 0 : i32
      %dma_wait3A_448 = tpu.memref_slice %arg21[%dma_wait3A_445, %dma_wait3A_446, %dma_wait3A_447] : memref<2x80x16xf32, #tpu.memory_space<vmem>> -> memref<1x80x16xf32, #tpu.memory_space<vmem>>
      %dma_wait3A_449 = tpu.memref_squeeze %dma_wait3A_448 : memref<1x80x16xf32, #tpu.memory_space<vmem>> -> memref<80x16xf32, #tpu.memory_space<vmem>>
      %dma_wait3A_450 = arith.constant 0 : i32
      %dma_wait3A_451 = tpu.memref_slice %arg16[%dma_wait3A_444, %dma_wait3A_450] : memref<2x80xi32, #tpu.memory_space<vmem>> -> memref<1x80xi32, #tpu.memory_space<vmem>>
      %dma_wait3A_452 = tpu.memref_squeeze %dma_wait3A_451 : memref<1x80xi32, #tpu.memory_space<vmem>> -> memref<80xi32, #tpu.memory_space<vmem>>
      %dma_wait3A_453 = arith.constant 0 : i32
      %dma_wait3A_454 = arith.constant 0 : i32
      %dma_wait3A_455 = tpu.memref_slice %arg3[%dma_wait3A_453, %dma_wait3A_454] : memref<10000x16xf32, #tpu.memory_space<hbm>> -> memref<10000x16xf32, #tpu.memory_space<hbm>>
      tpu.wait_indirect_dma semaphore(%arg30 : memref<!tpu.dma_semaphore, #tpu.memory_space<semaphore_mem>>) src(%dma_wait3A_455 : memref<10000x16xf32, #tpu.memory_space<hbm>>) dst(%dma_wait3A_449 : memref<80x16xf32, #tpu.memory_space<vmem>>)
      %add3A_456 = arith.constant 1 : i32
      %add3A_457 = arith.addi %mul3A_431, %add3A_456 : i32
      %lt3A_458 = arith.constant 125 : i32
      %lt3A_459 = arith.cmpi slt, %add3A_457, %lt3A_458 : i32
      %convert_element_type3A = arith.extui %lt3A_459 : i1 to i32
      %cond3A = arith.constant 0 : i32
      %cond3A_460 = arith.cmpi ne, %convert_element_type3A, %cond3A : i32
      scf.if %cond3A_460 {
        %dma_wait3A_751 = arith.constant 1 : i32
        %dma_wait3A_752 = arith.constant 0 : i32
        %dma_wait3A_753 = tpu.memref_slice %arg15[%dma_wait3A_751, %dma_wait3A_752] : memref<2x80xi32, #tpu.memory_space<vmem>> -> memref<1x80xi32, #tpu.memory_space<vmem>>
        %dma_wait3A_754 = tpu.memref_squeeze %dma_wait3A_753 : memref<1x80xi32, #tpu.memory_space<vmem>> -> memref<80xi32, #tpu.memory_space<vmem>>
        %dma_wait3A_755 = arith.constant 0 : i32
        %dma_wait3A_756 = tpu.memref_slice %arg6[%dma_wait3A_755] : memref<320000xi32, #tpu.memory_space<hbm>> -> memref<80xi32, #tpu.memory_space<hbm>>
        %dma_wait3A_757 = arith.constant 0 : i32
        %dma_wait3A_758 = tpu.memref_slice %arg15[%dma_wait3A_751, %dma_wait3A_757] : memref<2x80xi32, #tpu.memory_space<vmem>> -> memref<1x80xi32, #tpu.memory_space<vmem>>
        %dma_wait3A_759 = tpu.memref_squeeze %dma_wait3A_758 : memref<1x80xi32, #tpu.memory_space<vmem>> -> memref<80xi32, #tpu.memory_space<vmem>>
        %dma_wait3A_760 = arith.constant 0 : i32
        %dma_wait3A_761 = tpu.memref_slice %arg6[%dma_wait3A_760] : memref<320000xi32, #tpu.memory_space<hbm>> -> memref<80xi32, #tpu.memory_space<hbm>>
        tpu.wait_dma2 semaphore(%arg28 : memref<!tpu.dma_semaphore, #tpu.memory_space<semaphore_mem>>) src(%dma_wait3A_761 : memref<80xi32, #tpu.memory_space<hbm>>) dst(%dma_wait3A_759 : memref<80xi32, #tpu.memory_space<vmem>>)
        %dma_wait3A_762 = arith.constant 1 : i32
        %dma_wait3A_763 = arith.constant 0 : i32
        %dma_wait3A_764 = tpu.memref_slice %arg16[%dma_wait3A_762, %dma_wait3A_763] : memref<2x80xi32, #tpu.memory_space<vmem>> -> memref<1x80xi32, #tpu.memory_space<vmem>>
        %dma_wait3A_765 = tpu.memref_squeeze %dma_wait3A_764 : memref<1x80xi32, #tpu.memory_space<vmem>> -> memref<80xi32, #tpu.memory_space<vmem>>
        %dma_wait3A_766 = arith.constant 0 : i32
        %dma_wait3A_767 = tpu.memref_slice %arg7[%dma_wait3A_766] : memref<320000xi32, #tpu.memory_space<hbm>> -> memref<80xi32, #tpu.memory_space<hbm>>
        %dma_wait3A_768 = arith.constant 0 : i32
        %dma_wait3A_769 = tpu.memref_slice %arg16[%dma_wait3A_762, %dma_wait3A_768] : memref<2x80xi32, #tpu.memory_space<vmem>> -> memref<1x80xi32, #tpu.memory_space<vmem>>
        %dma_wait3A_770 = tpu.memref_squeeze %dma_wait3A_769 : memref<1x80xi32, #tpu.memory_space<vmem>> -> memref<80xi32, #tpu.memory_space<vmem>>
        %dma_wait3A_771 = arith.constant 0 : i32
        %dma_wait3A_772 = tpu.memref_slice %arg7[%dma_wait3A_771] : memref<320000xi32, #tpu.memory_space<hbm>> -> memref<80xi32, #tpu.memory_space<hbm>>
        tpu.wait_dma2 semaphore(%arg28 : memref<!tpu.dma_semaphore, #tpu.memory_space<semaphore_mem>>) src(%dma_wait3A_772 : memref<80xi32, #tpu.memory_space<hbm>>) dst(%dma_wait3A_770 : memref<80xi32, #tpu.memory_space<vmem>>)
        %dma_wait3A_773 = arith.constant 1 : i32
        %dma_wait3A_774 = arith.constant 0 : i32
        %dma_wait3A_775 = arith.constant 0 : i32
        %dma_wait3A_776 = tpu.memref_slice %arg18[%dma_wait3A_773, %dma_wait3A_774, %dma_wait3A_775] : memref<2x80x16xf32, #tpu.memory_space<vmem>> -> memref<1x80x16xf32, #tpu.memory_space<vmem>>
        %dma_wait3A_777 = tpu.memref_squeeze %dma_wait3A_776 : memref<1x80x16xf32, #tpu.memory_space<vmem>> -> memref<80x16xf32, #tpu.memory_space<vmem>>
        %dma_wait3A_778 = arith.constant 0 : i32
        %dma_wait3A_779 = arith.constant 0 : i32
        %dma_wait3A_780 = tpu.memref_slice %arg4[%dma_wait3A_778, %dma_wait3A_779] : memref<320000x16xf32, #tpu.memory_space<hbm>> -> memref<80x16xf32, #tpu.memory_space<hbm>>
        %dma_wait3A_781 = arith.constant 0 : i32
        %dma_wait3A_782 = arith.constant 0 : i32
        %dma_wait3A_783 = tpu.memref_slice %arg18[%dma_wait3A_773, %dma_wait3A_781, %dma_wait3A_782] : memref<2x80x16xf32, #tpu.memory_space<vmem>> -> memref<1x80x16xf32, #tpu.memory_space<vmem>>
        %dma_wait3A_784 = tpu.memref_squeeze %dma_wait3A_783 : memref<1x80x16xf32, #tpu.memory_space<vmem>> -> memref<80x16xf32, #tpu.memory_space<vmem>>
        %dma_wait3A_785 = arith.constant 0 : i32
        %dma_wait3A_786 = arith.constant 0 : i32
        %dma_wait3A_787 = tpu.memref_slice %arg4[%dma_wait3A_785, %dma_wait3A_786] : memref<320000x16xf32, #tpu.memory_space<hbm>> -> memref<80x16xf32, #tpu.memory_space<hbm>>
        tpu.wait_dma2 semaphore(%arg28 : memref<!tpu.dma_semaphore, #tpu.memory_space<semaphore_mem>>) src(%dma_wait3A_787 : memref<80x16xf32, #tpu.memory_space<hbm>>) dst(%dma_wait3A_784 : memref<80x16xf32, #tpu.memory_space<vmem>>)
        %dma_wait3A_788 = arith.constant 1 : i32
        %dma_wait3A_789 = arith.constant 0 : i32
        %dma_wait3A_790 = arith.constant 0 : i32
        %dma_wait3A_791 = tpu.memref_slice %arg19[%dma_wait3A_788, %dma_wait3A_789, %dma_wait3A_790] : memref<2x80x16xf32, #tpu.memory_space<vmem>> -> memref<1x80x16xf32, #tpu.memory_space<vmem>>
        %dma_wait3A_792 = tpu.memref_squeeze %dma_wait3A_791 : memref<1x80x16xf32, #tpu.memory_space<vmem>> -> memref<80x16xf32, #tpu.memory_space<vmem>>
        %dma_wait3A_793 = arith.constant 0 : i32
        %dma_wait3A_794 = arith.constant 0 : i32
        %dma_wait3A_795 = tpu.memref_slice %arg5[%dma_wait3A_793, %dma_wait3A_794] : memref<320000x16xf32, #tpu.memory_space<hbm>> -> memref<80x16xf32, #tpu.memory_space<hbm>>
        %dma_wait3A_796 = arith.constant 0 : i32
        %dma_wait3A_797 = arith.constant 0 : i32
        %dma_wait3A_798 = tpu.memref_slice %arg19[%dma_wait3A_788, %dma_wait3A_796, %dma_wait3A_797] : memref<2x80x16xf32, #tpu.memory_space<vmem>> -> memref<1x80x16xf32, #tpu.memory_space<vmem>>
        %dma_wait3A_799 = tpu.memref_squeeze %dma_wait3A_798 : memref<1x80x16xf32, #tpu.memory_space<vmem>> -> memref<80x16xf32, #tpu.memory_space<vmem>>
        %dma_wait3A_800 = arith.constant 0 : i32
        %dma_wait3A_801 = arith.constant 0 : i32
        %dma_wait3A_802 = tpu.memref_slice %arg5[%dma_wait3A_800, %dma_wait3A_801] : memref<320000x16xf32, #tpu.memory_space<hbm>> -> memref<80x16xf32, #tpu.memory_space<hbm>>
        tpu.wait_dma2 semaphore(%arg28 : memref<!tpu.dma_semaphore, #tpu.memory_space<semaphore_mem>>) src(%dma_wait3A_802 : memref<80x16xf32, #tpu.memory_space<hbm>>) dst(%dma_wait3A_799 : memref<80x16xf32, #tpu.memory_space<vmem>>)
        %dma_start3A_803 = arith.constant 1 : i32
        %dma_start3A_804 = arith.constant 1 : i32
        %dma_start3A_805 = arith.constant 0 : i32
        %dma_start3A_806 = arith.constant 0 : i32
        %dma_start3A_807 = tpu.memref_slice %arg20[%dma_start3A_804, %dma_start3A_805, %dma_start3A_806] : memref<2x80x16xf32, #tpu.memory_space<vmem>> -> memref<1x80x16xf32, #tpu.memory_space<vmem>>
        %dma_start3A_808 = tpu.memref_squeeze %dma_start3A_807 : memref<1x80x16xf32, #tpu.memory_space<vmem>> -> memref<80x16xf32, #tpu.memory_space<vmem>>
        %dma_start3A_809 = arith.constant 0 : i32
        %dma_start3A_810 = tpu.memref_slice %arg15[%dma_start3A_803, %dma_start3A_809] : memref<2x80xi32, #tpu.memory_space<vmem>> -> memref<1x80xi32, #tpu.memory_space<vmem>>
        %dma_start3A_811 = tpu.memref_squeeze %dma_start3A_810 : memref<1x80xi32, #tpu.memory_space<vmem>> -> memref<80xi32, #tpu.memory_space<vmem>>
        %dma_start3A_812 = arith.constant 0 : i32
        %dma_start3A_813 = arith.constant 0 : i32
        %dma_start3A_814 = tpu.memref_slice %arg2[%dma_start3A_812, %dma_start3A_813] : memref<10000x16xf32, #tpu.memory_space<hbm>> -> memref<10000x16xf32, #tpu.memory_space<hbm>>
        tpu.enqueue_indirect_dma source(%dma_start3A_814 : memref<10000x16xf32, #tpu.memory_space<hbm>>) target(%dma_start3A_808 : memref<80x16xf32, #tpu.memory_space<vmem>>) offsets(%dma_start3A_811 : memref<80xi32, #tpu.memory_space<vmem>>) semaphore(%arg29 : memref<!tpu.dma_semaphore, #tpu.memory_space<semaphore_mem>>)
        %dma_start3A_815 = arith.constant 1 : i32
        %dma_start3A_816 = arith.constant 1 : i32
        %dma_start3A_817 = arith.constant 0 : i32
        %dma_start3A_818 = arith.constant 0 : i32
        %dma_start3A_819 = tpu.memref_slice %arg21[%dma_start3A_816, %dma_start3A_817, %dma_start3A_818] : memref<2x80x16xf32, #tpu.memory_space<vmem>> -> memref<1x80x16xf32, #tpu.memory_space<vmem>>
        %dma_start3A_820 = tpu.memref_squeeze %dma_start3A_819 : memref<1x80x16xf32, #tpu.memory_space<vmem>> -> memref<80x16xf32, #tpu.memory_space<vmem>>
        %dma_start3A_821 = arith.constant 0 : i32
        %dma_start3A_822 = tpu.memref_slice %arg16[%dma_start3A_815, %dma_start3A_821] : memref<2x80xi32, #tpu.memory_space<vmem>> -> memref<1x80xi32, #tpu.memory_space<vmem>>
        %dma_start3A_823 = tpu.memref_squeeze %dma_start3A_822 : memref<1x80xi32, #tpu.memory_space<vmem>> -> memref<80xi32, #tpu.memory_space<vmem>>
        %dma_start3A_824 = arith.constant 0 : i32
        %dma_start3A_825 = arith.constant 0 : i32
        %dma_start3A_826 = tpu.memref_slice %arg3[%dma_start3A_824, %dma_start3A_825] : memref<10000x16xf32, #tpu.memory_space<hbm>> -> memref<10000x16xf32, #tpu.memory_space<hbm>>
        tpu.enqueue_indirect_dma source(%dma_start3A_826 : memref<10000x16xf32, #tpu.memory_space<hbm>>) target(%dma_start3A_820 : memref<80x16xf32, #tpu.memory_space<vmem>>) offsets(%dma_start3A_823 : memref<80xi32, #tpu.memory_space<vmem>>) semaphore(%arg30 : memref<!tpu.dma_semaphore, #tpu.memory_space<semaphore_mem>>)
      } else {
      }
      %ge3A = arith.constant 2 : i32
      %ge3A_461 = arith.cmpi sge, %mul3A_431, %ge3A : i32
      %convert_element_type3A_462 = arith.extui %ge3A_461 : i1 to i32
      %cond3A_463 = arith.constant 0 : i32
      %cond3A_464 = arith.cmpi ne, %convert_element_type3A_462, %cond3A_463 : i32
      scf.if %cond3A_464 {
        %dma_wait3A_751 = arith.constant 0 : i32
        %dma_wait3A_752 = arith.constant 0 : i32
        %dma_wait3A_753 = arith.constant 0 : i32
        %dma_wait3A_754 = arith.constant 0 : i32
        %dma_wait3A_755 = tpu.memref_slice %arg23[%dma_wait3A_751, %dma_wait3A_753, %dma_wait3A_754] : memref<2x80x128xf32, #tpu.memory_space<vmem>> -> memref<1x80x128xf32, #tpu.memory_space<vmem>>
        %dma_wait3A_756 = tpu.memref_squeeze %dma_wait3A_755 : memref<1x80x128xf32, #tpu.memory_space<vmem>> -> memref<80x128xf32, #tpu.memory_space<vmem>>
        %dma_wait3A_757 = arith.constant 0 : i32
        %dma_wait3A_758 = tpu.memref_slice %arg17[%dma_wait3A_752, %dma_wait3A_757] : memref<2x80xi32, #tpu.memory_space<vmem>> -> memref<1x80xi32, #tpu.memory_space<vmem>>
        %dma_wait3A_759 = tpu.memref_squeeze %dma_wait3A_758 : memref<1x80xi32, #tpu.memory_space<vmem>> -> memref<80xi32, #tpu.memory_space<vmem>>
        %dma_wait3A_760 = arith.constant 0 : i32
        %dma_wait3A_761 = arith.constant 0 : i32
        %dma_wait3A_762 = tpu.memref_slice %arg26[%dma_wait3A_760, %dma_wait3A_761] : memref<10240x128xf32, #tpu.memory_space<vmem_shared>> -> memref<10240x128xf32, #tpu.memory_space<vmem_shared>>
        tpu.wait_indirect_dma semaphore(%arg31 : memref<!tpu.dma_semaphore, #tpu.memory_space<semaphore_mem>>) src(%dma_wait3A_756 : memref<80x128xf32, #tpu.memory_space<vmem>>) dst(%dma_wait3A_762 : memref<10240x128xf32, #tpu.memory_space<vmem_shared>>)
        %dma_wait3A_763 = arith.constant 0 : i32
        %dma_wait3A_764 = arith.constant 0 : i32
        %dma_wait3A_765 = arith.constant 0 : i32
        %dma_wait3A_766 = arith.constant 0 : i32
        %dma_wait3A_767 = tpu.memref_slice %arg22[%dma_wait3A_763, %dma_wait3A_765, %dma_wait3A_766] : memref<2x80x16xf32, #tpu.memory_space<vmem>> -> memref<1x80x16xf32, #tpu.memory_space<vmem>>
        %dma_wait3A_768 = tpu.memref_squeeze %dma_wait3A_767 : memref<1x80x16xf32, #tpu.memory_space<vmem>> -> memref<80x16xf32, #tpu.memory_space<vmem>>
        %dma_wait3A_769 = arith.constant 0 : i32
        %dma_wait3A_770 = tpu.memref_slice %arg17[%dma_wait3A_764, %dma_wait3A_769] : memref<2x80xi32, #tpu.memory_space<vmem>> -> memref<1x80xi32, #tpu.memory_space<vmem>>
        %dma_wait3A_771 = tpu.memref_squeeze %dma_wait3A_770 : memref<1x80xi32, #tpu.memory_space<vmem>> -> memref<80xi32, #tpu.memory_space<vmem>>
        %dma_wait3A_772 = arith.constant 0 : i32
        %dma_wait3A_773 = arith.constant 0 : i32
        %dma_wait3A_774 = tpu.memref_slice %arg27[%dma_wait3A_772, %dma_wait3A_773] : memref<10240x16xf32, #tpu.memory_space<vmem_shared>> -> memref<10240x16xf32, #tpu.memory_space<vmem_shared>>
        tpu.wait_indirect_dma semaphore(%arg32 : memref<!tpu.dma_semaphore, #tpu.memory_space<semaphore_mem>>) src(%dma_wait3A_768 : memref<80x16xf32, #tpu.memory_space<vmem>>) dst(%dma_wait3A_774 : memref<10240x16xf32, #tpu.memory_space<vmem_shared>>)
      } else {
      }
      %get3A_465 = arith.constant 0 : i32
      %get3A_466 = arith.constant 0 : i32
      %get3A_467 = tpu.memref_slice %arg16[%get3A_465, %get3A_466] : memref<2x80xi32, #tpu.memory_space<vmem>> -> memref<1x80xi32, #tpu.memory_space<vmem>>
      %get3A_468 = tpu.memref_squeeze %get3A_467 : memref<1x80xi32, #tpu.memory_space<vmem>> -> memref<80xi32, #tpu.memory_space<vmem>>
      %get3A_469 = arith.constant 0 : index
      %get3A_470 = tpu.vector_load %get3A_468[%get3A_469] {strides = array<i32>} : memref<80xi32, #tpu.memory_space<vmem>>, vector<16xi32>,
      %get3A_471 = vector.shape_cast %get3A_470 : vector<16xi32> to vector<16xi32>
      %swap3A_472 = arith.constant 0 : i32
      %swap3A_473 = arith.constant 0 : i32
      %swap3A_474 = tpu.memref_slice %arg17[%swap3A_472, %swap3A_473] : memref<2x80xi32, #tpu.memory_space<vmem>> -> memref<1x80xi32, #tpu.memory_space<vmem>>
      %swap3A_475 = tpu.memref_squeeze %swap3A_474 : memref<1x80xi32, #tpu.memory_space<vmem>> -> memref<80xi32, #tpu.memory_space<vmem>>
      %swap3A_476 = arith.constant 0 : index
      %swap3A_477 = tpu.vector_load %swap3A_475[%swap3A_476] {strides = array<i32>} : memref<80xi32, #tpu.memory_space<vmem>>, vector<16xi32>,
      %swap3A_478 = vector.shape_cast %swap3A_477 : vector<16xi32> to vector<16xi32>
      %swap3A_479 = vector.shape_cast %get3A_471 : vector<16xi32> to vector<16xi32>
      tpu.vector_store %swap3A_475[%swap3A_476], %swap3A_479 {strides = array<i32>} : memref<80xi32, #tpu.memory_space<vmem>>, vector<16xi32>,
      %get3A_480 = arith.constant 0 : i32
      %get3A_481 = arith.constant 0 : i32
      %get3A_482 = tpu.memref_slice %arg16[%get3A_480, %get3A_481] : memref<2x80xi32, #tpu.memory_space<vmem>> -> memref<1x80xi32, #tpu.memory_space<vmem>>
      %get3A_483 = tpu.memref_squeeze %get3A_482 : memref<1x80xi32, #tpu.memory_space<vmem>> -> memref<80xi32, #tpu.memory_space<vmem>>
      %get3A_484 = arith.constant 16 : index
      %get3A_485 = tpu.vector_load %get3A_483[%get3A_484] {strides = array<i32>} : memref<80xi32, #tpu.memory_space<vmem>>, vector<16xi32>,
      %get3A_486 = vector.shape_cast %get3A_485 : vector<16xi32> to vector<16xi32>
      %swap3A_487 = arith.constant 0 : i32
      %swap3A_488 = arith.constant 0 : i32
      %swap3A_489 = tpu.memref_slice %arg17[%swap3A_487, %swap3A_488] : memref<2x80xi32, #tpu.memory_space<vmem>> -> memref<1x80xi32, #tpu.memory_space<vmem>>
      %swap3A_490 = tpu.memref_squeeze %swap3A_489 : memref<1x80xi32, #tpu.memory_space<vmem>> -> memref<80xi32, #tpu.memory_space<vmem>>
      %swap3A_491 = arith.constant 16 : index
      %swap3A_492 = tpu.vector_load %swap3A_490[%swap3A_491] {strides = array<i32>} : memref<80xi32, #tpu.memory_space<vmem>>, vector<16xi32>,
      %swap3A_493 = vector.shape_cast %swap3A_492 : vector<16xi32> to vector<16xi32>
      %swap3A_494 = vector.shape_cast %get3A_486 : vector<16xi32> to vector<16xi32>
      tpu.vector_store %swap3A_490[%swap3A_491], %swap3A_494 {strides = array<i32>} : memref<80xi32, #tpu.memory_space<vmem>>, vector<16xi32>,
      %get3A_495 = arith.constant 0 : i32
      %get3A_496 = arith.constant 0 : i32
      %get3A_497 = tpu.memref_slice %arg16[%get3A_495, %get3A_496] : memref<2x80xi32, #tpu.memory_space<vmem>> -> memref<1x80xi32, #tpu.memory_space<vmem>>
      %get3A_498 = tpu.memref_squeeze %get3A_497 : memref<1x80xi32, #tpu.memory_space<vmem>> -> memref<80xi32, #tpu.memory_space<vmem>>
      %get3A_499 = arith.constant 32 : index
      %get3A_500 = tpu.vector_load %get3A_498[%get3A_499] {strides = array<i32>} : memref<80xi32, #tpu.memory_space<vmem>>, vector<16xi32>,
      %get3A_501 = vector.shape_cast %get3A_500 : vector<16xi32> to vector<16xi32>
      %swap3A_502 = arith.constant 0 : i32
      %swap3A_503 = arith.constant 0 : i32
      %swap3A_504 = tpu.memref_slice %arg17[%swap3A_502, %swap3A_503] : memref<2x80xi32, #tpu.memory_space<vmem>> -> memref<1x80xi32, #tpu.memory_space<vmem>>
      %swap3A_505 = tpu.memref_squeeze %swap3A_504 : memref<1x80xi32, #tpu.memory_space<vmem>> -> memref<80xi32, #tpu.memory_space<vmem>>
      %swap3A_506 = arith.constant 32 : index
      %swap3A_507 = tpu.vector_load %swap3A_505[%swap3A_506] {strides = array<i32>} : memref<80xi32, #tpu.memory_space<vmem>>, vector<16xi32>,
      %swap3A_508 = vector.shape_cast %swap3A_507 : vector<16xi32> to vector<16xi32>
      %swap3A_509 = vector.shape_cast %get3A_501 : vector<16xi32> to vector<16xi32>
      tpu.vector_store %swap3A_505[%swap3A_506], %swap3A_509 {strides = array<i32>} : memref<80xi32, #tpu.memory_space<vmem>>, vector<16xi32>,
      %get3A_510 = arith.constant 0 : i32
      %get3A_511 = arith.constant 0 : i32
      %get3A_512 = tpu.memref_slice %arg16[%get3A_510, %get3A_511] : memref<2x80xi32, #tpu.memory_space<vmem>> -> memref<1x80xi32, #tpu.memory_space<vmem>>
      %get3A_513 = tpu.memref_squeeze %get3A_512 : memref<1x80xi32, #tpu.memory_space<vmem>> -> memref<80xi32, #tpu.memory_space<vmem>>
      %get3A_514 = arith.constant 48 : index
      %get3A_515 = tpu.vector_load %get3A_513[%get3A_514] {strides = array<i32>} : memref<80xi32, #tpu.memory_space<vmem>>, vector<16xi32>,
      %get3A_516 = vector.shape_cast %get3A_515 : vector<16xi32> to vector<16xi32>
      %swap3A_517 = arith.constant 0 : i32
      %swap3A_518 = arith.constant 0 : i32
      %swap3A_519 = tpu.memref_slice %arg17[%swap3A_517, %swap3A_518] : memref<2x80xi32, #tpu.memory_space<vmem>> -> memref<1x80xi32, #tpu.memory_space<vmem>>
      %swap3A_520 = tpu.memref_squeeze %swap3A_519 : memref<1x80xi32, #tpu.memory_space<vmem>> -> memref<80xi32, #tpu.memory_space<vmem>>
      %swap3A_521 = arith.constant 48 : index
      %swap3A_522 = tpu.vector_load %swap3A_520[%swap3A_521] {strides = array<i32>} : memref<80xi32, #tpu.memory_space<vmem>>, vector<16xi32>,
      %swap3A_523 = vector.shape_cast %swap3A_522 : vector<16xi32> to vector<16xi32>
      %swap3A_524 = vector.shape_cast %get3A_516 : vector<16xi32> to vector<16xi32>
      tpu.vector_store %swap3A_520[%swap3A_521], %swap3A_524 {strides = array<i32>} : memref<80xi32, #tpu.memory_space<vmem>>, vector<16xi32>,
      %get3A_525 = arith.constant 0 : i32
      %get3A_526 = arith.constant 0 : i32
      %get3A_527 = tpu.memref_slice %arg16[%get3A_525, %get3A_526] : memref<2x80xi32, #tpu.memory_space<vmem>> -> memref<1x80xi32, #tpu.memory_space<vmem>>
      %get3A_528 = tpu.memref_squeeze %get3A_527 : memref<1x80xi32, #tpu.memory_space<vmem>> -> memref<80xi32, #tpu.memory_space<vmem>>
      %get3A_529 = arith.constant 64 : index
      %get3A_530 = tpu.vector_load %get3A_528[%get3A_529] {strides = array<i32>} : memref<80xi32, #tpu.memory_space<vmem>>, vector<16xi32>,
      %get3A_531 = vector.shape_cast %get3A_530 : vector<16xi32> to vector<16xi32>
      %swap3A_532 = arith.constant 0 : i32
      %swap3A_533 = arith.constant 0 : i32
      %swap3A_534 = tpu.memref_slice %arg17[%swap3A_532, %swap3A_533] : memref<2x80xi32, #tpu.memory_space<vmem>> -> memref<1x80xi32, #tpu.memory_space<vmem>>
      %swap3A_535 = tpu.memref_squeeze %swap3A_534 : memref<1x80xi32, #tpu.memory_space<vmem>> -> memref<80xi32, #tpu.memory_space<vmem>>
      %swap3A_536 = arith.constant 64 : index
      %swap3A_537 = tpu.vector_load %swap3A_535[%swap3A_536] {strides = array<i32>} : memref<80xi32, #tpu.memory_space<vmem>>, vector<16xi32>,
      %swap3A_538 = vector.shape_cast %swap3A_537 : vector<16xi32> to vector<16xi32>
      %swap3A_539 = vector.shape_cast %get3A_531 : vector<16xi32> to vector<16xi32>
      tpu.vector_store %swap3A_535[%swap3A_536], %swap3A_539 {strides = array<i32>} : memref<80xi32, #tpu.memory_space<vmem>>, vector<16xi32>,
      %get3A_540 = arith.constant 0 : index
      %get3A_541 = tpu.vector_load %arg25[%get3A_540] {strides = array<i32>} : memref<16xf32, #tpu.memory_space<vmem>>, vector<16xf32>,
      %get3A_542 = vector.shape_cast %get3A_541 : vector<16xf32> to vector<16xf32>
      %scan3A_543 = arith.constant 0 : i32
      %scan3A_544 = arith.constant 0 : i32
      %scan3A_545 = arith.constant 0 : i32
      %scan3A_546 = arith.constant 0 : i32
      %scan3A_547 = arith.constant 0 : i32
      %scan3A_548 = arith.constant 0 : i32
      %scan3A_549 = arith.constant 0 : i32
      %scan3A_550 = arith.constant 0 : i32
      %scan3A_551 = arith.constant 40 : i32
      %scan3A_552 = arith.addi %scan3A_550, %scan3A_551 : i32
      %scan3A_553 = arith.constant 1 : i32
      scf.for %scan3A_751 = %scan3A_550 to %scan3A_552 step %scan3A_553  : i32 {
        %mul3A_752 = arith.constant 2 : i32
        %mul3A_753 = arith.muli %scan3A_751, %mul3A_752 : i32
        %add3A_754 = arith.constant 0 : i32
        %add3A_755 = arith.addi %mul3A_753, %add3A_754 : i32
        %get3A_756 = arith.constant 0 : i32
        %get3A_757 = arith.constant 0 : i32
        %get3A_758 = tpu.memref_slice %arg20[%scan3A_544, %get3A_756, %get3A_757] : memref<2x80x16xf32, #tpu.memory_space<vmem>> -> memref<1x80x16xf32, #tpu.memory_space<vmem>>
        %get3A_759 = tpu.memref_squeeze %get3A_758 : memref<1x80x16xf32, #tpu.memory_space<vmem>> -> memref<80x16xf32, #tpu.memory_space<vmem>>
        %get3A_760 = arith.index_cast %add3A_755 : i32 to index
        %get3A_761 = arith.constant 0 : index
        %get3A_762 = tpu.vector_load %get3A_759[%get3A_760, %get3A_761] {strides = array<i32>} : memref<80x16xf32, #tpu.memory_space<vmem>>, vector<1x16xf32>,
        %get3A_763 = vector.shape_cast %get3A_762 : vector<1x16xf32> to vector<16xf32>
        %get3A_764 = arith.constant 0 : i32
        %get3A_765 = arith.constant 0 : i32
        %get3A_766 = tpu.memref_slice %arg21[%scan3A_545, %get3A_764, %get3A_765] : memref<2x80x16xf32, #tpu.memory_space<vmem>> -> memref<1x80x16xf32, #tpu.memory_space<vmem>>
        %get3A_767 = tpu.memref_squeeze %get3A_766 : memref<1x80x16xf32, #tpu.memory_space<vmem>> -> memref<80x16xf32, #tpu.memory_space<vmem>>
        %get3A_768 = arith.index_cast %add3A_755 : i32 to index
        %get3A_769 = arith.constant 0 : index
        %get3A_770 = tpu.vector_load %get3A_767[%get3A_768, %get3A_769] {strides = array<i32>} : memref<80x16xf32, #tpu.memory_space<vmem>>, vector<1x16xf32>,
        %get3A_771 = vector.shape_cast %get3A_770 : vector<1x16xf32> to vector<16xf32>
        %add3A_772 = arith.addf %get3A_763, %get3A_771 : vector<16xf32>
        %get3A_773 = arith.constant 0 : i32
        %get3A_774 = arith.constant 0 : i32
        %get3A_775 = tpu.memref_slice %arg18[%scan3A_546, %get3A_773, %get3A_774] : memref<2x80x16xf32, #tpu.memory_space<vmem>> -> memref<1x80x16xf32, #tpu.memory_space<vmem>>
        %get3A_776 = tpu.memref_squeeze %get3A_775 : memref<1x80x16xf32, #tpu.memory_space<vmem>> -> memref<80x16xf32, #tpu.memory_space<vmem>>
        %get3A_777 = arith.index_cast %add3A_755 : i32 to index
        %get3A_778 = arith.constant 0 : index
        %get3A_779 = tpu.vector_load %get3A_776[%get3A_777, %get3A_778] {strides = array<i32>} : memref<80x16xf32, #tpu.memory_space<vmem>>, vector<1x16xf32>,
        %get3A_780 = vector.shape_cast %get3A_779 : vector<1x16xf32> to vector<16xf32>
        %add3A_781 = arith.addf %add3A_772, %get3A_780 : vector<16xf32>
        %gt3A = arith.constant 0.000000e+00 : f32
        %gt3A_782 = vector.broadcast %gt3A : f32 to vector<16xf32>
        %gt3A_783 = arith.cmpf ogt, %add3A_781, %gt3A_782 : vector<16xf32>
        %mul3A_784 = arith.constant 0.00999999977 : f32
        %mul3A_785 = vector.broadcast %mul3A_784 : f32 to vector<16xf32>
        %mul3A_786 = arith.mulf %add3A_781, %mul3A_785 : vector<16xf32>
        %select_n3A_787 = arith.select %gt3A_783, %add3A_781, %mul3A_786 : vector<16xi1>, vector<16xf32>
        %sub3A = arith.subf %select_n3A_787, %get3A_542 : vector<16xf32>
        %exp3A = math.exp %sub3A : vector<16xf32>
        %swap3A_788 = arith.constant 0 : i32
        %swap3A_789 = arith.constant 0 : i32
        %swap3A_790 = tpu.memref_slice %arg22[%scan3A_547, %swap3A_788, %swap3A_789] : memref<2x80x16xf32, #tpu.memory_space<vmem>> -> memref<1x80x16xf32, #tpu.memory_space<vmem>>
        %swap3A_791 = tpu.memref_squeeze %swap3A_790 : memref<1x80x16xf32, #tpu.memory_space<vmem>> -> memref<80x16xf32, #tpu.memory_space<vmem>>
        %swap3A_792 = arith.index_cast %add3A_755 : i32 to index
        %swap3A_793 = arith.constant 0 : index
        %swap3A_794 = tpu.vector_load %swap3A_791[%swap3A_792, %swap3A_793] {strides = array<i32>} : memref<80x16xf32, #tpu.memory_space<vmem>>, vector<1x16xf32>,
        %swap3A_795 = vector.shape_cast %swap3A_794 : vector<1x16xf32> to vector<16xf32>
        %swap3A_796 = vector.shape_cast %exp3A : vector<16xf32> to vector<1x16xf32>
        tpu.vector_store %swap3A_791[%swap3A_792, %swap3A_793], %swap3A_796 {strides = array<i32>} : memref<80x16xf32, #tpu.memory_space<vmem>>, vector<1x16xf32>,
        %get3A_797 = arith.constant 0 : i32
        %get3A_798 = arith.constant 0 : i32
        %get3A_799 = tpu.memref_slice %arg19[%scan3A_548, %get3A_797, %get3A_798] : memref<2x80x16xf32, #tpu.memory_space<vmem>> -> memref<1x80x16xf32, #tpu.memory_space<vmem>>
        %get3A_800 = tpu.memref_squeeze %get3A_799 : memref<1x80x16xf32, #tpu.memory_space<vmem>> -> memref<80x16xf32, #tpu.memory_space<vmem>>
        %get3A_801 = arith.index_cast %add3A_755 : i32 to index
        %get3A_802 = arith.constant 0 : index
        %get3A_803 = tpu.vector_load %get3A_800[%get3A_801, %get3A_802] {strides = array<i32>} : memref<80x16xf32, #tpu.memory_space<vmem>>, vector<1x16xf32>,
        %get3A_804 = vector.shape_cast %get3A_803 : vector<1x16xf32> to vector<16xf32>
        %slice3A = vector.extract_strided_slice %exp3A {offsets = [0], sizes = [1], strides = [1]} : vector<16xf32> to vector<1xf32>
        %squeeze3A = vector.extract %slice3A[0] : f32 from vector<1xf32>
        %mul3A_805 = vector.broadcast %squeeze3A : f32 to vector<16xf32>
        %mul3A_806 = arith.mulf %get3A_804, %mul3A_805 : vector<16xf32>
        %swap3A_807 = arith.constant 0 : i32
        %swap3A_808 = arith.constant 0 : i32
        %swap3A_809 = tpu.memref_slice %arg23[%scan3A_549, %swap3A_807, %swap3A_808] : memref<2x80x128xf32, #tpu.memory_space<vmem>> -> memref<1x80x128xf32, #tpu.memory_space<vmem>>
        %swap3A_810 = tpu.memref_squeeze %swap3A_809 : memref<1x80x128xf32, #tpu.memory_space<vmem>> -> memref<80x128xf32, #tpu.memory_space<vmem>>
        %swap3A_811 = arith.index_cast %add3A_755 : i32 to index
        %swap3A_812 = arith.constant 0 : index
        %swap3A_813 = tpu.vector_load %swap3A_810[%swap3A_811, %swap3A_812] {strides = array<i32>} : memref<80x128xf32, #tpu.memory_space<vmem>>, vector<1x16xf32>,
        %swap3A_814 = vector.shape_cast %swap3A_813 : vector<1x16xf32> to vector<16xf32>
        %swap3A_815 = vector.shape_cast %mul3A_806 : vector<16xf32> to vector<1x16xf32>
        tpu.vector_store %swap3A_810[%swap3A_811, %swap3A_812], %swap3A_815 {strides = array<i32>} : memref<80x128xf32, #tpu.memory_space<vmem>>, vector<1x16xf32>,
        %slice3A_816 = vector.extract_strided_slice %exp3A {offsets = [1], sizes = [1], strides = [1]} : vector<16xf32> to vector<1xf32>
        %squeeze3A_817 = vector.extract %slice3A_816[0] : f32 from vector<1xf32>
        %mul3A_818 = vector.broadcast %squeeze3A_817 : f32 to vector<16xf32>
        %mul3A_819 = arith.mulf %get3A_804, %mul3A_818 : vector<16xf32>
        %swap3A_820 = arith.constant 0 : i32
        %swap3A_821 = arith.constant 0 : i32
        %swap3A_822 = tpu.memref_slice %arg23[%scan3A_549, %swap3A_820, %swap3A_821] : memref<2x80x128xf32, #tpu.memory_space<vmem>> -> memref<1x80x128xf32, #tpu.memory_space<vmem>>
        %swap3A_823 = tpu.memref_squeeze %swap3A_822 : memref<1x80x128xf32, #tpu.memory_space<vmem>> -> memref<80x128xf32, #tpu.memory_space<vmem>>
        %swap3A_824 = arith.index_cast %add3A_755 : i32 to index
        %swap3A_825 = arith.constant 16 : index
        %swap3A_826 = tpu.vector_load %swap3A_823[%swap3A_824, %swap3A_825] {strides = array<i32>} : memref<80x128xf32, #tpu.memory_space<vmem>>, vector<1x16xf32>,
        %swap3A_827 = vector.shape_cast %swap3A_826 : vector<1x16xf32> to vector<16xf32>
        %swap3A_828 = vector.shape_cast %mul3A_819 : vector<16xf32> to vector<1x16xf32>
        tpu.vector_store %swap3A_823[%swap3A_824, %swap3A_825], %swap3A_828 {strides = array<i32>} : memref<80x128xf32, #tpu.memory_space<vmem>>, vector<1x16xf32>,
        %slice3A_829 = vector.extract_strided_slice %exp3A {offsets = [2], sizes = [1], strides = [1]} : vector<16xf32> to vector<1xf32>
        %squeeze3A_830 = vector.extract %slice3A_829[0] : f32 from vector<1xf32>
        %mul3A_831 = vector.broadcast %squeeze3A_830 : f32 to vector<16xf32>
        %mul3A_832 = arith.mulf %get3A_804, %mul3A_831 : vector<16xf32>
        %swap3A_833 = arith.constant 0 : i32
        %swap3A_834 = arith.constant 0 : i32
        %swap3A_835 = tpu.memref_slice %arg23[%scan3A_549, %swap3A_833, %swap3A_834] : memref<2x80x128xf32, #tpu.memory_space<vmem>> -> memref<1x80x128xf32, #tpu.memory_space<vmem>>
        %swap3A_836 = tpu.memref_squeeze %swap3A_835 : memref<1x80x128xf32, #tpu.memory_space<vmem>> -> memref<80x128xf32, #tpu.memory_space<vmem>>
        %swap3A_837 = arith.index_cast %add3A_755 : i32 to index
        %swap3A_838 = arith.constant 32 : index
        %swap3A_839 = tpu.vector_load %swap3A_836[%swap3A_837, %swap3A_838] {strides = array<i32>} : memref<80x128xf32, #tpu.memory_space<vmem>>, vector<1x16xf32>,
        %swap3A_840 = vector.shape_cast %swap3A_839 : vector<1x16xf32> to vector<16xf32>
        %swap3A_841 = vector.shape_cast %mul3A_832 : vector<16xf32> to vector<1x16xf32>
        tpu.vector_store %swap3A_836[%swap3A_837, %swap3A_838], %swap3A_841 {strides = array<i32>} : memref<80x128xf32, #tpu.memory_space<vmem>>, vector<1x16xf32>,
        %slice3A_842 = vector.extract_strided_slice %exp3A {offsets = [3], sizes = [1], strides = [1]} : vector<16xf32> to vector<1xf32>
        %squeeze3A_843 = vector.extract %slice3A_842[0] : f32 from vector<1xf32>
        %mul3A_844 = vector.broadcast %squeeze3A_843 : f32 to vector<16xf32>
        %mul3A_845 = arith.mulf %get3A_804, %mul3A_844 : vector<16xf32>
        %swap3A_846 = arith.constant 0 : i32
        %swap3A_847 = arith.constant 0 : i32
        %swap3A_848 = tpu.memref_slice %arg23[%scan3A_549, %swap3A_846, %swap3A_847] : memref<2x80x128xf32, #tpu.memory_space<vmem>> -> memref<1x80x128xf32, #tpu.memory_space<vmem>>
        %swap3A_849 = tpu.memref_squeeze %swap3A_848 : memref<1x80x128xf32, #tpu.memory_space<vmem>> -> memref<80x128xf32, #tpu.memory_space<vmem>>
        %swap3A_850 = arith.index_cast %add3A_755 : i32 to index
        %swap3A_851 = arith.constant 48 : index
        %swap3A_852 = tpu.vector_load %swap3A_849[%swap3A_850, %swap3A_851] {strides = array<i32>} : memref<80x128xf32, #tpu.memory_space<vmem>>, vector<1x16xf32>,
        %swap3A_853 = vector.shape_cast %swap3A_852 : vector<1x16xf32> to vector<16xf32>
        %swap3A_854 = vector.shape_cast %mul3A_845 : vector<16xf32> to vector<1x16xf32>
        tpu.vector_store %swap3A_849[%swap3A_850, %swap3A_851], %swap3A_854 {strides = array<i32>} : memref<80x128xf32, #tpu.memory_space<vmem>>, vector<1x16xf32>,
        %slice3A_855 = vector.extract_strided_slice %exp3A {offsets = [4], sizes = [1], strides = [1]} : vector<16xf32> to vector<1xf32>
        %squeeze3A_856 = vector.extract %slice3A_855[0] : f32 from vector<1xf32>
        %mul3A_857 = vector.broadcast %squeeze3A_856 : f32 to vector<16xf32>
        %mul3A_858 = arith.mulf %get3A_804, %mul3A_857 : vector<16xf32>
        %swap3A_859 = arith.constant 0 : i32
        %swap3A_860 = arith.constant 0 : i32
        %swap3A_861 = tpu.memref_slice %arg23[%scan3A_549, %swap3A_859, %swap3A_860] : memref<2x80x128xf32, #tpu.memory_space<vmem>> -> memref<1x80x128xf32, #tpu.memory_space<vmem>>
        %swap3A_862 = tpu.memref_squeeze %swap3A_861 : memref<1x80x128xf32, #tpu.memory_space<vmem>> -> memref<80x128xf32, #tpu.memory_space<vmem>>
        %swap3A_863 = arith.index_cast %add3A_755 : i32 to index
        %swap3A_864 = arith.constant 64 : index
        %swap3A_865 = tpu.vector_load %swap3A_862[%swap3A_863, %swap3A_864] {strides = array<i32>} : memref<80x128xf32, #tpu.memory_space<vmem>>, vector<1x16xf32>,
        %swap3A_866 = vector.shape_cast %swap3A_865 : vector<1x16xf32> to vector<16xf32>
        %swap3A_867 = vector.shape_cast %mul3A_858 : vector<16xf32> to vector<1x16xf32>
        tpu.vector_store %swap3A_862[%swap3A_863, %swap3A_864], %swap3A_867 {strides = array<i32>} : memref<80x128xf32, #tpu.memory_space<vmem>>, vector<1x16xf32>,
        %slice3A_868 = vector.extract_strided_slice %exp3A {offsets = [5], sizes = [1], strides = [1]} : vector<16xf32> to vector<1xf32>
        %squeeze3A_869 = vector.extract %slice3A_868[0] : f32 from vector<1xf32>
        %mul3A_870 = vector.broadcast %squeeze3A_869 : f32 to vector<16xf32>
        %mul3A_871 = arith.mulf %get3A_804, %mul3A_870 : vector<16xf32>
        %swap3A_872 = arith.constant 0 : i32
        %swap3A_873 = arith.constant 0 : i32
        %swap3A_874 = tpu.memref_slice %arg23[%scan3A_549, %swap3A_872, %swap3A_873] : memref<2x80x128xf32, #tpu.memory_space<vmem>> -> memref<1x80x128xf32, #tpu.memory_space<vmem>>
        %swap3A_875 = tpu.memref_squeeze %swap3A_874 : memref<1x80x128xf32, #tpu.memory_space<vmem>> -> memref<80x128xf32, #tpu.memory_space<vmem>>
        %swap3A_876 = arith.index_cast %add3A_755 : i32 to index
        %swap3A_877 = arith.constant 80 : index
        %swap3A_878 = tpu.vector_load %swap3A_875[%swap3A_876, %swap3A_877] {strides = array<i32>} : memref<80x128xf32, #tpu.memory_space<vmem>>, vector<1x16xf32>,
        %swap3A_879 = vector.shape_cast %swap3A_878 : vector<1x16xf32> to vector<16xf32>
        %swap3A_880 = vector.shape_cast %mul3A_871 : vector<16xf32> to vector<1x16xf32>
        tpu.vector_store %swap3A_875[%swap3A_876, %swap3A_877], %swap3A_880 {strides = array<i32>} : memref<80x128xf32, #tpu.memory_space<vmem>>, vector<1x16xf32>,
        %slice3A_881 = vector.extract_strided_slice %exp3A {offsets = [6], sizes = [1], strides = [1]} : vector<16xf32> to vector<1xf32>
        %squeeze3A_882 = vector.extract %slice3A_881[0] : f32 from vector<1xf32>
        %mul3A_883 = vector.broadcast %squeeze3A_882 : f32 to vector<16xf32>
        %mul3A_884 = arith.mulf %get3A_804, %mul3A_883 : vector<16xf32>
        %swap3A_885 = arith.constant 0 : i32
        %swap3A_886 = arith.constant 0 : i32
        %swap3A_887 = tpu.memref_slice %arg23[%scan3A_549, %swap3A_885, %swap3A_886] : memref<2x80x128xf32, #tpu.memory_space<vmem>> -> memref<1x80x128xf32, #tpu.memory_space<vmem>>
        %swap3A_888 = tpu.memref_squeeze %swap3A_887 : memref<1x80x128xf32, #tpu.memory_space<vmem>> -> memref<80x128xf32, #tpu.memory_space<vmem>>
        %swap3A_889 = arith.index_cast %add3A_755 : i32 to index
        %swap3A_890 = arith.constant 96 : index
        %swap3A_891 = tpu.vector_load %swap3A_888[%swap3A_889, %swap3A_890] {strides = array<i32>} : memref<80x128xf32, #tpu.memory_space<vmem>>, vector<1x16xf32>,
        %swap3A_892 = vector.shape_cast %swap3A_891 : vector<1x16xf32> to vector<16xf32>
        %swap3A_893 = vector.shape_cast %mul3A_884 : vector<16xf32> to vector<1x16xf32>
        tpu.vector_store %swap3A_888[%swap3A_889, %swap3A_890], %swap3A_893 {strides = array<i32>} : memref<80x128xf32, #tpu.memory_space<vmem>>, vector<1x16xf32>,
        %slice3A_894 = vector.extract_strided_slice %exp3A {offsets = [7], sizes = [1], strides = [1]} : vector<16xf32> to vector<1xf32>
        %squeeze3A_895 = vector.extract %slice3A_894[0] : f32 from vector<1xf32>
        %mul3A_896 = vector.broadcast %squeeze3A_895 : f32 to vector<16xf32>
        %mul3A_897 = arith.mulf %get3A_804, %mul3A_896 : vector<16xf32>
        %swap3A_898 = arith.constant 0 : i32
        %swap3A_899 = arith.constant 0 : i32
        %swap3A_900 = tpu.memref_slice %arg23[%scan3A_549, %swap3A_898, %swap3A_899] : memref<2x80x128xf32, #tpu.memory_space<vmem>> -> memref<1x80x128xf32, #tpu.memory_space<vmem>>
        %swap3A_901 = tpu.memref_squeeze %swap3A_900 : memref<1x80x128xf32, #tpu.memory_space<vmem>> -> memref<80x128xf32, #tpu.memory_space<vmem>>
        %swap3A_902 = arith.index_cast %add3A_755 : i32 to index
        %swap3A_903 = arith.constant 112 : index
        %swap3A_904 = tpu.vector_load %swap3A_901[%swap3A_902, %swap3A_903] {strides = array<i32>} : memref<80x128xf32, #tpu.memory_space<vmem>>, vector<1x16xf32>,
        %swap3A_905 = vector.shape_cast %swap3A_904 : vector<1x16xf32> to vector<16xf32>
        %swap3A_906 = vector.shape_cast %mul3A_897 : vector<16xf32> to vector<1x16xf32>
        tpu.vector_store %swap3A_901[%swap3A_902, %swap3A_903], %swap3A_906 {strides = array<i32>} : memref<80x128xf32, #tpu.memory_space<vmem>>, vector<1x16xf32>,
        %mul3A_907 = arith.constant 2 : i32
        %mul3A_908 = arith.muli %scan3A_751, %mul3A_907 : i32
        %add3A_909 = arith.constant 1 : i32
        %add3A_910 = arith.addi %mul3A_908, %add3A_909 : i32
        %get3A_911 = arith.constant 0 : i32
        %get3A_912 = arith.constant 0 : i32
        %get3A_913 = tpu.memref_slice %arg20[%scan3A_544, %get3A_911, %get3A_912] : memref<2x80x16xf32, #tpu.memory_space<vmem>> -> memref<1x80x16xf32, #tpu.memory_space<vmem>>
        %get3A_914 = tpu.memref_squeeze %get3A_913 : memref<1x80x16xf32, #tpu.memory_space<vmem>> -> memref<80x16xf32, #tpu.memory_space<vmem>>
        %get3A_915 = arith.index_cast %add3A_910 : i32 to index
        %get3A_916 = arith.constant 0 : index
        %get3A_917 = tpu.vector_load %get3A_914[%get3A_915, %get3A_916] {strides = array<i32>} : memref<80x16xf32, #tpu.memory_space<vmem>>, vector<1x16xf32>,
        %get3A_918 = vector.shape_cast %get3A_917 : vector<1x16xf32> to vector<16xf32>
        %get3A_919 = arith.constant 0 : i32
        %get3A_920 = arith.constant 0 : i32
        %get3A_921 = tpu.memref_slice %arg21[%scan3A_545, %get3A_919, %get3A_920] : memref<2x80x16xf32, #tpu.memory_space<vmem>> -> memref<1x80x16xf32, #tpu.memory_space<vmem>>
        %get3A_922 = tpu.memref_squeeze %get3A_921 : memref<1x80x16xf32, #tpu.memory_space<vmem>> -> memref<80x16xf32, #tpu.memory_space<vmem>>
        %get3A_923 = arith.index_cast %add3A_910 : i32 to index
        %get3A_924 = arith.constant 0 : index
        %get3A_925 = tpu.vector_load %get3A_922[%get3A_923, %get3A_924] {strides = array<i32>} : memref<80x16xf32, #tpu.memory_space<vmem>>, vector<1x16xf32>,
        %get3A_926 = vector.shape_cast %get3A_925 : vector<1x16xf32> to vector<16xf32>
        %add3A_927 = arith.addf %get3A_918, %get3A_926 : vector<16xf32>
        %get3A_928 = arith.constant 0 : i32
        %get3A_929 = arith.constant 0 : i32
        %get3A_930 = tpu.memref_slice %arg18[%scan3A_546, %get3A_928, %get3A_929] : memref<2x80x16xf32, #tpu.memory_space<vmem>> -> memref<1x80x16xf32, #tpu.memory_space<vmem>>
        %get3A_931 = tpu.memref_squeeze %get3A_930 : memref<1x80x16xf32, #tpu.memory_space<vmem>> -> memref<80x16xf32, #tpu.memory_space<vmem>>
        %get3A_932 = arith.index_cast %add3A_910 : i32 to index
        %get3A_933 = arith.constant 0 : index
        %get3A_934 = tpu.vector_load %get3A_931[%get3A_932, %get3A_933] {strides = array<i32>} : memref<80x16xf32, #tpu.memory_space<vmem>>, vector<1x16xf32>,
        %get3A_935 = vector.shape_cast %get3A_934 : vector<1x16xf32> to vector<16xf32>
        %add3A_936 = arith.addf %add3A_927, %get3A_935 : vector<16xf32>
        %gt3A_937 = arith.constant 0.000000e+00 : f32
        %gt3A_938 = vector.broadcast %gt3A_937 : f32 to vector<16xf32>
        %gt3A_939 = arith.cmpf ogt, %add3A_936, %gt3A_938 : vector<16xf32>
        %mul3A_940 = arith.constant 0.00999999977 : f32
        %mul3A_941 = vector.broadcast %mul3A_940 : f32 to vector<16xf32>
        %mul3A_942 = arith.mulf %add3A_936, %mul3A_941 : vector<16xf32>
        %select_n3A_943 = arith.select %gt3A_939, %add3A_936, %mul3A_942 : vector<16xi1>, vector<16xf32>
        %sub3A_944 = arith.subf %select_n3A_943, %get3A_542 : vector<16xf32>
        %exp3A_945 = math.exp %sub3A_944 : vector<16xf32>
        %swap3A_946 = arith.constant 0 : i32
        %swap3A_947 = arith.constant 0 : i32
        %swap3A_948 = tpu.memref_slice %arg22[%scan3A_547, %swap3A_946, %swap3A_947] : memref<2x80x16xf32, #tpu.memory_space<vmem>> -> memref<1x80x16xf32, #tpu.memory_space<vmem>>
        %swap3A_949 = tpu.memref_squeeze %swap3A_948 : memref<1x80x16xf32, #tpu.memory_space<vmem>> -> memref<80x16xf32, #tpu.memory_space<vmem>>
        %swap3A_950 = arith.index_cast %add3A_910 : i32 to index
        %swap3A_951 = arith.constant 0 : index
        %swap3A_952 = tpu.vector_load %swap3A_949[%swap3A_950, %swap3A_951] {strides = array<i32>} : memref<80x16xf32, #tpu.memory_space<vmem>>, vector<1x16xf32>,
        %swap3A_953 = vector.shape_cast %swap3A_952 : vector<1x16xf32> to vector<16xf32>
        %swap3A_954 = vector.shape_cast %exp3A_945 : vector<16xf32> to vector<1x16xf32>
        tpu.vector_store %swap3A_949[%swap3A_950, %swap3A_951], %swap3A_954 {strides = array<i32>} : memref<80x16xf32, #tpu.memory_space<vmem>>, vector<1x16xf32>,
        %get3A_955 = arith.constant 0 : i32
        %get3A_956 = arith.constant 0 : i32
        %get3A_957 = tpu.memref_slice %arg19[%scan3A_548, %get3A_955, %get3A_956] : memref<2x80x16xf32, #tpu.memory_space<vmem>> -> memref<1x80x16xf32, #tpu.memory_space<vmem>>
        %get3A_958 = tpu.memref_squeeze %get3A_957 : memref<1x80x16xf32, #tpu.memory_space<vmem>> -> memref<80x16xf32, #tpu.memory_space<vmem>>
        %get3A_959 = arith.index_cast %add3A_910 : i32 to index
        %get3A_960 = arith.constant 0 : index
        %get3A_961 = tpu.vector_load %get3A_958[%get3A_959, %get3A_960] {strides = array<i32>} : memref<80x16xf32, #tpu.memory_space<vmem>>, vector<1x16xf32>,
        %get3A_962 = vector.shape_cast %get3A_961 : vector<1x16xf32> to vector<16xf32>
        %slice3A_963 = vector.extract_strided_slice %exp3A_945 {offsets = [0], sizes = [1], strides = [1]} : vector<16xf32> to vector<1xf32>
        %squeeze3A_964 = vector.extract %slice3A_963[0] : f32 from vector<1xf32>
        %mul3A_965 = vector.broadcast %squeeze3A_964 : f32 to vector<16xf32>
        %mul3A_966 = arith.mulf %get3A_962, %mul3A_965 : vector<16xf32>
        %swap3A_967 = arith.constant 0 : i32
        %swap3A_968 = arith.constant 0 : i32
        %swap3A_969 = tpu.memref_slice %arg23[%scan3A_549, %swap3A_967, %swap3A_968] : memref<2x80x128xf32, #tpu.memory_space<vmem>> -> memref<1x80x128xf32, #tpu.memory_space<vmem>>
        %swap3A_970 = tpu.memref_squeeze %swap3A_969 : memref<1x80x128xf32, #tpu.memory_space<vmem>> -> memref<80x128xf32, #tpu.memory_space<vmem>>
        %swap3A_971 = arith.index_cast %add3A_910 : i32 to index
        %swap3A_972 = arith.constant 0 : index
        %swap3A_973 = tpu.vector_load %swap3A_970[%swap3A_971, %swap3A_972] {strides = array<i32>} : memref<80x128xf32, #tpu.memory_space<vmem>>, vector<1x16xf32>,
        %swap3A_974 = vector.shape_cast %swap3A_973 : vector<1x16xf32> to vector<16xf32>
        %swap3A_975 = vector.shape_cast %mul3A_966 : vector<16xf32> to vector<1x16xf32>
        tpu.vector_store %swap3A_970[%swap3A_971, %swap3A_972], %swap3A_975 {strides = array<i32>} : memref<80x128xf32, #tpu.memory_space<vmem>>, vector<1x16xf32>,
        %slice3A_976 = vector.extract_strided_slice %exp3A_945 {offsets = [1], sizes = [1], strides = [1]} : vector<16xf32> to vector<1xf32>
        %squeeze3A_977 = vector.extract %slice3A_976[0] : f32 from vector<1xf32>
        %mul3A_978 = vector.broadcast %squeeze3A_977 : f32 to vector<16xf32>
        %mul3A_979 = arith.mulf %get3A_962, %mul3A_978 : vector<16xf32>
        %swap3A_980 = arith.constant 0 : i32
        %swap3A_981 = arith.constant 0 : i32
        %swap3A_982 = tpu.memref_slice %arg23[%scan3A_549, %swap3A_980, %swap3A_981] : memref<2x80x128xf32, #tpu.memory_space<vmem>> -> memref<1x80x128xf32, #tpu.memory_space<vmem>>
        %swap3A_983 = tpu.memref_squeeze %swap3A_982 : memref<1x80x128xf32, #tpu.memory_space<vmem>> -> memref<80x128xf32, #tpu.memory_space<vmem>>
        %swap3A_984 = arith.index_cast %add3A_910 : i32 to index
        %swap3A_985 = arith.constant 16 : index
        %swap3A_986 = tpu.vector_load %swap3A_983[%swap3A_984, %swap3A_985] {strides = array<i32>} : memref<80x128xf32, #tpu.memory_space<vmem>>, vector<1x16xf32>,
        %swap3A_987 = vector.shape_cast %swap3A_986 : vector<1x16xf32> to vector<16xf32>
        %swap3A_988 = vector.shape_cast %mul3A_979 : vector<16xf32> to vector<1x16xf32>
        tpu.vector_store %swap3A_983[%swap3A_984, %swap3A_985], %swap3A_988 {strides = array<i32>} : memref<80x128xf32, #tpu.memory_space<vmem>>, vector<1x16xf32>,
        %slice3A_989 = vector.extract_strided_slice %exp3A_945 {offsets = [2], sizes = [1], strides = [1]} : vector<16xf32> to vector<1xf32>
        %squeeze3A_990 = vector.extract %slice3A_989[0] : f32 from vector<1xf32>
        %mul3A_991 = vector.broadcast %squeeze3A_990 : f32 to vector<16xf32>
        %mul3A_992 = arith.mulf %get3A_962, %mul3A_991 : vector<16xf32>
        %swap3A_993 = arith.constant 0 : i32
        %swap3A_994 = arith.constant 0 : i32
        %swap3A_995 = tpu.memref_slice %arg23[%scan3A_549, %swap3A_993, %swap3A_994] : memref<2x80x128xf32, #tpu.memory_space<vmem>> -> memref<1x80x128xf32, #tpu.memory_space<vmem>>
        %swap3A_996 = tpu.memref_squeeze %swap3A_995 : memref<1x80x128xf32, #tpu.memory_space<vmem>> -> memref<80x128xf32, #tpu.memory_space<vmem>>
        %swap3A_997 = arith.index_cast %add3A_910 : i32 to index
        %swap3A_998 = arith.constant 32 : index
        %swap3A_999 = tpu.vector_load %swap3A_996[%swap3A_997, %swap3A_998] {strides = array<i32>} : memref<80x128xf32, #tpu.memory_space<vmem>>, vector<1x16xf32>,
        %swap3A_1000 = vector.shape_cast %swap3A_999 : vector<1x16xf32> to vector<16xf32>
        %swap3A_1001 = vector.shape_cast %mul3A_992 : vector<16xf32> to vector<1x16xf32>
        tpu.vector_store %swap3A_996[%swap3A_997, %swap3A_998], %swap3A_1001 {strides = array<i32>} : memref<80x128xf32, #tpu.memory_space<vmem>>, vector<1x16xf32>,
        %slice3A_1002 = vector.extract_strided_slice %exp3A_945 {offsets = [3], sizes = [1], strides = [1]} : vector<16xf32> to vector<1xf32>
        %squeeze3A_1003 = vector.extract %slice3A_1002[0] : f32 from vector<1xf32>
        %mul3A_1004 = vector.broadcast %squeeze3A_1003 : f32 to vector<16xf32>
        %mul3A_1005 = arith.mulf %get3A_962, %mul3A_1004 : vector<16xf32>
        %swap3A_1006 = arith.constant 0 : i32
        %swap3A_1007 = arith.constant 0 : i32
        %swap3A_1008 = tpu.memref_slice %arg23[%scan3A_549, %swap3A_1006, %swap3A_1007] : memref<2x80x128xf32, #tpu.memory_space<vmem>> -> memref<1x80x128xf32, #tpu.memory_space<vmem>>
        %swap3A_1009 = tpu.memref_squeeze %swap3A_1008 : memref<1x80x128xf32, #tpu.memory_space<vmem>> -> memref<80x128xf32, #tpu.memory_space<vmem>>
        %swap3A_1010 = arith.index_cast %add3A_910 : i32 to index
        %swap3A_1011 = arith.constant 48 : index
        %swap3A_1012 = tpu.vector_load %swap3A_1009[%swap3A_1010, %swap3A_1011] {strides = array<i32>} : memref<80x128xf32, #tpu.memory_space<vmem>>, vector<1x16xf32>,
        %swap3A_1013 = vector.shape_cast %swap3A_1012 : vector<1x16xf32> to vector<16xf32>
        %swap3A_1014 = vector.shape_cast %mul3A_1005 : vector<16xf32> to vector<1x16xf32>
        tpu.vector_store %swap3A_1009[%swap3A_1010, %swap3A_1011], %swap3A_1014 {strides = array<i32>} : memref<80x128xf32, #tpu.memory_space<vmem>>, vector<1x16xf32>,
        %slice3A_1015 = vector.extract_strided_slice %exp3A_945 {offsets = [4], sizes = [1], strides = [1]} : vector<16xf32> to vector<1xf32>
        %squeeze3A_1016 = vector.extract %slice3A_1015[0] : f32 from vector<1xf32>
        %mul3A_1017 = vector.broadcast %squeeze3A_1016 : f32 to vector<16xf32>
        %mul3A_1018 = arith.mulf %get3A_962, %mul3A_1017 : vector<16xf32>
        %swap3A_1019 = arith.constant 0 : i32
        %swap3A_1020 = arith.constant 0 : i32
        %swap3A_1021 = tpu.memref_slice %arg23[%scan3A_549, %swap3A_1019, %swap3A_1020] : memref<2x80x128xf32, #tpu.memory_space<vmem>> -> memref<1x80x128xf32, #tpu.memory_space<vmem>>
        %swap3A_1022 = tpu.memref_squeeze %swap3A_1021 : memref<1x80x128xf32, #tpu.memory_space<vmem>> -> memref<80x128xf32, #tpu.memory_space<vmem>>
        %swap3A_1023 = arith.index_cast %add3A_910 : i32 to index
        %swap3A_1024 = arith.constant 64 : index
        %swap3A_1025 = tpu.vector_load %swap3A_1022[%swap3A_1023, %swap3A_1024] {strides = array<i32>} : memref<80x128xf32, #tpu.memory_space<vmem>>, vector<1x16xf32>,
        %swap3A_1026 = vector.shape_cast %swap3A_1025 : vector<1x16xf32> to vector<16xf32>
        %swap3A_1027 = vector.shape_cast %mul3A_1018 : vector<16xf32> to vector<1x16xf32>
        tpu.vector_store %swap3A_1022[%swap3A_1023, %swap3A_1024], %swap3A_1027 {strides = array<i32>} : memref<80x128xf32, #tpu.memory_space<vmem>>, vector<1x16xf32>,
        %slice3A_1028 = vector.extract_strided_slice %exp3A_945 {offsets = [5], sizes = [1], strides = [1]} : vector<16xf32> to vector<1xf32>
        %squeeze3A_1029 = vector.extract %slice3A_1028[0] : f32 from vector<1xf32>
        %mul3A_1030 = vector.broadcast %squeeze3A_1029 : f32 to vector<16xf32>
        %mul3A_1031 = arith.mulf %get3A_962, %mul3A_1030 : vector<16xf32>
        %swap3A_1032 = arith.constant 0 : i32
        %swap3A_1033 = arith.constant 0 : i32
        %swap3A_1034 = tpu.memref_slice %arg23[%scan3A_549, %swap3A_1032, %swap3A_1033] : memref<2x80x128xf32, #tpu.memory_space<vmem>> -> memref<1x80x128xf32, #tpu.memory_space<vmem>>
        %swap3A_1035 = tpu.memref_squeeze %swap3A_1034 : memref<1x80x128xf32, #tpu.memory_space<vmem>> -> memref<80x128xf32, #tpu.memory_space<vmem>>
        %swap3A_1036 = arith.index_cast %add3A_910 : i32 to index
        %swap3A_1037 = arith.constant 80 : index
        %swap3A_1038 = tpu.vector_load %swap3A_1035[%swap3A_1036, %swap3A_1037] {strides = array<i32>} : memref<80x128xf32, #tpu.memory_space<vmem>>, vector<1x16xf32>,
        %swap3A_1039 = vector.shape_cast %swap3A_1038 : vector<1x16xf32> to vector<16xf32>
        %swap3A_1040 = vector.shape_cast %mul3A_1031 : vector<16xf32> to vector<1x16xf32>
        tpu.vector_store %swap3A_1035[%swap3A_1036, %swap3A_1037], %swap3A_1040 {strides = array<i32>} : memref<80x128xf32, #tpu.memory_space<vmem>>, vector<1x16xf32>,
        %slice3A_1041 = vector.extract_strided_slice %exp3A_945 {offsets = [6], sizes = [1], strides = [1]} : vector<16xf32> to vector<1xf32>
        %squeeze3A_1042 = vector.extract %slice3A_1041[0] : f32 from vector<1xf32>
        %mul3A_1043 = vector.broadcast %squeeze3A_1042 : f32 to vector<16xf32>
        %mul3A_1044 = arith.mulf %get3A_962, %mul3A_1043 : vector<16xf32>
        %swap3A_1045 = arith.constant 0 : i32
        %swap3A_1046 = arith.constant 0 : i32
        %swap3A_1047 = tpu.memref_slice %arg23[%scan3A_549, %swap3A_1045, %swap3A_1046] : memref<2x80x128xf32, #tpu.memory_space<vmem>> -> memref<1x80x128xf32, #tpu.memory_space<vmem>>
        %swap3A_1048 = tpu.memref_squeeze %swap3A_1047 : memref<1x80x128xf32, #tpu.memory_space<vmem>> -> memref<80x128xf32, #tpu.memory_space<vmem>>
        %swap3A_1049 = arith.index_cast %add3A_910 : i32 to index
        %swap3A_1050 = arith.constant 96 : index
        %swap3A_1051 = tpu.vector_load %swap3A_1048[%swap3A_1049, %swap3A_1050] {strides = array<i32>} : memref<80x128xf32, #tpu.memory_space<vmem>>, vector<1x16xf32>,
        %swap3A_1052 = vector.shape_cast %swap3A_1051 : vector<1x16xf32> to vector<16xf32>
        %swap3A_1053 = vector.shape_cast %mul3A_1044 : vector<16xf32> to vector<1x16xf32>
        tpu.vector_store %swap3A_1048[%swap3A_1049, %swap3A_1050], %swap3A_1053 {strides = array<i32>} : memref<80x128xf32, #tpu.memory_space<vmem>>, vector<1x16xf32>,
        %slice3A_1054 = vector.extract_strided_slice %exp3A_945 {offsets = [7], sizes = [1], strides = [1]} : vector<16xf32> to vector<1xf32>
        %squeeze3A_1055 = vector.extract %slice3A_1054[0] : f32 from vector<1xf32>
        %mul3A_1056 = vector.broadcast %squeeze3A_1055 : f32 to vector<16xf32>
        %mul3A_1057 = arith.mulf %get3A_962, %mul3A_1056 : vector<16xf32>
        %swap3A_1058 = arith.constant 0 : i32
        %swap3A_1059 = arith.constant 0 : i32
        %swap3A_1060 = tpu.memref_slice %arg23[%scan3A_549, %swap3A_1058, %swap3A_1059] : memref<2x80x128xf32, #tpu.memory_space<vmem>> -> memref<1x80x128xf32, #tpu.memory_space<vmem>>
        %swap3A_1061 = tpu.memref_squeeze %swap3A_1060 : memref<1x80x128xf32, #tpu.memory_space<vmem>> -> memref<80x128xf32, #tpu.memory_space<vmem>>
        %swap3A_1062 = arith.index_cast %add3A_910 : i32 to index
        %swap3A_1063 = arith.constant 112 : index
        %swap3A_1064 = tpu.vector_load %swap3A_1061[%swap3A_1062, %swap3A_1063] {strides = array<i32>} : memref<80x128xf32, #tpu.memory_space<vmem>>, vector<1x16xf32>,
        %swap3A_1065 = vector.shape_cast %swap3A_1064 : vector<1x16xf32> to vector<16xf32>
        %swap3A_1066 = vector.shape_cast %mul3A_1057 : vector<16xf32> to vector<1x16xf32>
        tpu.vector_store %swap3A_1061[%swap3A_1062, %swap3A_1063], %swap3A_1066 {strides = array<i32>} : memref<80x128xf32, #tpu.memory_space<vmem>>, vector<1x16xf32>,
      }
      %scan3A_554 = arith.constant 40 : i32
      %dma_start3A_555 = arith.constant 0 : i32
      %dma_start3A_556 = arith.constant 0 : i32
      %dma_start3A_557 = arith.constant 0 : i32
      %dma_start3A_558 = arith.constant 0 : i32
      %dma_start3A_559 = tpu.memref_slice %arg23[%dma_start3A_555, %dma_start3A_557, %dma_start3A_558] : memref<2x80x128xf32, #tpu.memory_space<vmem>> -> memref<1x80x128xf32, #tpu.memory_space<vmem>>
      %dma_start3A_560 = tpu.memref_squeeze %dma_start3A_559 : memref<1x80x128xf32, #tpu.memory_space<vmem>> -> memref<80x128xf32, #tpu.memory_space<vmem>>
      %dma_start3A_561 = arith.constant 0 : i32
      %dma_start3A_562 = tpu.memref_slice %arg17[%dma_start3A_556, %dma_start3A_561] : memref<2x80xi32, #tpu.memory_space<vmem>> -> memref<1x80xi32, #tpu.memory_space<vmem>>
      %dma_start3A_563 = tpu.memref_squeeze %dma_start3A_562 : memref<1x80xi32, #tpu.memory_space<vmem>> -> memref<80xi32, #tpu.memory_space<vmem>>
      %dma_start3A_564 = arith.constant 0 : i32
      %dma_start3A_565 = arith.constant 0 : i32
      %dma_start3A_566 = tpu.memref_slice %arg26[%dma_start3A_564, %dma_start3A_565] : memref<10240x128xf32, #tpu.memory_space<vmem_shared>> -> memref<10240x128xf32, #tpu.memory_space<vmem_shared>>
      tpu.enqueue_indirect_dma source(%dma_start3A_560 : memref<80x128xf32, #tpu.memory_space<vmem>>) target(%dma_start3A_566 : memref<10240x128xf32, #tpu.memory_space<vmem_shared>>) offsets(%dma_start3A_563 : memref<80xi32, #tpu.memory_space<vmem>>) semaphore(%arg31 : memref<!tpu.dma_semaphore, #tpu.memory_space<semaphore_mem>>) {add = true}
      %dma_start3A_567 = arith.constant 0 : i32
      %dma_start3A_568 = arith.constant 0 : i32
      %dma_start3A_569 = arith.constant 0 : i32
      %dma_start3A_570 = arith.constant 0 : i32
      %dma_start3A_571 = tpu.memref_slice %arg22[%dma_start3A_567, %dma_start3A_569, %dma_start3A_570] : memref<2x80x16xf32, #tpu.memory_space<vmem>> -> memref<1x80x16xf32, #tpu.memory_space<vmem>>
      %dma_start3A_572 = tpu.memref_squeeze %dma_start3A_571 : memref<1x80x16xf32, #tpu.memory_space<vmem>> -> memref<80x16xf32, #tpu.memory_space<vmem>>
      %dma_start3A_573 = arith.constant 0 : i32
      %dma_start3A_574 = tpu.memref_slice %arg17[%dma_start3A_568, %dma_start3A_573] : memref<2x80xi32, #tpu.memory_space<vmem>> -> memref<1x80xi32, #tpu.memory_space<vmem>>
      %dma_start3A_575 = tpu.memref_squeeze %dma_start3A_574 : memref<1x80xi32, #tpu.memory_space<vmem>> -> memref<80xi32, #tpu.memory_space<vmem>>
      %dma_start3A_576 = arith.constant 0 : i32
      %dma_start3A_577 = arith.constant 0 : i32
      %dma_start3A_578 = tpu.memref_slice %arg27[%dma_start3A_576, %dma_start3A_577] : memref<10240x16xf32, #tpu.memory_space<vmem_shared>> -> memref<10240x16xf32, #tpu.memory_space<vmem_shared>>
      tpu.enqueue_indirect_dma source(%dma_start3A_572 : memref<80x16xf32, #tpu.memory_space<vmem>>) target(%dma_start3A_578 : memref<10240x16xf32, #tpu.memory_space<vmem_shared>>) offsets(%dma_start3A_575 : memref<80xi32, #tpu.memory_space<vmem>>) semaphore(%arg32 : memref<!tpu.dma_semaphore, #tpu.memory_space<semaphore_mem>>) {add = true}
      %add3A_579 = arith.constant 2 : i32
      %add3A_580 = arith.addi %mul3A_431, %add3A_579 : i32
      %mul3A_581 = arith.constant 80 : i32
      %mul3A_582 = arith.muli %add3A_580, %mul3A_581 : i32
      %lt3A_583 = arith.constant 10000 : i32
      %lt3A_584 = arith.cmpi slt, %mul3A_582, %lt3A_583 : i32
      %convert_element_type3A_585 = arith.extui %lt3A_584 : i1 to i32
      %cond3A_586 = arith.constant 0 : i32
      %cond3A_587 = arith.cmpi ne, %convert_element_type3A_585, %cond3A_586 : i32
      scf.if %cond3A_587 {
        %mul3A_751 = arith.constant 80 : i32
        %mul3A_752 = arith.muli %add3A_580, %mul3A_751 : i32
        %add3A_753 = arith.addi %mul3A_44, %mul3A_752 : i32
        %dma_start3A_754 = arith.constant 0 : i32
        %dma_start3A_755 = arith.constant 0 : i32
        %dma_start3A_756 = tpu.memref_slice %arg15[%dma_start3A_754, %dma_start3A_755] : memref<2x80xi32, #tpu.memory_space<vmem>> -> memref<1x80xi32, #tpu.memory_space<vmem>>
        %dma_start3A_757 = tpu.memref_squeeze %dma_start3A_756 : memref<1x80xi32, #tpu.memory_space<vmem>> -> memref<80xi32, #tpu.memory_space<vmem>>
        %dma_start3A_758 = tpu.memref_slice %arg6[%add3A_753] : memref<320000xi32, #tpu.memory_space<hbm>> -> memref<80xi32, #tpu.memory_space<hbm>>
        %dma_start3A_759 = arith.constant 0 : i32
        %dma_start3A_760 = tpu.memref_slice %arg15[%dma_start3A_754, %dma_start3A_759] : memref<2x80xi32, #tpu.memory_space<vmem>> -> memref<1x80xi32, #tpu.memory_space<vmem>>
        %dma_start3A_761 = tpu.memref_squeeze %dma_start3A_760 : memref<1x80xi32, #tpu.memory_space<vmem>> -> memref<80xi32, #tpu.memory_space<vmem>>
        %dma_start3A_762 = tpu.memref_slice %arg6[%add3A_753] : memref<320000xi32, #tpu.memory_space<hbm>> -> memref<80xi32, #tpu.memory_space<hbm>>
        tpu.enqueue_dma source(%dma_start3A_762 : memref<80xi32, #tpu.memory_space<hbm>>) target(%dma_start3A_761 : memref<80xi32, #tpu.memory_space<vmem>>) target_semaphore(%arg28 : memref<!tpu.dma_semaphore, #tpu.memory_space<semaphore_mem>>)
        %dma_start3A_763 = arith.constant 0 : i32
        %dma_start3A_764 = arith.constant 0 : i32
        %dma_start3A_765 = tpu.memref_slice %arg16[%dma_start3A_763, %dma_start3A_764] : memref<2x80xi32, #tpu.memory_space<vmem>> -> memref<1x80xi32, #tpu.memory_space<vmem>>
        %dma_start3A_766 = tpu.memref_squeeze %dma_start3A_765 : memref<1x80xi32, #tpu.memory_space<vmem>> -> memref<80xi32, #tpu.memory_space<vmem>>
        %dma_start3A_767 = tpu.memref_slice %arg7[%add3A_753] : memref<320000xi32, #tpu.memory_space<hbm>> -> memref<80xi32, #tpu.memory_space<hbm>>
        %dma_start3A_768 = arith.constant 0 : i32
        %dma_start3A_769 = tpu.memref_slice %arg16[%dma_start3A_763, %dma_start3A_768] : memref<2x80xi32, #tpu.memory_space<vmem>> -> memref<1x80xi32, #tpu.memory_space<vmem>>
        %dma_start3A_770 = tpu.memref_squeeze %dma_start3A_769 : memref<1x80xi32, #tpu.memory_space<vmem>> -> memref<80xi32, #tpu.memory_space<vmem>>
        %dma_start3A_771 = tpu.memref_slice %arg7[%add3A_753] : memref<320000xi32, #tpu.memory_space<hbm>> -> memref<80xi32, #tpu.memory_space<hbm>>
        tpu.enqueue_dma source(%dma_start3A_771 : memref<80xi32, #tpu.memory_space<hbm>>) target(%dma_start3A_770 : memref<80xi32, #tpu.memory_space<vmem>>) target_semaphore(%arg28 : memref<!tpu.dma_semaphore, #tpu.memory_space<semaphore_mem>>)
        %dma_start3A_772 = arith.constant 0 : i32
        %dma_start3A_773 = arith.constant 0 : i32
        %dma_start3A_774 = arith.constant 0 : i32
        %dma_start3A_775 = tpu.memref_slice %arg18[%dma_start3A_772, %dma_start3A_773, %dma_start3A_774] : memref<2x80x16xf32, #tpu.memory_space<vmem>> -> memref<1x80x16xf32, #tpu.memory_space<vmem>>
        %dma_start3A_776 = tpu.memref_squeeze %dma_start3A_775 : memref<1x80x16xf32, #tpu.memory_space<vmem>> -> memref<80x16xf32, #tpu.memory_space<vmem>>
        %dma_start3A_777 = arith.constant 0 : i32
        %dma_start3A_778 = tpu.memref_slice %arg4[%add3A_753, %dma_start3A_777] : memref<320000x16xf32, #tpu.memory_space<hbm>> -> memref<80x16xf32, #tpu.memory_space<hbm>>
        %dma_start3A_779 = arith.constant 0 : i32
        %dma_start3A_780 = arith.constant 0 : i32
        %dma_start3A_781 = tpu.memref_slice %arg18[%dma_start3A_772, %dma_start3A_779, %dma_start3A_780] : memref<2x80x16xf32, #tpu.memory_space<vmem>> -> memref<1x80x16xf32, #tpu.memory_space<vmem>>
        %dma_start3A_782 = tpu.memref_squeeze %dma_start3A_781 : memref<1x80x16xf32, #tpu.memory_space<vmem>> -> memref<80x16xf32, #tpu.memory_space<vmem>>
        %dma_start3A_783 = arith.constant 0 : i32
        %dma_start3A_784 = tpu.memref_slice %arg4[%add3A_753, %dma_start3A_783] : memref<320000x16xf32, #tpu.memory_space<hbm>> -> memref<80x16xf32, #tpu.memory_space<hbm>>
        tpu.enqueue_dma source(%dma_start3A_784 : memref<80x16xf32, #tpu.memory_space<hbm>>) target(%dma_start3A_782 : memref<80x16xf32, #tpu.memory_space<vmem>>) target_semaphore(%arg28 : memref<!tpu.dma_semaphore, #tpu.memory_space<semaphore_mem>>)
        %dma_start3A_785 = arith.constant 0 : i32
        %dma_start3A_786 = arith.constant 0 : i32
        %dma_start3A_787 = arith.constant 0 : i32
        %dma_start3A_788 = tpu.memref_slice %arg19[%dma_start3A_785, %dma_start3A_786, %dma_start3A_787] : memref<2x80x16xf32, #tpu.memory_space<vmem>> -> memref<1x80x16xf32, #tpu.memory_space<vmem>>
        %dma_start3A_789 = tpu.memref_squeeze %dma_start3A_788 : memref<1x80x16xf32, #tpu.memory_space<vmem>> -> memref<80x16xf32, #tpu.memory_space<vmem>>
        %dma_start3A_790 = arith.constant 0 : i32
        %dma_start3A_791 = tpu.memref_slice %arg5[%add3A_753, %dma_start3A_790] : memref<320000x16xf32, #tpu.memory_space<hbm>> -> memref<80x16xf32, #tpu.memory_space<hbm>>
        %dma_start3A_792 = arith.constant 0 : i32
        %dma_start3A_793 = arith.constant 0 : i32
        %dma_start3A_794 = tpu.memref_slice %arg19[%dma_start3A_785, %dma_start3A_792, %dma_start3A_793] : memref<2x80x16xf32, #tpu.memory_space<vmem>> -> memref<1x80x16xf32, #tpu.memory_space<vmem>>
        %dma_start3A_795 = tpu.memref_squeeze %dma_start3A_794 : memref<1x80x16xf32, #tpu.memory_space<vmem>> -> memref<80x16xf32, #tpu.memory_space<vmem>>
        %dma_start3A_796 = arith.constant 0 : i32
        %dma_start3A_797 = tpu.memref_slice %arg5[%add3A_753, %dma_start3A_796] : memref<320000x16xf32, #tpu.memory_space<hbm>> -> memref<80x16xf32, #tpu.memory_space<hbm>>
        tpu.enqueue_dma source(%dma_start3A_797 : memref<80x16xf32, #tpu.memory_space<hbm>>) target(%dma_start3A_795 : memref<80x16xf32, #tpu.memory_space<vmem>>) target_semaphore(%arg28 : memref<!tpu.dma_semaphore, #tpu.memory_space<semaphore_mem>>)
      } else {
      }
      %mul3A_588 = arith.constant 2 : i32
      %mul3A_589 = arith.muli %mul3A_588, %scan3A_429 : i32
      %add3A_590 = arith.constant 1 : i32
      %add3A_591 = arith.addi %mul3A_589, %add3A_590 : i32
      %dma_wait3A_592 = arith.constant 1 : i32
      %dma_wait3A_593 = arith.constant 1 : i32
      %dma_wait3A_594 = arith.constant 0 : i32
      %dma_wait3A_595 = arith.constant 0 : i32
      %dma_wait3A_596 = tpu.memref_slice %arg20[%dma_wait3A_593, %dma_wait3A_594, %dma_wait3A_595] : memref<2x80x16xf32, #tpu.memory_space<vmem>> -> memref<1x80x16xf32, #tpu.memory_space<vmem>>
      %dma_wait3A_597 = tpu.memref_squeeze %dma_wait3A_596 : memref<1x80x16xf32, #tpu.memory_space<vmem>> -> memref<80x16xf32, #tpu.memory_space<vmem>>
      %dma_wait3A_598 = arith.constant 0 : i32
      %dma_wait3A_599 = tpu.memref_slice %arg15[%dma_wait3A_592, %dma_wait3A_598] : memref<2x80xi32, #tpu.memory_space<vmem>> -> memref<1x80xi32, #tpu.memory_space<vmem>>
      %dma_wait3A_600 = tpu.memref_squeeze %dma_wait3A_599 : memref<1x80xi32, #tpu.memory_space<vmem>> -> memref<80xi32, #tpu.memory_space<vmem>>
      %dma_wait3A_601 = arith.constant 0 : i32
      %dma_wait3A_602 = arith.constant 0 : i32
      %dma_wait3A_603 = tpu.memref_slice %arg2[%dma_wait3A_601, %dma_wait3A_602] : memref<10000x16xf32, #tpu.memory_space<hbm>> -> memref<10000x16xf32, #tpu.memory_space<hbm>>
      tpu.wait_indirect_dma semaphore(%arg29 : memref<!tpu.dma_semaphore, #tpu.memory_space<semaphore_mem>>) src(%dma_wait3A_603 : memref<10000x16xf32, #tpu.memory_space<hbm>>) dst(%dma_wait3A_597 : memref<80x16xf32, #tpu.memory_space<vmem>>)
      %dma_wait3A_604 = arith.constant 1 : i32
      %dma_wait3A_605 = arith.constant 1 : i32
      %dma_wait3A_606 = arith.constant 0 : i32
      %dma_wait3A_607 = arith.constant 0 : i32
      %dma_wait3A_608 = tpu.memref_slice %arg21[%dma_wait3A_605, %dma_wait3A_606, %dma_wait3A_607] : memref<2x80x16xf32, #tpu.memory_space<vmem>> -> memref<1x80x16xf32, #tpu.memory_space<vmem>>
      %dma_wait3A_609 = tpu.memref_squeeze %dma_wait3A_608 : memref<1x80x16xf32, #tpu.memory_space<vmem>> -> memref<80x16xf32, #tpu.memory_space<vmem>>
      %dma_wait3A_610 = arith.constant 0 : i32
      %dma_wait3A_611 = tpu.memref_slice %arg16[%dma_wait3A_604, %dma_wait3A_610] : memref<2x80xi32, #tpu.memory_space<vmem>> -> memref<1x80xi32, #tpu.memory_space<vmem>>
      %dma_wait3A_612 = tpu.memref_squeeze %dma_wait3A_611 : memref<1x80xi32, #tpu.memory_space<vmem>> -> memref<80xi32, #tpu.memory_space<vmem>>
      %dma_wait3A_613 = arith.constant 0 : i32
      %dma_wait3A_614 = arith.constant 0 : i32
      %dma_wait3A_615 = tpu.memref_slice %arg3[%dma_wait3A_613, %dma_wait3A_614] : memref<10000x16xf32, #tpu.memory_space<hbm>> -> memref<10000x16xf32, #tpu.memory_space<hbm>>
      tpu.wait_indirect_dma semaphore(%arg30 : memref<!tpu.dma_semaphore, #tpu.memory_space<semaphore_mem>>) src(%dma_wait3A_615 : memref<10000x16xf32, #tpu.memory_space<hbm>>) dst(%dma_wait3A_609 : memref<80x16xf32, #tpu.memory_space<vmem>>)
      %add3A_616 = arith.constant 1 : i32
      %add3A_617 = arith.addi %add3A_591, %add3A_616 : i32
      %lt3A_618 = arith.constant 125 : i32
      %lt3A_619 = arith.cmpi slt, %add3A_617, %lt3A_618 : i32
      %convert_element_type3A_620 = arith.extui %lt3A_619 : i1 to i32
      %cond3A_621 = arith.constant 0 : i32
      %cond3A_622 = arith.cmpi ne, %convert_element_type3A_620, %cond3A_621 : i32
      scf.if %cond3A_622 {
        %dma_wait3A_751 = arith.constant 0 : i32
        %dma_wait3A_752 = arith.constant 0 : i32
        %dma_wait3A_753 = tpu.memref_slice %arg15[%dma_wait3A_751, %dma_wait3A_752] : memref<2x80xi32, #tpu.memory_space<vmem>> -> memref<1x80xi32, #tpu.memory_space<vmem>>
        %dma_wait3A_754 = tpu.memref_squeeze %dma_wait3A_753 : memref<1x80xi32, #tpu.memory_space<vmem>> -> memref<80xi32, #tpu.memory_space<vmem>>
        %dma_wait3A_755 = arith.constant 0 : i32
        %dma_wait3A_756 = tpu.memref_slice %arg6[%dma_wait3A_755] : memref<320000xi32, #tpu.memory_space<hbm>> -> memref<80xi32, #tpu.memory_space<hbm>>
        %dma_wait3A_757 = arith.constant 0 : i32
        %dma_wait3A_758 = tpu.memref_slice %arg15[%dma_wait3A_751, %dma_wait3A_757] : memref<2x80xi32, #tpu.memory_space<vmem>> -> memref<1x80xi32, #tpu.memory_space<vmem>>
        %dma_wait3A_759 = tpu.memref_squeeze %dma_wait3A_758 : memref<1x80xi32, #tpu.memory_space<vmem>> -> memref<80xi32, #tpu.memory_space<vmem>>
        %dma_wait3A_760 = arith.constant 0 : i32
        %dma_wait3A_761 = tpu.memref_slice %arg6[%dma_wait3A_760] : memref<320000xi32, #tpu.memory_space<hbm>> -> memref<80xi32, #tpu.memory_space<hbm>>
        tpu.wait_dma2 semaphore(%arg28 : memref<!tpu.dma_semaphore, #tpu.memory_space<semaphore_mem>>) src(%dma_wait3A_761 : memref<80xi32, #tpu.memory_space<hbm>>) dst(%dma_wait3A_759 : memref<80xi32, #tpu.memory_space<vmem>>)
        %dma_wait3A_762 = arith.constant 0 : i32
        %dma_wait3A_763 = arith.constant 0 : i32
        %dma_wait3A_764 = tpu.memref_slice %arg16[%dma_wait3A_762, %dma_wait3A_763] : memref<2x80xi32, #tpu.memory_space<vmem>> -> memref<1x80xi32, #tpu.memory_space<vmem>>
        %dma_wait3A_765 = tpu.memref_squeeze %dma_wait3A_764 : memref<1x80xi32, #tpu.memory_space<vmem>> -> memref<80xi32, #tpu.memory_space<vmem>>
        %dma_wait3A_766 = arith.constant 0 : i32
        %dma_wait3A_767 = tpu.memref_slice %arg7[%dma_wait3A_766] : memref<320000xi32, #tpu.memory_space<hbm>> -> memref<80xi32, #tpu.memory_space<hbm>>
        %dma_wait3A_768 = arith.constant 0 : i32
        %dma_wait3A_769 = tpu.memref_slice %arg16[%dma_wait3A_762, %dma_wait3A_768] : memref<2x80xi32, #tpu.memory_space<vmem>> -> memref<1x80xi32, #tpu.memory_space<vmem>>
        %dma_wait3A_770 = tpu.memref_squeeze %dma_wait3A_769 : memref<1x80xi32, #tpu.memory_space<vmem>> -> memref<80xi32, #tpu.memory_space<vmem>>
        %dma_wait3A_771 = arith.constant 0 : i32
        %dma_wait3A_772 = tpu.memref_slice %arg7[%dma_wait3A_771] : memref<320000xi32, #tpu.memory_space<hbm>> -> memref<80xi32, #tpu.memory_space<hbm>>
        tpu.wait_dma2 semaphore(%arg28 : memref<!tpu.dma_semaphore, #tpu.memory_space<semaphore_mem>>) src(%dma_wait3A_772 : memref<80xi32, #tpu.memory_space<hbm>>) dst(%dma_wait3A_770 : memref<80xi32, #tpu.memory_space<vmem>>)
        %dma_wait3A_773 = arith.constant 0 : i32
        %dma_wait3A_774 = arith.constant 0 : i32
        %dma_wait3A_775 = arith.constant 0 : i32
        %dma_wait3A_776 = tpu.memref_slice %arg18[%dma_wait3A_773, %dma_wait3A_774, %dma_wait3A_775] : memref<2x80x16xf32, #tpu.memory_space<vmem>> -> memref<1x80x16xf32, #tpu.memory_space<vmem>>
        %dma_wait3A_777 = tpu.memref_squeeze %dma_wait3A_776 : memref<1x80x16xf32, #tpu.memory_space<vmem>> -> memref<80x16xf32, #tpu.memory_space<vmem>>
        %dma_wait3A_778 = arith.constant 0 : i32
        %dma_wait3A_779 = arith.constant 0 : i32
        %dma_wait3A_780 = tpu.memref_slice %arg4[%dma_wait3A_778, %dma_wait3A_779] : memref<320000x16xf32, #tpu.memory_space<hbm>> -> memref<80x16xf32, #tpu.memory_space<hbm>>
        %dma_wait3A_781 = arith.constant 0 : i32
        %dma_wait3A_782 = arith.constant 0 : i32
        %dma_wait3A_783 = tpu.memref_slice %arg18[%dma_wait3A_773, %dma_wait3A_781, %dma_wait3A_782] : memref<2x80x16xf32, #tpu.memory_space<vmem>> -> memref<1x80x16xf32, #tpu.memory_space<vmem>>
        %dma_wait3A_784 = tpu.memref_squeeze %dma_wait3A_783 : memref<1x80x16xf32, #tpu.memory_space<vmem>> -> memref<80x16xf32, #tpu.memory_space<vmem>>
        %dma_wait3A_785 = arith.constant 0 : i32
        %dma_wait3A_786 = arith.constant 0 : i32
        %dma_wait3A_787 = tpu.memref_slice %arg4[%dma_wait3A_785, %dma_wait3A_786] : memref<320000x16xf32, #tpu.memory_space<hbm>> -> memref<80x16xf32, #tpu.memory_space<hbm>>
        tpu.wait_dma2 semaphore(%arg28 : memref<!tpu.dma_semaphore, #tpu.memory_space<semaphore_mem>>) src(%dma_wait3A_787 : memref<80x16xf32, #tpu.memory_space<hbm>>) dst(%dma_wait3A_784 : memref<80x16xf32, #tpu.memory_space<vmem>>)
        %dma_wait3A_788 = arith.constant 0 : i32
        %dma_wait3A_789 = arith.constant 0 : i32
        %dma_wait3A_790 = arith.constant 0 : i32
        %dma_wait3A_791 = tpu.memref_slice %arg19[%dma_wait3A_788, %dma_wait3A_789, %dma_wait3A_790] : memref<2x80x16xf32, #tpu.memory_space<vmem>> -> memref<1x80x16xf32, #tpu.memory_space<vmem>>
        %dma_wait3A_792 = tpu.memref_squeeze %dma_wait3A_791 : memref<1x80x16xf32, #tpu.memory_space<vmem>> -> memref<80x16xf32, #tpu.memory_space<vmem>>
        %dma_wait3A_793 = arith.constant 0 : i32
        %dma_wait3A_794 = arith.constant 0 : i32
        %dma_wait3A_795 = tpu.memref_slice %arg5[%dma_wait3A_793, %dma_wait3A_794] : memref<320000x16xf32, #tpu.memory_space<hbm>> -> memref<80x16xf32, #tpu.memory_space<hbm>>
        %dma_wait3A_796 = arith.constant 0 : i32
        %dma_wait3A_797 = arith.constant 0 : i32
        %dma_wait3A_798 = tpu.memref_slice %arg19[%dma_wait3A_788, %dma_wait3A_796, %dma_wait3A_797] : memref<2x80x16xf32, #tpu.memory_space<vmem>> -> memref<1x80x16xf32, #tpu.memory_space<vmem>>
        %dma_wait3A_799 = tpu.memref_squeeze %dma_wait3A_798 : memref<1x80x16xf32, #tpu.memory_space<vmem>> -> memref<80x16xf32, #tpu.memory_space<vmem>>
        %dma_wait3A_800 = arith.constant 0 : i32
        %dma_wait3A_801 = arith.constant 0 : i32
        %dma_wait3A_802 = tpu.memref_slice %arg5[%dma_wait3A_800, %dma_wait3A_801] : memref<320000x16xf32, #tpu.memory_space<hbm>> -> memref<80x16xf32, #tpu.memory_space<hbm>>
        tpu.wait_dma2 semaphore(%arg28 : memref<!tpu.dma_semaphore, #tpu.memory_space<semaphore_mem>>) src(%dma_wait3A_802 : memref<80x16xf32, #tpu.memory_space<hbm>>) dst(%dma_wait3A_799 : memref<80x16xf32, #tpu.memory_space<vmem>>)
        %dma_start3A_803 = arith.constant 0 : i32
        %dma_start3A_804 = arith.constant 0 : i32
        %dma_start3A_805 = arith.constant 0 : i32
        %dma_start3A_806 = arith.constant 0 : i32
        %dma_start3A_807 = tpu.memref_slice %arg20[%dma_start3A_804, %dma_start3A_805, %dma_start3A_806] : memref<2x80x16xf32, #tpu.memory_space<vmem>> -> memref<1x80x16xf32, #tpu.memory_space<vmem>>
        %dma_start3A_808 = tpu.memref_squeeze %dma_start3A_807 : memref<1x80x16xf32, #tpu.memory_space<vmem>> -> memref<80x16xf32, #tpu.memory_space<vmem>>
        %dma_start3A_809 = arith.constant 0 : i32
        %dma_start3A_810 = tpu.memref_slice %arg15[%dma_start3A_803, %dma_start3A_809] : memref<2x80xi32, #tpu.memory_space<vmem>> -> memref<1x80xi32, #tpu.memory_space<vmem>>
        %dma_start3A_811 = tpu.memref_squeeze %dma_start3A_810 : memref<1x80xi32, #tpu.memory_space<vmem>> -> memref<80xi32, #tpu.memory_space<vmem>>
        %dma_start3A_812 = arith.constant 0 : i32
        %dma_start3A_813 = arith.constant 0 : i32
        %dma_start3A_814 = tpu.memref_slice %arg2[%dma_start3A_812, %dma_start3A_813] : memref<10000x16xf32, #tpu.memory_space<hbm>> -> memref<10000x16xf32, #tpu.memory_space<hbm>>
        tpu.enqueue_indirect_dma source(%dma_start3A_814 : memref<10000x16xf32, #tpu.memory_space<hbm>>) target(%dma_start3A_808 : memref<80x16xf32, #tpu.memory_space<vmem>>) offsets(%dma_start3A_811 : memref<80xi32, #tpu.memory_space<vmem>>) semaphore(%arg29 : memref<!tpu.dma_semaphore, #tpu.memory_space<semaphore_mem>>)
        %dma_start3A_815 = arith.constant 0 : i32
        %dma_start3A_816 = arith.constant 0 : i32
        %dma_start3A_817 = arith.constant 0 : i32
        %dma_start3A_818 = arith.constant 0 : i32
        %dma_start3A_819 = tpu.memref_slice %arg21[%dma_start3A_816, %dma_start3A_817, %dma_start3A_818] : memref<2x80x16xf32, #tpu.memory_space<vmem>> -> memref<1x80x16xf32, #tpu.memory_space<vmem>>
        %dma_start3A_820 = tpu.memref_squeeze %dma_start3A_819 : memref<1x80x16xf32, #tpu.memory_space<vmem>> -> memref<80x16xf32, #tpu.memory_space<vmem>>
        %dma_start3A_821 = arith.constant 0 : i32
        %dma_start3A_822 = tpu.memref_slice %arg16[%dma_start3A_815, %dma_start3A_821] : memref<2x80xi32, #tpu.memory_space<vmem>> -> memref<1x80xi32, #tpu.memory_space<vmem>>
        %dma_start3A_823 = tpu.memref_squeeze %dma_start3A_822 : memref<1x80xi32, #tpu.memory_space<vmem>> -> memref<80xi32, #tpu.memory_space<vmem>>
        %dma_start3A_824 = arith.constant 0 : i32
        %dma_start3A_825 = arith.constant 0 : i32
        %dma_start3A_826 = tpu.memref_slice %arg3[%dma_start3A_824, %dma_start3A_825] : memref<10000x16xf32, #tpu.memory_space<hbm>> -> memref<10000x16xf32, #tpu.memory_space<hbm>>
        tpu.enqueue_indirect_dma source(%dma_start3A_826 : memref<10000x16xf32, #tpu.memory_space<hbm>>) target(%dma_start3A_820 : memref<80x16xf32, #tpu.memory_space<vmem>>) offsets(%dma_start3A_823 : memref<80xi32, #tpu.memory_space<vmem>>) semaphore(%arg30 : memref<!tpu.dma_semaphore, #tpu.memory_space<semaphore_mem>>)
      } else {
      }
      %ge3A_623 = arith.constant 2 : i32
      %ge3A_624 = arith.cmpi sge, %add3A_591, %ge3A_623 : i32
      %convert_element_type3A_625 = arith.extui %ge3A_624 : i1 to i32
      %cond3A_626 = arith.constant 0 : i32
      %cond3A_627 = arith.cmpi ne, %convert_element_type3A_625, %cond3A_626 : i32
      scf.if %cond3A_627 {
        %dma_wait3A_751 = arith.constant 1 : i32
        %dma_wait3A_752 = arith.constant 1 : i32
        %dma_wait3A_753 = arith.constant 0 : i32
        %dma_wait3A_754 = arith.constant 0 : i32
        %dma_wait3A_755 = tpu.memref_slice %arg23[%dma_wait3A_751, %dma_wait3A_753, %dma_wait3A_754] : memref<2x80x128xf32, #tpu.memory_space<vmem>> -> memref<1x80x128xf32, #tpu.memory_space<vmem>>
        %dma_wait3A_756 = tpu.memref_squeeze %dma_wait3A_755 : memref<1x80x128xf32, #tpu.memory_space<vmem>> -> memref<80x128xf32, #tpu.memory_space<vmem>>
        %dma_wait3A_757 = arith.constant 0 : i32
        %dma_wait3A_758 = tpu.memref_slice %arg17[%dma_wait3A_752, %dma_wait3A_757] : memref<2x80xi32, #tpu.memory_space<vmem>> -> memref<1x80xi32, #tpu.memory_space<vmem>>
        %dma_wait3A_759 = tpu.memref_squeeze %dma_wait3A_758 : memref<1x80xi32, #tpu.memory_space<vmem>> -> memref<80xi32, #tpu.memory_space<vmem>>
        %dma_wait3A_760 = arith.constant 0 : i32
        %dma_wait3A_761 = arith.constant 0 : i32
        %dma_wait3A_762 = tpu.memref_slice %arg26[%dma_wait3A_760, %dma_wait3A_761] : memref<10240x128xf32, #tpu.memory_space<vmem_shared>> -> memref<10240x128xf32, #tpu.memory_space<vmem_shared>>
        tpu.wait_indirect_dma semaphore(%arg31 : memref<!tpu.dma_semaphore, #tpu.memory_space<semaphore_mem>>) src(%dma_wait3A_756 : memref<80x128xf32, #tpu.memory_space<vmem>>) dst(%dma_wait3A_762 : memref<10240x128xf32, #tpu.memory_space<vmem_shared>>)
        %dma_wait3A_763 = arith.constant 1 : i32
        %dma_wait3A_764 = arith.constant 1 : i32
        %dma_wait3A_765 = arith.constant 0 : i32
        %dma_wait3A_766 = arith.constant 0 : i32
        %dma_wait3A_767 = tpu.memref_slice %arg22[%dma_wait3A_763, %dma_wait3A_765, %dma_wait3A_766] : memref<2x80x16xf32, #tpu.memory_space<vmem>> -> memref<1x80x16xf32, #tpu.memory_space<vmem>>
        %dma_wait3A_768 = tpu.memref_squeeze %dma_wait3A_767 : memref<1x80x16xf32, #tpu.memory_space<vmem>> -> memref<80x16xf32, #tpu.memory_space<vmem>>
        %dma_wait3A_769 = arith.constant 0 : i32
        %dma_wait3A_770 = tpu.memref_slice %arg17[%dma_wait3A_764, %dma_wait3A_769] : memref<2x80xi32, #tpu.memory_space<vmem>> -> memref<1x80xi32, #tpu.memory_space<vmem>>
        %dma_wait3A_771 = tpu.memref_squeeze %dma_wait3A_770 : memref<1x80xi32, #tpu.memory_space<vmem>> -> memref<80xi32, #tpu.memory_space<vmem>>
        %dma_wait3A_772 = arith.constant 0 : i32
        %dma_wait3A_773 = arith.constant 0 : i32
        %dma_wait3A_774 = tpu.memref_slice %arg27[%dma_wait3A_772, %dma_wait3A_773] : memref<10240x16xf32, #tpu.memory_space<vmem_shared>> -> memref<10240x16xf32, #tpu.memory_space<vmem_shared>>
        tpu.wait_indirect_dma semaphore(%arg32 : memref<!tpu.dma_semaphore, #tpu.memory_space<semaphore_mem>>) src(%dma_wait3A_768 : memref<80x16xf32, #tpu.memory_space<vmem>>) dst(%dma_wait3A_774 : memref<10240x16xf32, #tpu.memory_space<vmem_shared>>)
      } else {
      }
      %get3A_628 = arith.constant 1 : i32
      %get3A_629 = arith.constant 0 : i32
      %get3A_630 = tpu.memref_slice %arg16[%get3A_628, %get3A_629] : memref<2x80xi32, #tpu.memory_space<vmem>> -> memref<1x80xi32, #tpu.memory_space<vmem>>
      %get3A_631 = tpu.memref_squeeze %get3A_630 : memref<1x80xi32, #tpu.memory_space<vmem>> -> memref<80xi32, #tpu.memory_space<vmem>>
      %get3A_632 = arith.constant 0 : index
      %get3A_633 = tpu.vector_load %get3A_631[%get3A_632] {strides = array<i32>} : memref<80xi32, #tpu.memory_space<vmem>>, vector<16xi32>,
      %get3A_634 = vector.shape_cast %get3A_633 : vector<16xi32> to vector<16xi32>
      %swap3A_635 = arith.constant 1 : i32
      %swap3A_636 = arith.constant 0 : i32
      %swap3A_637 = tpu.memref_slice %arg17[%swap3A_635, %swap3A_636] : memref<2x80xi32, #tpu.memory_space<vmem>> -> memref<1x80xi32, #tpu.memory_space<vmem>>
      %swap3A_638 = tpu.memref_squeeze %swap3A_637 : memref<1x80xi32, #tpu.memory_space<vmem>> -> memref<80xi32, #tpu.memory_space<vmem>>
      %swap3A_639 = arith.constant 0 : index
      %swap3A_640 = tpu.vector_load %swap3A_638[%swap3A_639] {strides = array<i32>} : memref<80xi32, #tpu.memory_space<vmem>>, vector<16xi32>,
      %swap3A_641 = vector.shape_cast %swap3A_640 : vector<16xi32> to vector<16xi32>
      %swap3A_642 = vector.shape_cast %get3A_634 : vector<16xi32> to vector<16xi32>
      tpu.vector_store %swap3A_638[%swap3A_639], %swap3A_642 {strides = array<i32>} : memref<80xi32, #tpu.memory_space<vmem>>, vector<16xi32>,
      %get3A_643 = arith.constant 1 : i32
      %get3A_644 = arith.constant 0 : i32
      %get3A_645 = tpu.memref_slice %arg16[%get3A_643, %get3A_644] : memref<2x80xi32, #tpu.memory_space<vmem>> -> memref<1x80xi32, #tpu.memory_space<vmem>>
      %get3A_646 = tpu.memref_squeeze %get3A_645 : memref<1x80xi32, #tpu.memory_space<vmem>> -> memref<80xi32, #tpu.memory_space<vmem>>
      %get3A_647 = arith.constant 16 : index
      %get3A_648 = tpu.vector_load %get3A_646[%get3A_647] {strides = array<i32>} : memref<80xi32, #tpu.memory_space<vmem>>, vector<16xi32>,
      %get3A_649 = vector.shape_cast %get3A_648 : vector<16xi32> to vector<16xi32>
      %swap3A_650 = arith.constant 1 : i32
      %swap3A_651 = arith.constant 0 : i32
      %swap3A_652 = tpu.memref_slice %arg17[%swap3A_650, %swap3A_651] : memref<2x80xi32, #tpu.memory_space<vmem>> -> memref<1x80xi32, #tpu.memory_space<vmem>>
      %swap3A_653 = tpu.memref_squeeze %swap3A_652 : memref<1x80xi32, #tpu.memory_space<vmem>> -> memref<80xi32, #tpu.memory_space<vmem>>
      %swap3A_654 = arith.constant 16 : index
      %swap3A_655 = tpu.vector_load %swap3A_653[%swap3A_654] {strides = array<i32>} : memref<80xi32, #tpu.memory_space<vmem>>, vector<16xi32>,
      %swap3A_656 = vector.shape_cast %swap3A_655 : vector<16xi32> to vector<16xi32>
      %swap3A_657 = vector.shape_cast %get3A_649 : vector<16xi32> to vector<16xi32>
      tpu.vector_store %swap3A_653[%swap3A_654], %swap3A_657 {strides = array<i32>} : memref<80xi32, #tpu.memory_space<vmem>>, vector<16xi32>,
      %get3A_658 = arith.constant 1 : i32
      %get3A_659 = arith.constant 0 : i32
      %get3A_660 = tpu.memref_slice %arg16[%get3A_658, %get3A_659] : memref<2x80xi32, #tpu.memory_space<vmem>> -> memref<1x80xi32, #tpu.memory_space<vmem>>
      %get3A_661 = tpu.memref_squeeze %get3A_660 : memref<1x80xi32, #tpu.memory_space<vmem>> -> memref<80xi32, #tpu.memory_space<vmem>>
      %get3A_662 = arith.constant 32 : index
      %get3A_663 = tpu.vector_load %get3A_661[%get3A_662] {strides = array<i32>} : memref<80xi32, #tpu.memory_space<vmem>>, vector<16xi32>,
      %get3A_664 = vector.shape_cast %get3A_663 : vector<16xi32> to vector<16xi32>
      %swap3A_665 = arith.constant 1 : i32
      %swap3A_666 = arith.constant 0 : i32
      %swap3A_667 = tpu.memref_slice %arg17[%swap3A_665, %swap3A_666] : memref<2x80xi32, #tpu.memory_space<vmem>> -> memref<1x80xi32, #tpu.memory_space<vmem>>
      %swap3A_668 = tpu.memref_squeeze %swap3A_667 : memref<1x80xi32, #tpu.memory_space<vmem>> -> memref<80xi32, #tpu.memory_space<vmem>>
      %swap3A_669 = arith.constant 32 : index
      %swap3A_670 = tpu.vector_load %swap3A_668[%swap3A_669] {strides = array<i32>} : memref<80xi32, #tpu.memory_space<vmem>>, vector<16xi32>,
      %swap3A_671 = vector.shape_cast %swap3A_670 : vector<16xi32> to vector<16xi32>
      %swap3A_672 = vector.shape_cast %get3A_664 : vector<16xi32> to vector<16xi32>
      tpu.vector_store %swap3A_668[%swap3A_669], %swap3A_672 {strides = array<i32>} : memref<80xi32, #tpu.memory_space<vmem>>, vector<16xi32>,
      %get3A_673 = arith.constant 1 : i32
      %get3A_674 = arith.constant 0 : i32
      %get3A_675 = tpu.memref_slice %arg16[%get3A_673, %get3A_674] : memref<2x80xi32, #tpu.memory_space<vmem>> -> memref<1x80xi32, #tpu.memory_space<vmem>>
      %get3A_676 = tpu.memref_squeeze %get3A_675 : memref<1x80xi32, #tpu.memory_space<vmem>> -> memref<80xi32, #tpu.memory_space<vmem>>
      %get3A_677 = arith.constant 48 : index
      %get3A_678 = tpu.vector_load %get3A_676[%get3A_677] {strides = array<i32>} : memref<80xi32, #tpu.memory_space<vmem>>, vector<16xi32>,
      %get3A_679 = vector.shape_cast %get3A_678 : vector<16xi32> to vector<16xi32>
      %swap3A_680 = arith.constant 1 : i32
      %swap3A_681 = arith.constant 0 : i32
      %swap3A_682 = tpu.memref_slice %arg17[%swap3A_680, %swap3A_681] : memref<2x80xi32, #tpu.memory_space<vmem>> -> memref<1x80xi32, #tpu.memory_space<vmem>>
      %swap3A_683 = tpu.memref_squeeze %swap3A_682 : memref<1x80xi32, #tpu.memory_space<vmem>> -> memref<80xi32, #tpu.memory_space<vmem>>
      %swap3A_684 = arith.constant 48 : index
      %swap3A_685 = tpu.vector_load %swap3A_683[%swap3A_684] {strides = array<i32>} : memref<80xi32, #tpu.memory_space<vmem>>, vector<16xi32>,
      %swap3A_686 = vector.shape_cast %swap3A_685 : vector<16xi32> to vector<16xi32>
      %swap3A_687 = vector.shape_cast %get3A_679 : vector<16xi32> to vector<16xi32>
      tpu.vector_store %swap3A_683[%swap3A_684], %swap3A_687 {strides = array<i32>} : memref<80xi32, #tpu.memory_space<vmem>>, vector<16xi32>,
      %get3A_688 = arith.constant 1 : i32
      %get3A_689 = arith.constant 0 : i32
      %get3A_690 = tpu.memref_slice %arg16[%get3A_688, %get3A_689] : memref<2x80xi32, #tpu.memory_space<vmem>> -> memref<1x80xi32, #tpu.memory_space<vmem>>
      %get3A_691 = tpu.memref_squeeze %get3A_690 : memref<1x80xi32, #tpu.memory_space<vmem>> -> memref<80xi32, #tpu.memory_space<vmem>>
      %get3A_692 = arith.constant 64 : index
      %get3A_693 = tpu.vector_load %get3A_691[%get3A_692] {strides = array<i32>} : memref<80xi32, #tpu.memory_space<vmem>>, vector<16xi32>,
      %get3A_694 = vector.shape_cast %get3A_693 : vector<16xi32> to vector<16xi32>
      %swap3A_695 = arith.constant 1 : i32
      %swap3A_696 = arith.constant 0 : i32
      %swap3A_697 = tpu.memref_slice %arg17[%swap3A_695, %swap3A_696] : memref<2x80xi32, #tpu.memory_space<vmem>> -> memref<1x80xi32, #tpu.memory_space<vmem>>
      %swap3A_698 = tpu.memref_squeeze %swap3A_697 : memref<1x80xi32, #tpu.memory_space<vmem>> -> memref<80xi32, #tpu.memory_space<vmem>>
      %swap3A_699 = arith.constant 64 : index
      %swap3A_700 = tpu.vector_load %swap3A_698[%swap3A_699] {strides = array<i32>} : memref<80xi32, #tpu.memory_space<vmem>>, vector<16xi32>,
      %swap3A_701 = vector.shape_cast %swap3A_700 : vector<16xi32> to vector<16xi32>
      %swap3A_702 = vector.shape_cast %get3A_694 : vector<16xi32> to vector<16xi32>
      tpu.vector_store %swap3A_698[%swap3A_699], %swap3A_702 {strides = array<i32>} : memref<80xi32, #tpu.memory_space<vmem>>, vector<16xi32>,
      %get3A_703 = arith.constant 0 : index
      %get3A_704 = tpu.vector_load %arg25[%get3A_703] {strides = array<i32>} : memref<16xf32, #tpu.memory_space<vmem>>, vector<16xf32>,
      %get3A_705 = vector.shape_cast %get3A_704 : vector<16xf32> to vector<16xf32>
      %scan3A_706 = arith.constant 0 : i32
      %scan3A_707 = arith.constant 1 : i32
      %scan3A_708 = arith.constant 1 : i32
      %scan3A_709 = arith.constant 1 : i32
      %scan3A_710 = arith.constant 1 : i32
      %scan3A_711 = arith.constant 1 : i32
      %scan3A_712 = arith.constant 1 : i32
      %scan3A_713 = arith.constant 0 : i32
      %scan3A_714 = arith.constant 40 : i32
      %scan3A_715 = arith.addi %scan3A_713, %scan3A_714 : i32
      %scan3A_716 = arith.constant 1 : i32
      scf.for %scan3A_751 = %scan3A_713 to %scan3A_715 step %scan3A_716  : i32 {
        %mul3A_752 = arith.constant 2 : i32
        %mul3A_753 = arith.muli %scan3A_751, %mul3A_752 : i32
        %add3A_754 = arith.constant 0 : i32
        %add3A_755 = arith.addi %mul3A_753, %add3A_754 : i32
        %get3A_756 = arith.constant 0 : i32
        %get3A_757 = arith.constant 0 : i32
        %get3A_758 = tpu.memref_slice %arg20[%scan3A_707, %get3A_756, %get3A_757] : memref<2x80x16xf32, #tpu.memory_space<vmem>> -> memref<1x80x16xf32, #tpu.memory_space<vmem>>
        %get3A_759 = tpu.memref_squeeze %get3A_758 : memref<1x80x16xf32, #tpu.memory_space<vmem>> -> memref<80x16xf32, #tpu.memory_space<vmem>>
        %get3A_760 = arith.index_cast %add3A_755 : i32 to index
        %get3A_761 = arith.constant 0 : index
        %get3A_762 = tpu.vector_load %get3A_759[%get3A_760, %get3A_761] {strides = array<i32>} : memref<80x16xf32, #tpu.memory_space<vmem>>, vector<1x16xf32>,
        %get3A_763 = vector.shape_cast %get3A_762 : vector<1x16xf32> to vector<16xf32>
        %get3A_764 = arith.constant 0 : i32
        %get3A_765 = arith.constant 0 : i32
        %get3A_766 = tpu.memref_slice %arg21[%scan3A_708, %get3A_764, %get3A_765] : memref<2x80x16xf32, #tpu.memory_space<vmem>> -> memref<1x80x16xf32, #tpu.memory_space<vmem>>
        %get3A_767 = tpu.memref_squeeze %get3A_766 : memref<1x80x16xf32, #tpu.memory_space<vmem>> -> memref<80x16xf32, #tpu.memory_space<vmem>>
        %get3A_768 = arith.index_cast %add3A_755 : i32 to index
        %get3A_769 = arith.constant 0 : index
        %get3A_770 = tpu.vector_load %get3A_767[%get3A_768, %get3A_769] {strides = array<i32>} : memref<80x16xf32, #tpu.memory_space<vmem>>, vector<1x16xf32>,
        %get3A_771 = vector.shape_cast %get3A_770 : vector<1x16xf32> to vector<16xf32>
        %add3A_772 = arith.addf %get3A_763, %get3A_771 : vector<16xf32>
        %get3A_773 = arith.constant 0 : i32
        %get3A_774 = arith.constant 0 : i32
        %get3A_775 = tpu.memref_slice %arg18[%scan3A_709, %get3A_773, %get3A_774] : memref<2x80x16xf32, #tpu.memory_space<vmem>> -> memref<1x80x16xf32, #tpu.memory_space<vmem>>
        %get3A_776 = tpu.memref_squeeze %get3A_775 : memref<1x80x16xf32, #tpu.memory_space<vmem>> -> memref<80x16xf32, #tpu.memory_space<vmem>>
        %get3A_777 = arith.index_cast %add3A_755 : i32 to index
        %get3A_778 = arith.constant 0 : index
        %get3A_779 = tpu.vector_load %get3A_776[%get3A_777, %get3A_778] {strides = array<i32>} : memref<80x16xf32, #tpu.memory_space<vmem>>, vector<1x16xf32>,
        %get3A_780 = vector.shape_cast %get3A_779 : vector<1x16xf32> to vector<16xf32>
        %add3A_781 = arith.addf %add3A_772, %get3A_780 : vector<16xf32>
        %gt3A = arith.constant 0.000000e+00 : f32
        %gt3A_782 = vector.broadcast %gt3A : f32 to vector<16xf32>
        %gt3A_783 = arith.cmpf ogt, %add3A_781, %gt3A_782 : vector<16xf32>
        %mul3A_784 = arith.constant 0.00999999977 : f32
        %mul3A_785 = vector.broadcast %mul3A_784 : f32 to vector<16xf32>
        %mul3A_786 = arith.mulf %add3A_781, %mul3A_785 : vector<16xf32>
        %select_n3A_787 = arith.select %gt3A_783, %add3A_781, %mul3A_786 : vector<16xi1>, vector<16xf32>
        %sub3A = arith.subf %select_n3A_787, %get3A_705 : vector<16xf32>
        %exp3A = math.exp %sub3A : vector<16xf32>
        %swap3A_788 = arith.constant 0 : i32
        %swap3A_789 = arith.constant 0 : i32
        %swap3A_790 = tpu.memref_slice %arg22[%scan3A_710, %swap3A_788, %swap3A_789] : memref<2x80x16xf32, #tpu.memory_space<vmem>> -> memref<1x80x16xf32, #tpu.memory_space<vmem>>
        %swap3A_791 = tpu.memref_squeeze %swap3A_790 : memref<1x80x16xf32, #tpu.memory_space<vmem>> -> memref<80x16xf32, #tpu.memory_space<vmem>>
        %swap3A_792 = arith.index_cast %add3A_755 : i32 to index
        %swap3A_793 = arith.constant 0 : index
        %swap3A_794 = tpu.vector_load %swap3A_791[%swap3A_792, %swap3A_793] {strides = array<i32>} : memref<80x16xf32, #tpu.memory_space<vmem>>, vector<1x16xf32>,
        %swap3A_795 = vector.shape_cast %swap3A_794 : vector<1x16xf32> to vector<16xf32>
        %swap3A_796 = vector.shape_cast %exp3A : vector<16xf32> to vector<1x16xf32>
        tpu.vector_store %swap3A_791[%swap3A_792, %swap3A_793], %swap3A_796 {strides = array<i32>} : memref<80x16xf32, #tpu.memory_space<vmem>>, vector<1x16xf32>,
        %get3A_797 = arith.constant 0 : i32
        %get3A_798 = arith.constant 0 : i32
        %get3A_799 = tpu.memref_slice %arg19[%scan3A_711, %get3A_797, %get3A_798] : memref<2x80x16xf32, #tpu.memory_space<vmem>> -> memref<1x80x16xf32, #tpu.memory_space<vmem>>
        %get3A_800 = tpu.memref_squeeze %get3A_799 : memref<1x80x16xf32, #tpu.memory_space<vmem>> -> memref<80x16xf32, #tpu.memory_space<vmem>>
        %get3A_801 = arith.index_cast %add3A_755 : i32 to index
        %get3A_802 = arith.constant 0 : index
        %get3A_803 = tpu.vector_load %get3A_800[%get3A_801, %get3A_802] {strides = array<i32>} : memref<80x16xf32, #tpu.memory_space<vmem>>, vector<1x16xf32>,
        %get3A_804 = vector.shape_cast %get3A_803 : vector<1x16xf32> to vector<16xf32>
        %slice3A = vector.extract_strided_slice %exp3A {offsets = [0], sizes = [1], strides = [1]} : vector<16xf32> to vector<1xf32>
        %squeeze3A = vector.extract %slice3A[0] : f32 from vector<1xf32>
        %mul3A_805 = vector.broadcast %squeeze3A : f32 to vector<16xf32>
        %mul3A_806 = arith.mulf %get3A_804, %mul3A_805 : vector<16xf32>
        %swap3A_807 = arith.constant 0 : i32
        %swap3A_808 = arith.constant 0 : i32
        %swap3A_809 = tpu.memref_slice %arg23[%scan3A_712, %swap3A_807, %swap3A_808] : memref<2x80x128xf32, #tpu.memory_space<vmem>> -> memref<1x80x128xf32, #tpu.memory_space<vmem>>
        %swap3A_810 = tpu.memref_squeeze %swap3A_809 : memref<1x80x128xf32, #tpu.memory_space<vmem>> -> memref<80x128xf32, #tpu.memory_space<vmem>>
        %swap3A_811 = arith.index_cast %add3A_755 : i32 to index
        %swap3A_812 = arith.constant 0 : index
        %swap3A_813 = tpu.vector_load %swap3A_810[%swap3A_811, %swap3A_812] {strides = array<i32>} : memref<80x128xf32, #tpu.memory_space<vmem>>, vector<1x16xf32>,
        %swap3A_814 = vector.shape_cast %swap3A_813 : vector<1x16xf32> to vector<16xf32>
        %swap3A_815 = vector.shape_cast %mul3A_806 : vector<16xf32> to vector<1x16xf32>
        tpu.vector_store %swap3A_810[%swap3A_811, %swap3A_812], %swap3A_815 {strides = array<i32>} : memref<80x128xf32, #tpu.memory_space<vmem>>, vector<1x16xf32>,
        %slice3A_816 = vector.extract_strided_slice %exp3A {offsets = [1], sizes = [1], strides = [1]} : vector<16xf32> to vector<1xf32>
        %squeeze3A_817 = vector.extract %slice3A_816[0] : f32 from vector<1xf32>
        %mul3A_818 = vector.broadcast %squeeze3A_817 : f32 to vector<16xf32>
        %mul3A_819 = arith.mulf %get3A_804, %mul3A_818 : vector<16xf32>
        %swap3A_820 = arith.constant 0 : i32
        %swap3A_821 = arith.constant 0 : i32
        %swap3A_822 = tpu.memref_slice %arg23[%scan3A_712, %swap3A_820, %swap3A_821] : memref<2x80x128xf32, #tpu.memory_space<vmem>> -> memref<1x80x128xf32, #tpu.memory_space<vmem>>
        %swap3A_823 = tpu.memref_squeeze %swap3A_822 : memref<1x80x128xf32, #tpu.memory_space<vmem>> -> memref<80x128xf32, #tpu.memory_space<vmem>>
        %swap3A_824 = arith.index_cast %add3A_755 : i32 to index
        %swap3A_825 = arith.constant 16 : index
        %swap3A_826 = tpu.vector_load %swap3A_823[%swap3A_824, %swap3A_825] {strides = array<i32>} : memref<80x128xf32, #tpu.memory_space<vmem>>, vector<1x16xf32>,
        %swap3A_827 = vector.shape_cast %swap3A_826 : vector<1x16xf32> to vector<16xf32>
        %swap3A_828 = vector.shape_cast %mul3A_819 : vector<16xf32> to vector<1x16xf32>
        tpu.vector_store %swap3A_823[%swap3A_824, %swap3A_825], %swap3A_828 {strides = array<i32>} : memref<80x128xf32, #tpu.memory_space<vmem>>, vector<1x16xf32>,
        %slice3A_829 = vector.extract_strided_slice %exp3A {offsets = [2], sizes = [1], strides = [1]} : vector<16xf32> to vector<1xf32>
        %squeeze3A_830 = vector.extract %slice3A_829[0] : f32 from vector<1xf32>
        %mul3A_831 = vector.broadcast %squeeze3A_830 : f32 to vector<16xf32>
        %mul3A_832 = arith.mulf %get3A_804, %mul3A_831 : vector<16xf32>
        %swap3A_833 = arith.constant 0 : i32
        %swap3A_834 = arith.constant 0 : i32
        %swap3A_835 = tpu.memref_slice %arg23[%scan3A_712, %swap3A_833, %swap3A_834] : memref<2x80x128xf32, #tpu.memory_space<vmem>> -> memref<1x80x128xf32, #tpu.memory_space<vmem>>
        %swap3A_836 = tpu.memref_squeeze %swap3A_835 : memref<1x80x128xf32, #tpu.memory_space<vmem>> -> memref<80x128xf32, #tpu.memory_space<vmem>>
        %swap3A_837 = arith.index_cast %add3A_755 : i32 to index
        %swap3A_838 = arith.constant 32 : index
        %swap3A_839 = tpu.vector_load %swap3A_836[%swap3A_837, %swap3A_838] {strides = array<i32>} : memref<80x128xf32, #tpu.memory_space<vmem>>, vector<1x16xf32>,
        %swap3A_840 = vector.shape_cast %swap3A_839 : vector<1x16xf32> to vector<16xf32>
        %swap3A_841 = vector.shape_cast %mul3A_832 : vector<16xf32> to vector<1x16xf32>
        tpu.vector_store %swap3A_836[%swap3A_837, %swap3A_838], %swap3A_841 {strides = array<i32>} : memref<80x128xf32, #tpu.memory_space<vmem>>, vector<1x16xf32>,
        %slice3A_842 = vector.extract_strided_slice %exp3A {offsets = [3], sizes = [1], strides = [1]} : vector<16xf32> to vector<1xf32>
        %squeeze3A_843 = vector.extract %slice3A_842[0] : f32 from vector<1xf32>
        %mul3A_844 = vector.broadcast %squeeze3A_843 : f32 to vector<16xf32>
        %mul3A_845 = arith.mulf %get3A_804, %mul3A_844 : vector<16xf32>
        %swap3A_846 = arith.constant 0 : i32
        %swap3A_847 = arith.constant 0 : i32
        %swap3A_848 = tpu.memref_slice %arg23[%scan3A_712, %swap3A_846, %swap3A_847] : memref<2x80x128xf32, #tpu.memory_space<vmem>> -> memref<1x80x128xf32, #tpu.memory_space<vmem>>
        %swap3A_849 = tpu.memref_squeeze %swap3A_848 : memref<1x80x128xf32, #tpu.memory_space<vmem>> -> memref<80x128xf32, #tpu.memory_space<vmem>>
        %swap3A_850 = arith.index_cast %add3A_755 : i32 to index
        %swap3A_851 = arith.constant 48 : index
        %swap3A_852 = tpu.vector_load %swap3A_849[%swap3A_850, %swap3A_851] {strides = array<i32>} : memref<80x128xf32, #tpu.memory_space<vmem>>, vector<1x16xf32>,
        %swap3A_853 = vector.shape_cast %swap3A_852 : vector<1x16xf32> to vector<16xf32>
        %swap3A_854 = vector.shape_cast %mul3A_845 : vector<16xf32> to vector<1x16xf32>
        tpu.vector_store %swap3A_849[%swap3A_850, %swap3A_851], %swap3A_854 {strides = array<i32>} : memref<80x128xf32, #tpu.memory_space<vmem>>, vector<1x16xf32>,
        %slice3A_855 = vector.extract_strided_slice %exp3A {offsets = [4], sizes = [1], strides = [1]} : vector<16xf32> to vector<1xf32>
        %squeeze3A_856 = vector.extract %slice3A_855[0] : f32 from vector<1xf32>
        %mul3A_857 = vector.broadcast %squeeze3A_856 : f32 to vector<16xf32>
        %mul3A_858 = arith.mulf %get3A_804, %mul3A_857 : vector<16xf32>
        %swap3A_859 = arith.constant 0 : i32
        %swap3A_860 = arith.constant 0 : i32
        %swap3A_861 = tpu.memref_slice %arg23[%scan3A_712, %swap3A_859, %swap3A_860] : memref<2x80x128xf32, #tpu.memory_space<vmem>> -> memref<1x80x128xf32, #tpu.memory_space<vmem>>
        %swap3A_862 = tpu.memref_squeeze %swap3A_861 : memref<1x80x128xf32, #tpu.memory_space<vmem>> -> memref<80x128xf32, #tpu.memory_space<vmem>>
        %swap3A_863 = arith.index_cast %add3A_755 : i32 to index
        %swap3A_864 = arith.constant 64 : index
        %swap3A_865 = tpu.vector_load %swap3A_862[%swap3A_863, %swap3A_864] {strides = array<i32>} : memref<80x128xf32, #tpu.memory_space<vmem>>, vector<1x16xf32>,
        %swap3A_866 = vector.shape_cast %swap3A_865 : vector<1x16xf32> to vector<16xf32>
        %swap3A_867 = vector.shape_cast %mul3A_858 : vector<16xf32> to vector<1x16xf32>
        tpu.vector_store %swap3A_862[%swap3A_863, %swap3A_864], %swap3A_867 {strides = array<i32>} : memref<80x128xf32, #tpu.memory_space<vmem>>, vector<1x16xf32>,
        %slice3A_868 = vector.extract_strided_slice %exp3A {offsets = [5], sizes = [1], strides = [1]} : vector<16xf32> to vector<1xf32>
        %squeeze3A_869 = vector.extract %slice3A_868[0] : f32 from vector<1xf32>
        %mul3A_870 = vector.broadcast %squeeze3A_869 : f32 to vector<16xf32>
        %mul3A_871 = arith.mulf %get3A_804, %mul3A_870 : vector<16xf32>
        %swap3A_872 = arith.constant 0 : i32
        %swap3A_873 = arith.constant 0 : i32
        %swap3A_874 = tpu.memref_slice %arg23[%scan3A_712, %swap3A_872, %swap3A_873] : memref<2x80x128xf32, #tpu.memory_space<vmem>> -> memref<1x80x128xf32, #tpu.memory_space<vmem>>
        %swap3A_875 = tpu.memref_squeeze %swap3A_874 : memref<1x80x128xf32, #tpu.memory_space<vmem>> -> memref<80x128xf32, #tpu.memory_space<vmem>>
        %swap3A_876 = arith.index_cast %add3A_755 : i32 to index
        %swap3A_877 = arith.constant 80 : index
        %swap3A_878 = tpu.vector_load %swap3A_875[%swap3A_876, %swap3A_877] {strides = array<i32>} : memref<80x128xf32, #tpu.memory_space<vmem>>, vector<1x16xf32>,
        %swap3A_879 = vector.shape_cast %swap3A_878 : vector<1x16xf32> to vector<16xf32>
        %swap3A_880 = vector.shape_cast %mul3A_871 : vector<16xf32> to vector<1x16xf32>
        tpu.vector_store %swap3A_875[%swap3A_876, %swap3A_877], %swap3A_880 {strides = array<i32>} : memref<80x128xf32, #tpu.memory_space<vmem>>, vector<1x16xf32>,
        %slice3A_881 = vector.extract_strided_slice %exp3A {offsets = [6], sizes = [1], strides = [1]} : vector<16xf32> to vector<1xf32>
        %squeeze3A_882 = vector.extract %slice3A_881[0] : f32 from vector<1xf32>
        %mul3A_883 = vector.broadcast %squeeze3A_882 : f32 to vector<16xf32>
        %mul3A_884 = arith.mulf %get3A_804, %mul3A_883 : vector<16xf32>
        %swap3A_885 = arith.constant 0 : i32
        %swap3A_886 = arith.constant 0 : i32
        %swap3A_887 = tpu.memref_slice %arg23[%scan3A_712, %swap3A_885, %swap3A_886] : memref<2x80x128xf32, #tpu.memory_space<vmem>> -> memref<1x80x128xf32, #tpu.memory_space<vmem>>
        %swap3A_888 = tpu.memref_squeeze %swap3A_887 : memref<1x80x128xf32, #tpu.memory_space<vmem>> -> memref<80x128xf32, #tpu.memory_space<vmem>>
        %swap3A_889 = arith.index_cast %add3A_755 : i32 to index
        %swap3A_890 = arith.constant 96 : index
        %swap3A_891 = tpu.vector_load %swap3A_888[%swap3A_889, %swap3A_890] {strides = array<i32>} : memref<80x128xf32, #tpu.memory_space<vmem>>, vector<1x16xf32>,
        %swap3A_892 = vector.shape_cast %swap3A_891 : vector<1x16xf32> to vector<16xf32>
        %swap3A_893 = vector.shape_cast %mul3A_884 : vector<16xf32> to vector<1x16xf32>
        tpu.vector_store %swap3A_888[%swap3A_889, %swap3A_890], %swap3A_893 {strides = array<i32>} : memref<80x128xf32, #tpu.memory_space<vmem>>, vector<1x16xf32>,
        %slice3A_894 = vector.extract_strided_slice %exp3A {offsets = [7], sizes = [1], strides = [1]} : vector<16xf32> to vector<1xf32>
        %squeeze3A_895 = vector.extract %slice3A_894[0] : f32 from vector<1xf32>
        %mul3A_896 = vector.broadcast %squeeze3A_895 : f32 to vector<16xf32>
        %mul3A_897 = arith.mulf %get3A_804, %mul3A_896 : vector<16xf32>
        %swap3A_898 = arith.constant 0 : i32
        %swap3A_899 = arith.constant 0 : i32
        %swap3A_900 = tpu.memref_slice %arg23[%scan3A_712, %swap3A_898, %swap3A_899] : memref<2x80x128xf32, #tpu.memory_space<vmem>> -> memref<1x80x128xf32, #tpu.memory_space<vmem>>
        %swap3A_901 = tpu.memref_squeeze %swap3A_900 : memref<1x80x128xf32, #tpu.memory_space<vmem>> -> memref<80x128xf32, #tpu.memory_space<vmem>>
        %swap3A_902 = arith.index_cast %add3A_755 : i32 to index
        %swap3A_903 = arith.constant 112 : index
        %swap3A_904 = tpu.vector_load %swap3A_901[%swap3A_902, %swap3A_903] {strides = array<i32>} : memref<80x128xf32, #tpu.memory_space<vmem>>, vector<1x16xf32>,
        %swap3A_905 = vector.shape_cast %swap3A_904 : vector<1x16xf32> to vector<16xf32>
        %swap3A_906 = vector.shape_cast %mul3A_897 : vector<16xf32> to vector<1x16xf32>
        tpu.vector_store %swap3A_901[%swap3A_902, %swap3A_903], %swap3A_906 {strides = array<i32>} : memref<80x128xf32, #tpu.memory_space<vmem>>, vector<1x16xf32>,
        %mul3A_907 = arith.constant 2 : i32
        %mul3A_908 = arith.muli %scan3A_751, %mul3A_907 : i32
        %add3A_909 = arith.constant 1 : i32
        %add3A_910 = arith.addi %mul3A_908, %add3A_909 : i32
        %get3A_911 = arith.constant 0 : i32
        %get3A_912 = arith.constant 0 : i32
        %get3A_913 = tpu.memref_slice %arg20[%scan3A_707, %get3A_911, %get3A_912] : memref<2x80x16xf32, #tpu.memory_space<vmem>> -> memref<1x80x16xf32, #tpu.memory_space<vmem>>
        %get3A_914 = tpu.memref_squeeze %get3A_913 : memref<1x80x16xf32, #tpu.memory_space<vmem>> -> memref<80x16xf32, #tpu.memory_space<vmem>>
        %get3A_915 = arith.index_cast %add3A_910 : i32 to index
        %get3A_916 = arith.constant 0 : index
        %get3A_917 = tpu.vector_load %get3A_914[%get3A_915, %get3A_916] {strides = array<i32>} : memref<80x16xf32, #tpu.memory_space<vmem>>, vector<1x16xf32>,
        %get3A_918 = vector.shape_cast %get3A_917 : vector<1x16xf32> to vector<16xf32>
        %get3A_919 = arith.constant 0 : i32
        %get3A_920 = arith.constant 0 : i32
        %get3A_921 = tpu.memref_slice %arg21[%scan3A_708, %get3A_919, %get3A_920] : memref<2x80x16xf32, #tpu.memory_space<vmem>> -> memref<1x80x16xf32, #tpu.memory_space<vmem>>
        %get3A_922 = tpu.memref_squeeze %get3A_921 : memref<1x80x16xf32, #tpu.memory_space<vmem>> -> memref<80x16xf32, #tpu.memory_space<vmem>>
        %get3A_923 = arith.index_cast %add3A_910 : i32 to index
        %get3A_924 = arith.constant 0 : index
        %get3A_925 = tpu.vector_load %get3A_922[%get3A_923, %get3A_924] {strides = array<i32>} : memref<80x16xf32, #tpu.memory_space<vmem>>, vector<1x16xf32>,
        %get3A_926 = vector.shape_cast %get3A_925 : vector<1x16xf32> to vector<16xf32>
        %add3A_927 = arith.addf %get3A_918, %get3A_926 : vector<16xf32>
        %get3A_928 = arith.constant 0 : i32
        %get3A_929 = arith.constant 0 : i32
        %get3A_930 = tpu.memref_slice %arg18[%scan3A_709, %get3A_928, %get3A_929] : memref<2x80x16xf32, #tpu.memory_space<vmem>> -> memref<1x80x16xf32, #tpu.memory_space<vmem>>
        %get3A_931 = tpu.memref_squeeze %get3A_930 : memref<1x80x16xf32, #tpu.memory_space<vmem>> -> memref<80x16xf32, #tpu.memory_space<vmem>>
        %get3A_932 = arith.index_cast %add3A_910 : i32 to index
        %get3A_933 = arith.constant 0 : index
        %get3A_934 = tpu.vector_load %get3A_931[%get3A_932, %get3A_933] {strides = array<i32>} : memref<80x16xf32, #tpu.memory_space<vmem>>, vector<1x16xf32>,
        %get3A_935 = vector.shape_cast %get3A_934 : vector<1x16xf32> to vector<16xf32>
        %add3A_936 = arith.addf %add3A_927, %get3A_935 : vector<16xf32>
        %gt3A_937 = arith.constant 0.000000e+00 : f32
        %gt3A_938 = vector.broadcast %gt3A_937 : f32 to vector<16xf32>
        %gt3A_939 = arith.cmpf ogt, %add3A_936, %gt3A_938 : vector<16xf32>
        %mul3A_940 = arith.constant 0.00999999977 : f32
        %mul3A_941 = vector.broadcast %mul3A_940 : f32 to vector<16xf32>
        %mul3A_942 = arith.mulf %add3A_936, %mul3A_941 : vector<16xf32>
        %select_n3A_943 = arith.select %gt3A_939, %add3A_936, %mul3A_942 : vector<16xi1>, vector<16xf32>
        %sub3A_944 = arith.subf %select_n3A_943, %get3A_705 : vector<16xf32>
        %exp3A_945 = math.exp %sub3A_944 : vector<16xf32>
        %swap3A_946 = arith.constant 0 : i32
        %swap3A_947 = arith.constant 0 : i32
        %swap3A_948 = tpu.memref_slice %arg22[%scan3A_710, %swap3A_946, %swap3A_947] : memref<2x80x16xf32, #tpu.memory_space<vmem>> -> memref<1x80x16xf32, #tpu.memory_space<vmem>>
        %swap3A_949 = tpu.memref_squeeze %swap3A_948 : memref<1x80x16xf32, #tpu.memory_space<vmem>> -> memref<80x16xf32, #tpu.memory_space<vmem>>
        %swap3A_950 = arith.index_cast %add3A_910 : i32 to index
        %swap3A_951 = arith.constant 0 : index
        %swap3A_952 = tpu.vector_load %swap3A_949[%swap3A_950, %swap3A_951] {strides = array<i32>} : memref<80x16xf32, #tpu.memory_space<vmem>>, vector<1x16xf32>,
        %swap3A_953 = vector.shape_cast %swap3A_952 : vector<1x16xf32> to vector<16xf32>
        %swap3A_954 = vector.shape_cast %exp3A_945 : vector<16xf32> to vector<1x16xf32>
        tpu.vector_store %swap3A_949[%swap3A_950, %swap3A_951], %swap3A_954 {strides = array<i32>} : memref<80x16xf32, #tpu.memory_space<vmem>>, vector<1x16xf32>,
        %get3A_955 = arith.constant 0 : i32
        %get3A_956 = arith.constant 0 : i32
        %get3A_957 = tpu.memref_slice %arg19[%scan3A_711, %get3A_955, %get3A_956] : memref<2x80x16xf32, #tpu.memory_space<vmem>> -> memref<1x80x16xf32, #tpu.memory_space<vmem>>
        %get3A_958 = tpu.memref_squeeze %get3A_957 : memref<1x80x16xf32, #tpu.memory_space<vmem>> -> memref<80x16xf32, #tpu.memory_space<vmem>>
        %get3A_959 = arith.index_cast %add3A_910 : i32 to index
        %get3A_960 = arith.constant 0 : index
        %get3A_961 = tpu.vector_load %get3A_958[%get3A_959, %get3A_960] {strides = array<i32>} : memref<80x16xf32, #tpu.memory_space<vmem>>, vector<1x16xf32>,
        %get3A_962 = vector.shape_cast %get3A_961 : vector<1x16xf32> to vector<16xf32>
        %slice3A_963 = vector.extract_strided_slice %exp3A_945 {offsets = [0], sizes = [1], strides = [1]} : vector<16xf32> to vector<1xf32>
        %squeeze3A_964 = vector.extract %slice3A_963[0] : f32 from vector<1xf32>
        %mul3A_965 = vector.broadcast %squeeze3A_964 : f32 to vector<16xf32>
        %mul3A_966 = arith.mulf %get3A_962, %mul3A_965 : vector<16xf32>
        %swap3A_967 = arith.constant 0 : i32
        %swap3A_968 = arith.constant 0 : i32
        %swap3A_969 = tpu.memref_slice %arg23[%scan3A_712, %swap3A_967, %swap3A_968] : memref<2x80x128xf32, #tpu.memory_space<vmem>> -> memref<1x80x128xf32, #tpu.memory_space<vmem>>
        %swap3A_970 = tpu.memref_squeeze %swap3A_969 : memref<1x80x128xf32, #tpu.memory_space<vmem>> -> memref<80x128xf32, #tpu.memory_space<vmem>>
        %swap3A_971 = arith.index_cast %add3A_910 : i32 to index
        %swap3A_972 = arith.constant 0 : index
        %swap3A_973 = tpu.vector_load %swap3A_970[%swap3A_971, %swap3A_972] {strides = array<i32>} : memref<80x128xf32, #tpu.memory_space<vmem>>, vector<1x16xf32>,
        %swap3A_974 = vector.shape_cast %swap3A_973 : vector<1x16xf32> to vector<16xf32>
        %swap3A_975 = vector.shape_cast %mul3A_966 : vector<16xf32> to vector<1x16xf32>
        tpu.vector_store %swap3A_970[%swap3A_971, %swap3A_972], %swap3A_975 {strides = array<i32>} : memref<80x128xf32, #tpu.memory_space<vmem>>, vector<1x16xf32>,
        %slice3A_976 = vector.extract_strided_slice %exp3A_945 {offsets = [1], sizes = [1], strides = [1]} : vector<16xf32> to vector<1xf32>
        %squeeze3A_977 = vector.extract %slice3A_976[0] : f32 from vector<1xf32>
        %mul3A_978 = vector.broadcast %squeeze3A_977 : f32 to vector<16xf32>
        %mul3A_979 = arith.mulf %get3A_962, %mul3A_978 : vector<16xf32>
        %swap3A_980 = arith.constant 0 : i32
        %swap3A_981 = arith.constant 0 : i32
        %swap3A_982 = tpu.memref_slice %arg23[%scan3A_712, %swap3A_980, %swap3A_981] : memref<2x80x128xf32, #tpu.memory_space<vmem>> -> memref<1x80x128xf32, #tpu.memory_space<vmem>>
        %swap3A_983 = tpu.memref_squeeze %swap3A_982 : memref<1x80x128xf32, #tpu.memory_space<vmem>> -> memref<80x128xf32, #tpu.memory_space<vmem>>
        %swap3A_984 = arith.index_cast %add3A_910 : i32 to index
        %swap3A_985 = arith.constant 16 : index
        %swap3A_986 = tpu.vector_load %swap3A_983[%swap3A_984, %swap3A_985] {strides = array<i32>} : memref<80x128xf32, #tpu.memory_space<vmem>>, vector<1x16xf32>,
        %swap3A_987 = vector.shape_cast %swap3A_986 : vector<1x16xf32> to vector<16xf32>
        %swap3A_988 = vector.shape_cast %mul3A_979 : vector<16xf32> to vector<1x16xf32>
        tpu.vector_store %swap3A_983[%swap3A_984, %swap3A_985], %swap3A_988 {strides = array<i32>} : memref<80x128xf32, #tpu.memory_space<vmem>>, vector<1x16xf32>,
        %slice3A_989 = vector.extract_strided_slice %exp3A_945 {offsets = [2], sizes = [1], strides = [1]} : vector<16xf32> to vector<1xf32>
        %squeeze3A_990 = vector.extract %slice3A_989[0] : f32 from vector<1xf32>
        %mul3A_991 = vector.broadcast %squeeze3A_990 : f32 to vector<16xf32>
        %mul3A_992 = arith.mulf %get3A_962, %mul3A_991 : vector<16xf32>
        %swap3A_993 = arith.constant 0 : i32
        %swap3A_994 = arith.constant 0 : i32
        %swap3A_995 = tpu.memref_slice %arg23[%scan3A_712, %swap3A_993, %swap3A_994] : memref<2x80x128xf32, #tpu.memory_space<vmem>> -> memref<1x80x128xf32, #tpu.memory_space<vmem>>
        %swap3A_996 = tpu.memref_squeeze %swap3A_995 : memref<1x80x128xf32, #tpu.memory_space<vmem>> -> memref<80x128xf32, #tpu.memory_space<vmem>>
        %swap3A_997 = arith.index_cast %add3A_910 : i32 to index
        %swap3A_998 = arith.constant 32 : index
        %swap3A_999 = tpu.vector_load %swap3A_996[%swap3A_997, %swap3A_998] {strides = array<i32>} : memref<80x128xf32, #tpu.memory_space<vmem>>, vector<1x16xf32>,
        %swap3A_1000 = vector.shape_cast %swap3A_999 : vector<1x16xf32> to vector<16xf32>
        %swap3A_1001 = vector.shape_cast %mul3A_992 : vector<16xf32> to vector<1x16xf32>
        tpu.vector_store %swap3A_996[%swap3A_997, %swap3A_998], %swap3A_1001 {strides = array<i32>} : memref<80x128xf32, #tpu.memory_space<vmem>>, vector<1x16xf32>,
        %slice3A_1002 = vector.extract_strided_slice %exp3A_945 {offsets = [3], sizes = [1], strides = [1]} : vector<16xf32> to vector<1xf32>
        %squeeze3A_1003 = vector.extract %slice3A_1002[0] : f32 from vector<1xf32>
        %mul3A_1004 = vector.broadcast %squeeze3A_1003 : f32 to vector<16xf32>
        %mul3A_1005 = arith.mulf %get3A_962, %mul3A_1004 : vector<16xf32>
        %swap3A_1006 = arith.constant 0 : i32
        %swap3A_1007 = arith.constant 0 : i32
        %swap3A_1008 = tpu.memref_slice %arg23[%scan3A_712, %swap3A_1006, %swap3A_1007] : memref<2x80x128xf32, #tpu.memory_space<vmem>> -> memref<1x80x128xf32, #tpu.memory_space<vmem>>
        %swap3A_1009 = tpu.memref_squeeze %swap3A_1008 : memref<1x80x128xf32, #tpu.memory_space<vmem>> -> memref<80x128xf32, #tpu.memory_space<vmem>>
        %swap3A_1010 = arith.index_cast %add3A_910 : i32 to index
        %swap3A_1011 = arith.constant 48 : index
        %swap3A_1012 = tpu.vector_load %swap3A_1009[%swap3A_1010, %swap3A_1011] {strides = array<i32>} : memref<80x128xf32, #tpu.memory_space<vmem>>, vector<1x16xf32>,
        %swap3A_1013 = vector.shape_cast %swap3A_1012 : vector<1x16xf32> to vector<16xf32>
        %swap3A_1014 = vector.shape_cast %mul3A_1005 : vector<16xf32> to vector<1x16xf32>
        tpu.vector_store %swap3A_1009[%swap3A_1010, %swap3A_1011], %swap3A_1014 {strides = array<i32>} : memref<80x128xf32, #tpu.memory_space<vmem>>, vector<1x16xf32>,
        %slice3A_1015 = vector.extract_strided_slice %exp3A_945 {offsets = [4], sizes = [1], strides = [1]} : vector<16xf32> to vector<1xf32>
        %squeeze3A_1016 = vector.extract %slice3A_1015[0] : f32 from vector<1xf32>
        %mul3A_1017 = vector.broadcast %squeeze3A_1016 : f32 to vector<16xf32>
        %mul3A_1018 = arith.mulf %get3A_962, %mul3A_1017 : vector<16xf32>
        %swap3A_1019 = arith.constant 0 : i32
        %swap3A_1020 = arith.constant 0 : i32
        %swap3A_1021 = tpu.memref_slice %arg23[%scan3A_712, %swap3A_1019, %swap3A_1020] : memref<2x80x128xf32, #tpu.memory_space<vmem>> -> memref<1x80x128xf32, #tpu.memory_space<vmem>>
        %swap3A_1022 = tpu.memref_squeeze %swap3A_1021 : memref<1x80x128xf32, #tpu.memory_space<vmem>> -> memref<80x128xf32, #tpu.memory_space<vmem>>
        %swap3A_1023 = arith.index_cast %add3A_910 : i32 to index
        %swap3A_1024 = arith.constant 64 : index
        %swap3A_1025 = tpu.vector_load %swap3A_1022[%swap3A_1023, %swap3A_1024] {strides = array<i32>} : memref<80x128xf32, #tpu.memory_space<vmem>>, vector<1x16xf32>,
        %swap3A_1026 = vector.shape_cast %swap3A_1025 : vector<1x16xf32> to vector<16xf32>
        %swap3A_1027 = vector.shape_cast %mul3A_1018 : vector<16xf32> to vector<1x16xf32>
        tpu.vector_store %swap3A_1022[%swap3A_1023, %swap3A_1024], %swap3A_1027 {strides = array<i32>} : memref<80x128xf32, #tpu.memory_space<vmem>>, vector<1x16xf32>,
        %slice3A_1028 = vector.extract_strided_slice %exp3A_945 {offsets = [5], sizes = [1], strides = [1]} : vector<16xf32> to vector<1xf32>
        %squeeze3A_1029 = vector.extract %slice3A_1028[0] : f32 from vector<1xf32>
        %mul3A_1030 = vector.broadcast %squeeze3A_1029 : f32 to vector<16xf32>
        %mul3A_1031 = arith.mulf %get3A_962, %mul3A_1030 : vector<16xf32>
        %swap3A_1032 = arith.constant 0 : i32
        %swap3A_1033 = arith.constant 0 : i32
        %swap3A_1034 = tpu.memref_slice %arg23[%scan3A_712, %swap3A_1032, %swap3A_1033] : memref<2x80x128xf32, #tpu.memory_space<vmem>> -> memref<1x80x128xf32, #tpu.memory_space<vmem>>
        %swap3A_1035 = tpu.memref_squeeze %swap3A_1034 : memref<1x80x128xf32, #tpu.memory_space<vmem>> -> memref<80x128xf32, #tpu.memory_space<vmem>>
        %swap3A_1036 = arith.index_cast %add3A_910 : i32 to index
        %swap3A_1037 = arith.constant 80 : index
        %swap3A_1038 = tpu.vector_load %swap3A_1035[%swap3A_1036, %swap3A_1037] {strides = array<i32>} : memref<80x128xf32, #tpu.memory_space<vmem>>, vector<1x16xf32>,
        %swap3A_1039 = vector.shape_cast %swap3A_1038 : vector<1x16xf32> to vector<16xf32>
        %swap3A_1040 = vector.shape_cast %mul3A_1031 : vector<16xf32> to vector<1x16xf32>
        tpu.vector_store %swap3A_1035[%swap3A_1036, %swap3A_1037], %swap3A_1040 {strides = array<i32>} : memref<80x128xf32, #tpu.memory_space<vmem>>, vector<1x16xf32>,
        %slice3A_1041 = vector.extract_strided_slice %exp3A_945 {offsets = [6], sizes = [1], strides = [1]} : vector<16xf32> to vector<1xf32>
        %squeeze3A_1042 = vector.extract %slice3A_1041[0] : f32 from vector<1xf32>
        %mul3A_1043 = vector.broadcast %squeeze3A_1042 : f32 to vector<16xf32>
        %mul3A_1044 = arith.mulf %get3A_962, %mul3A_1043 : vector<16xf32>
        %swap3A_1045 = arith.constant 0 : i32
        %swap3A_1046 = arith.constant 0 : i32
        %swap3A_1047 = tpu.memref_slice %arg23[%scan3A_712, %swap3A_1045, %swap3A_1046] : memref<2x80x128xf32, #tpu.memory_space<vmem>> -> memref<1x80x128xf32, #tpu.memory_space<vmem>>
        %swap3A_1048 = tpu.memref_squeeze %swap3A_1047 : memref<1x80x128xf32, #tpu.memory_space<vmem>> -> memref<80x128xf32, #tpu.memory_space<vmem>>
        %swap3A_1049 = arith.index_cast %add3A_910 : i32 to index
        %swap3A_1050 = arith.constant 96 : index
        %swap3A_1051 = tpu.vector_load %swap3A_1048[%swap3A_1049, %swap3A_1050] {strides = array<i32>} : memref<80x128xf32, #tpu.memory_space<vmem>>, vector<1x16xf32>,
        %swap3A_1052 = vector.shape_cast %swap3A_1051 : vector<1x16xf32> to vector<16xf32>
        %swap3A_1053 = vector.shape_cast %mul3A_1044 : vector<16xf32> to vector<1x16xf32>
        tpu.vector_store %swap3A_1048[%swap3A_1049, %swap3A_1050], %swap3A_1053 {strides = array<i32>} : memref<80x128xf32, #tpu.memory_space<vmem>>, vector<1x16xf32>,
        %slice3A_1054 = vector.extract_strided_slice %exp3A_945 {offsets = [7], sizes = [1], strides = [1]} : vector<16xf32> to vector<1xf32>
        %squeeze3A_1055 = vector.extract %slice3A_1054[0] : f32 from vector<1xf32>
        %mul3A_1056 = vector.broadcast %squeeze3A_1055 : f32 to vector<16xf32>
        %mul3A_1057 = arith.mulf %get3A_962, %mul3A_1056 : vector<16xf32>
        %swap3A_1058 = arith.constant 0 : i32
        %swap3A_1059 = arith.constant 0 : i32
        %swap3A_1060 = tpu.memref_slice %arg23[%scan3A_712, %swap3A_1058, %swap3A_1059] : memref<2x80x128xf32, #tpu.memory_space<vmem>> -> memref<1x80x128xf32, #tpu.memory_space<vmem>>
        %swap3A_1061 = tpu.memref_squeeze %swap3A_1060 : memref<1x80x128xf32, #tpu.memory_space<vmem>> -> memref<80x128xf32, #tpu.memory_space<vmem>>
        %swap3A_1062 = arith.index_cast %add3A_910 : i32 to index
        %swap3A_1063 = arith.constant 112 : index
        %swap3A_1064 = tpu.vector_load %swap3A_1061[%swap3A_1062, %swap3A_1063] {strides = array<i32>} : memref<80x128xf32, #tpu.memory_space<vmem>>, vector<1x16xf32>,
        %swap3A_1065 = vector.shape_cast %swap3A_1064 : vector<1x16xf32> to vector<16xf32>
        %swap3A_1066 = vector.shape_cast %mul3A_1057 : vector<16xf32> to vector<1x16xf32>
        tpu.vector_store %swap3A_1061[%swap3A_1062, %swap3A_1063], %swap3A_1066 {strides = array<i32>} : memref<80x128xf32, #tpu.memory_space<vmem>>, vector<1x16xf32>,
      }
      %scan3A_717 = arith.constant 40 : i32
      %dma_start3A_718 = arith.constant 1 : i32
      %dma_start3A_719 = arith.constant 1 : i32
      %dma_start3A_720 = arith.constant 0 : i32
      %dma_start3A_721 = arith.constant 0 : i32
      %dma_start3A_722 = tpu.memref_slice %arg23[%dma_start3A_718, %dma_start3A_720, %dma_start3A_721] : memref<2x80x128xf32, #tpu.memory_space<vmem>> -> memref<1x80x128xf32, #tpu.memory_space<vmem>>
      %dma_start3A_723 = tpu.memref_squeeze %dma_start3A_722 : memref<1x80x128xf32, #tpu.memory_space<vmem>> -> memref<80x128xf32, #tpu.memory_space<vmem>>
      %dma_start3A_724 = arith.constant 0 : i32
      %dma_start3A_725 = tpu.memref_slice %arg17[%dma_start3A_719, %dma_start3A_724] : memref<2x80xi32, #tpu.memory_space<vmem>> -> memref<1x80xi32, #tpu.memory_space<vmem>>
      %dma_start3A_726 = tpu.memref_squeeze %dma_start3A_725 : memref<1x80xi32, #tpu.memory_space<vmem>> -> memref<80xi32, #tpu.memory_space<vmem>>
      %dma_start3A_727 = arith.constant 0 : i32
      %dma_start3A_728 = arith.constant 0 : i32
      %dma_start3A_729 = tpu.memref_slice %arg26[%dma_start3A_727, %dma_start3A_728] : memref<10240x128xf32, #tpu.memory_space<vmem_shared>> -> memref<10240x128xf32, #tpu.memory_space<vmem_shared>>
      tpu.enqueue_indirect_dma source(%dma_start3A_723 : memref<80x128xf32, #tpu.memory_space<vmem>>) target(%dma_start3A_729 : memref<10240x128xf32, #tpu.memory_space<vmem_shared>>) offsets(%dma_start3A_726 : memref<80xi32, #tpu.memory_space<vmem>>) semaphore(%arg31 : memref<!tpu.dma_semaphore, #tpu.memory_space<semaphore_mem>>) {add = true}
      %dma_start3A_730 = arith.constant 1 : i32
      %dma_start3A_731 = arith.constant 1 : i32
      %dma_start3A_732 = arith.constant 0 : i32
      %dma_start3A_733 = arith.constant 0 : i32
      %dma_start3A_734 = tpu.memref_slice %arg22[%dma_start3A_730, %dma_start3A_732, %dma_start3A_733] : memref<2x80x16xf32, #tpu.memory_space<vmem>> -> memref<1x80x16xf32, #tpu.memory_space<vmem>>
      %dma_start3A_735 = tpu.memref_squeeze %dma_start3A_734 : memref<1x80x16xf32, #tpu.memory_space<vmem>> -> memref<80x16xf32, #tpu.memory_space<vmem>>
      %dma_start3A_736 = arith.constant 0 : i32
      %dma_start3A_737 = tpu.memref_slice %arg17[%dma_start3A_731, %dma_start3A_736] : memref<2x80xi32, #tpu.memory_space<vmem>> -> memref<1x80xi32, #tpu.memory_space<vmem>>
      %dma_start3A_738 = tpu.memref_squeeze %dma_start3A_737 : memref<1x80xi32, #tpu.memory_space<vmem>> -> memref<80xi32, #tpu.memory_space<vmem>>
      %dma_start3A_739 = arith.constant 0 : i32
      %dma_start3A_740 = arith.constant 0 : i32
      %dma_start3A_741 = tpu.memref_slice %arg27[%dma_start3A_739, %dma_start3A_740] : memref<10240x16xf32, #tpu.memory_space<vmem_shared>> -> memref<10240x16xf32, #tpu.memory_space<vmem_shared>>
      tpu.enqueue_indirect_dma source(%dma_start3A_735 : memref<80x16xf32, #tpu.memory_space<vmem>>) target(%dma_start3A_741 : memref<10240x16xf32, #tpu.memory_space<vmem_shared>>) offsets(%dma_start3A_738 : memref<80xi32, #tpu.memory_space<vmem>>) semaphore(%arg32 : memref<!tpu.dma_semaphore, #tpu.memory_space<semaphore_mem>>) {add = true}
      %add3A_742 = arith.constant 2 : i32
      %add3A_743 = arith.addi %add3A_591, %add3A_742 : i32
      %mul3A_744 = arith.constant 80 : i32
      %mul3A_745 = arith.muli %add3A_743, %mul3A_744 : i32
      %lt3A_746 = arith.constant 10000 : i32
      %lt3A_747 = arith.cmpi slt, %mul3A_745, %lt3A_746 : i32
      %convert_element_type3A_748 = arith.extui %lt3A_747 : i1 to i32
      %cond3A_749 = arith.constant 0 : i32
      %cond3A_750 = arith.cmpi ne, %convert_element_type3A_748, %cond3A_749 : i32
      scf.if %cond3A_750 {
        %mul3A_751 = arith.constant 80 : i32
        %mul3A_752 = arith.muli %add3A_743, %mul3A_751 : i32
        %add3A_753 = arith.addi %mul3A_44, %mul3A_752 : i32
        %dma_start3A_754 = arith.constant 1 : i32
        %dma_start3A_755 = arith.constant 0 : i32
        %dma_start3A_756 = tpu.memref_slice %arg15[%dma_start3A_754, %dma_start3A_755] : memref<2x80xi32, #tpu.memory_space<vmem>> -> memref<1x80xi32, #tpu.memory_space<vmem>>
        %dma_start3A_757 = tpu.memref_squeeze %dma_start3A_756 : memref<1x80xi32, #tpu.memory_space<vmem>> -> memref<80xi32, #tpu.memory_space<vmem>>
        %dma_start3A_758 = tpu.memref_slice %arg6[%add3A_753] : memref<320000xi32, #tpu.memory_space<hbm>> -> memref<80xi32, #tpu.memory_space<hbm>>
        %dma_start3A_759 = arith.constant 0 : i32
        %dma_start3A_760 = tpu.memref_slice %arg15[%dma_start3A_754, %dma_start3A_759] : memref<2x80xi32, #tpu.memory_space<vmem>> -> memref<1x80xi32, #tpu.memory_space<vmem>>
        %dma_start3A_761 = tpu.memref_squeeze %dma_start3A_760 : memref<1x80xi32, #tpu.memory_space<vmem>> -> memref<80xi32, #tpu.memory_space<vmem>>
        %dma_start3A_762 = tpu.memref_slice %arg6[%add3A_753] : memref<320000xi32, #tpu.memory_space<hbm>> -> memref<80xi32, #tpu.memory_space<hbm>>
        tpu.enqueue_dma source(%dma_start3A_762 : memref<80xi32, #tpu.memory_space<hbm>>) target(%dma_start3A_761 : memref<80xi32, #tpu.memory_space<vmem>>) target_semaphore(%arg28 : memref<!tpu.dma_semaphore, #tpu.memory_space<semaphore_mem>>)
        %dma_start3A_763 = arith.constant 1 : i32
        %dma_start3A_764 = arith.constant 0 : i32
        %dma_start3A_765 = tpu.memref_slice %arg16[%dma_start3A_763, %dma_start3A_764] : memref<2x80xi32, #tpu.memory_space<vmem>> -> memref<1x80xi32, #tpu.memory_space<vmem>>
        %dma_start3A_766 = tpu.memref_squeeze %dma_start3A_765 : memref<1x80xi32, #tpu.memory_space<vmem>> -> memref<80xi32, #tpu.memory_space<vmem>>
        %dma_start3A_767 = tpu.memref_slice %arg7[%add3A_753] : memref<320000xi32, #tpu.memory_space<hbm>> -> memref<80xi32, #tpu.memory_space<hbm>>
        %dma_start3A_768 = arith.constant 0 : i32
        %dma_start3A_769 = tpu.memref_slice %arg16[%dma_start3A_763, %dma_start3A_768] : memref<2x80xi32, #tpu.memory_space<vmem>> -> memref<1x80xi32, #tpu.memory_space<vmem>>
        %dma_start3A_770 = tpu.memref_squeeze %dma_start3A_769 : memref<1x80xi32, #tpu.memory_space<vmem>> -> memref<80xi32, #tpu.memory_space<vmem>>
        %dma_start3A_771 = tpu.memref_slice %arg7[%add3A_753] : memref<320000xi32, #tpu.memory_space<hbm>> -> memref<80xi32, #tpu.memory_space<hbm>>
        tpu.enqueue_dma source(%dma_start3A_771 : memref<80xi32, #tpu.memory_space<hbm>>) target(%dma_start3A_770 : memref<80xi32, #tpu.memory_space<vmem>>) target_semaphore(%arg28 : memref<!tpu.dma_semaphore, #tpu.memory_space<semaphore_mem>>)
        %dma_start3A_772 = arith.constant 1 : i32
        %dma_start3A_773 = arith.constant 0 : i32
        %dma_start3A_774 = arith.constant 0 : i32
        %dma_start3A_775 = tpu.memref_slice %arg18[%dma_start3A_772, %dma_start3A_773, %dma_start3A_774] : memref<2x80x16xf32, #tpu.memory_space<vmem>> -> memref<1x80x16xf32, #tpu.memory_space<vmem>>
        %dma_start3A_776 = tpu.memref_squeeze %dma_start3A_775 : memref<1x80x16xf32, #tpu.memory_space<vmem>> -> memref<80x16xf32, #tpu.memory_space<vmem>>
        %dma_start3A_777 = arith.constant 0 : i32
        %dma_start3A_778 = tpu.memref_slice %arg4[%add3A_753, %dma_start3A_777] : memref<320000x16xf32, #tpu.memory_space<hbm>> -> memref<80x16xf32, #tpu.memory_space<hbm>>
        %dma_start3A_779 = arith.constant 0 : i32
        %dma_start3A_780 = arith.constant 0 : i32
        %dma_start3A_781 = tpu.memref_slice %arg18[%dma_start3A_772, %dma_start3A_779, %dma_start3A_780] : memref<2x80x16xf32, #tpu.memory_space<vmem>> -> memref<1x80x16xf32, #tpu.memory_space<vmem>>
        %dma_start3A_782 = tpu.memref_squeeze %dma_start3A_781 : memref<1x80x16xf32, #tpu.memory_space<vmem>> -> memref<80x16xf32, #tpu.memory_space<vmem>>
        %dma_start3A_783 = arith.constant 0 : i32
        %dma_start3A_784 = tpu.memref_slice %arg4[%add3A_753, %dma_start3A_783] : memref<320000x16xf32, #tpu.memory_space<hbm>> -> memref<80x16xf32, #tpu.memory_space<hbm>>
        tpu.enqueue_dma source(%dma_start3A_784 : memref<80x16xf32, #tpu.memory_space<hbm>>) target(%dma_start3A_782 : memref<80x16xf32, #tpu.memory_space<vmem>>) target_semaphore(%arg28 : memref<!tpu.dma_semaphore, #tpu.memory_space<semaphore_mem>>)
        %dma_start3A_785 = arith.constant 1 : i32
        %dma_start3A_786 = arith.constant 0 : i32
        %dma_start3A_787 = arith.constant 0 : i32
        %dma_start3A_788 = tpu.memref_slice %arg19[%dma_start3A_785, %dma_start3A_786, %dma_start3A_787] : memref<2x80x16xf32, #tpu.memory_space<vmem>> -> memref<1x80x16xf32, #tpu.memory_space<vmem>>
        %dma_start3A_789 = tpu.memref_squeeze %dma_start3A_788 : memref<1x80x16xf32, #tpu.memory_space<vmem>> -> memref<80x16xf32, #tpu.memory_space<vmem>>
        %dma_start3A_790 = arith.constant 0 : i32
        %dma_start3A_791 = tpu.memref_slice %arg5[%add3A_753, %dma_start3A_790] : memref<320000x16xf32, #tpu.memory_space<hbm>> -> memref<80x16xf32, #tpu.memory_space<hbm>>
        %dma_start3A_792 = arith.constant 0 : i32
        %dma_start3A_793 = arith.constant 0 : i32
        %dma_start3A_794 = tpu.memref_slice %arg19[%dma_start3A_785, %dma_start3A_792, %dma_start3A_793] : memref<2x80x16xf32, #tpu.memory_space<vmem>> -> memref<1x80x16xf32, #tpu.memory_space<vmem>>
        %dma_start3A_795 = tpu.memref_squeeze %dma_start3A_794 : memref<1x80x16xf32, #tpu.memory_space<vmem>> -> memref<80x16xf32, #tpu.memory_space<vmem>>
        %dma_start3A_796 = arith.constant 0 : i32
        %dma_start3A_797 = tpu.memref_slice %arg5[%add3A_753, %dma_start3A_796] : memref<320000x16xf32, #tpu.memory_space<hbm>> -> memref<80x16xf32, #tpu.memory_space<hbm>>
        tpu.enqueue_dma source(%dma_start3A_797 : memref<80x16xf32, #tpu.memory_space<hbm>>) target(%dma_start3A_795 : memref<80x16xf32, #tpu.memory_space<vmem>>) target_semaphore(%arg28 : memref<!tpu.dma_semaphore, #tpu.memory_space<semaphore_mem>>)
      } else {
      }
    }
    %scan3A_217 = arith.constant 62 : i32
    %dma_wait3A_218 = arith.constant 0 : i32
    %dma_wait3A_219 = arith.constant 0 : i32
    %dma_wait3A_220 = arith.constant 0 : i32
    %dma_wait3A_221 = arith.constant 0 : i32
    %dma_wait3A_222 = tpu.memref_slice %arg20[%dma_wait3A_219, %dma_wait3A_220, %dma_wait3A_221] : memref<2x80x16xf32, #tpu.memory_space<vmem>> -> memref<1x80x16xf32, #tpu.memory_space<vmem>>
    %dma_wait3A_223 = tpu.memref_squeeze %dma_wait3A_222 : memref<1x80x16xf32, #tpu.memory_space<vmem>> -> memref<80x16xf32, #tpu.memory_space<vmem>>
    %dma_wait3A_224 = arith.constant 0 : i32
    %dma_wait3A_225 = tpu.memref_slice %arg15[%dma_wait3A_218, %dma_wait3A_224] : memref<2x80xi32, #tpu.memory_space<vmem>> -> memref<1x80xi32, #tpu.memory_space<vmem>>
    %dma_wait3A_226 = tpu.memref_squeeze %dma_wait3A_225 : memref<1x80xi32, #tpu.memory_space<vmem>> -> memref<80xi32, #tpu.memory_space<vmem>>
    %dma_wait3A_227 = arith.constant 0 : i32
    %dma_wait3A_228 = arith.constant 0 : i32
    %dma_wait3A_229 = tpu.memref_slice %arg2[%dma_wait3A_227, %dma_wait3A_228] : memref<10000x16xf32, #tpu.memory_space<hbm>> -> memref<10000x16xf32, #tpu.memory_space<hbm>>
    tpu.wait_indirect_dma semaphore(%arg29 : memref<!tpu.dma_semaphore, #tpu.memory_space<semaphore_mem>>) src(%dma_wait3A_229 : memref<10000x16xf32, #tpu.memory_space<hbm>>) dst(%dma_wait3A_223 : memref<80x16xf32, #tpu.memory_space<vmem>>)
    %dma_wait3A_230 = arith.constant 0 : i32
    %dma_wait3A_231 = arith.constant 0 : i32
    %dma_wait3A_232 = arith.constant 0 : i32
    %dma_wait3A_233 = arith.constant 0 : i32
    %dma_wait3A_234 = tpu.memref_slice %arg21[%dma_wait3A_231, %dma_wait3A_232, %dma_wait3A_233] : memref<2x80x16xf32, #tpu.memory_space<vmem>> -> memref<1x80x16xf32, #tpu.memory_space<vmem>>
    %dma_wait3A_235 = tpu.memref_squeeze %dma_wait3A_234 : memref<1x80x16xf32, #tpu.memory_space<vmem>> -> memref<80x16xf32, #tpu.memory_space<vmem>>
    %dma_wait3A_236 = arith.constant 0 : i32
    %dma_wait3A_237 = tpu.memref_slice %arg16[%dma_wait3A_230, %dma_wait3A_236] : memref<2x80xi32, #tpu.memory_space<vmem>> -> memref<1x80xi32, #tpu.memory_space<vmem>>
    %dma_wait3A_238 = tpu.memref_squeeze %dma_wait3A_237 : memref<1x80xi32, #tpu.memory_space<vmem>> -> memref<80xi32, #tpu.memory_space<vmem>>
    %dma_wait3A_239 = arith.constant 0 : i32
    %dma_wait3A_240 = arith.constant 0 : i32
    %dma_wait3A_241 = tpu.memref_slice %arg3[%dma_wait3A_239, %dma_wait3A_240] : memref<10000x16xf32, #tpu.memory_space<hbm>> -> memref<10000x16xf32, #tpu.memory_space<hbm>>
    tpu.wait_indirect_dma semaphore(%arg30 : memref<!tpu.dma_semaphore, #tpu.memory_space<semaphore_mem>>) src(%dma_wait3A_241 : memref<10000x16xf32, #tpu.memory_space<hbm>>) dst(%dma_wait3A_235 : memref<80x16xf32, #tpu.memory_space<vmem>>)
    %dma_wait3A_242 = arith.constant 0 : i32
    %dma_wait3A_243 = arith.constant 0 : i32
    %dma_wait3A_244 = arith.constant 0 : i32
    %dma_wait3A_245 = arith.constant 0 : i32
    %dma_wait3A_246 = tpu.memref_slice %arg23[%dma_wait3A_242, %dma_wait3A_244, %dma_wait3A_245] : memref<2x80x128xf32, #tpu.memory_space<vmem>> -> memref<1x80x128xf32, #tpu.memory_space<vmem>>
    %dma_wait3A_247 = tpu.memref_squeeze %dma_wait3A_246 : memref<1x80x128xf32, #tpu.memory_space<vmem>> -> memref<80x128xf32, #tpu.memory_space<vmem>>
    %dma_wait3A_248 = arith.constant 0 : i32
    %dma_wait3A_249 = tpu.memref_slice %arg17[%dma_wait3A_243, %dma_wait3A_248] : memref<2x80xi32, #tpu.memory_space<vmem>> -> memref<1x80xi32, #tpu.memory_space<vmem>>
    %dma_wait3A_250 = tpu.memref_squeeze %dma_wait3A_249 : memref<1x80xi32, #tpu.memory_space<vmem>> -> memref<80xi32, #tpu.memory_space<vmem>>
    %dma_wait3A_251 = arith.constant 0 : i32
    %dma_wait3A_252 = arith.constant 0 : i32
    %dma_wait3A_253 = tpu.memref_slice %arg26[%dma_wait3A_251, %dma_wait3A_252] : memref<10240x128xf32, #tpu.memory_space<vmem_shared>> -> memref<10240x128xf32, #tpu.memory_space<vmem_shared>>
    tpu.wait_indirect_dma semaphore(%arg31 : memref<!tpu.dma_semaphore, #tpu.memory_space<semaphore_mem>>) src(%dma_wait3A_247 : memref<80x128xf32, #tpu.memory_space<vmem>>) dst(%dma_wait3A_253 : memref<10240x128xf32, #tpu.memory_space<vmem_shared>>)
    %dma_wait3A_254 = arith.constant 0 : i32
    %dma_wait3A_255 = arith.constant 0 : i32
    %dma_wait3A_256 = arith.constant 0 : i32
    %dma_wait3A_257 = arith.constant 0 : i32
    %dma_wait3A_258 = tpu.memref_slice %arg22[%dma_wait3A_254, %dma_wait3A_256, %dma_wait3A_257] : memref<2x80x16xf32, #tpu.memory_space<vmem>> -> memref<1x80x16xf32, #tpu.memory_space<vmem>>
    %dma_wait3A_259 = tpu.memref_squeeze %dma_wait3A_258 : memref<1x80x16xf32, #tpu.memory_space<vmem>> -> memref<80x16xf32, #tpu.memory_space<vmem>>
    %dma_wait3A_260 = arith.constant 0 : i32
    %dma_wait3A_261 = tpu.memref_slice %arg17[%dma_wait3A_255, %dma_wait3A_260] : memref<2x80xi32, #tpu.memory_space<vmem>> -> memref<1x80xi32, #tpu.memory_space<vmem>>
    %dma_wait3A_262 = tpu.memref_squeeze %dma_wait3A_261 : memref<1x80xi32, #tpu.memory_space<vmem>> -> memref<80xi32, #tpu.memory_space<vmem>>
    %dma_wait3A_263 = arith.constant 0 : i32
    %dma_wait3A_264 = arith.constant 0 : i32
    %dma_wait3A_265 = tpu.memref_slice %arg27[%dma_wait3A_263, %dma_wait3A_264] : memref<10240x16xf32, #tpu.memory_space<vmem_shared>> -> memref<10240x16xf32, #tpu.memory_space<vmem_shared>>
    tpu.wait_indirect_dma semaphore(%arg32 : memref<!tpu.dma_semaphore, #tpu.memory_space<semaphore_mem>>) src(%dma_wait3A_259 : memref<80x16xf32, #tpu.memory_space<vmem>>) dst(%dma_wait3A_265 : memref<10240x16xf32, #tpu.memory_space<vmem_shared>>)
    %get3A_266 = arith.constant 0 : i32
    %get3A_267 = arith.constant 0 : i32
    %get3A_268 = tpu.memref_slice %arg16[%get3A_266, %get3A_267] : memref<2x80xi32, #tpu.memory_space<vmem>> -> memref<1x80xi32, #tpu.memory_space<vmem>>
    %get3A_269 = tpu.memref_squeeze %get3A_268 : memref<1x80xi32, #tpu.memory_space<vmem>> -> memref<80xi32, #tpu.memory_space<vmem>>
    %get3A_270 = arith.constant 0 : index
    %get3A_271 = tpu.vector_load %get3A_269[%get3A_270] {strides = array<i32>} : memref<80xi32, #tpu.memory_space<vmem>>, vector<16xi32>,
    %get3A_272 = vector.shape_cast %get3A_271 : vector<16xi32> to vector<16xi32>
    %swap3A_273 = arith.constant 0 : i32
    %swap3A_274 = arith.constant 0 : i32
    %swap3A_275 = tpu.memref_slice %arg17[%swap3A_273, %swap3A_274] : memref<2x80xi32, #tpu.memory_space<vmem>> -> memref<1x80xi32, #tpu.memory_space<vmem>>
    %swap3A_276 = tpu.memref_squeeze %swap3A_275 : memref<1x80xi32, #tpu.memory_space<vmem>> -> memref<80xi32, #tpu.memory_space<vmem>>
    %swap3A_277 = arith.constant 0 : index
    %swap3A_278 = tpu.vector_load %swap3A_276[%swap3A_277] {strides = array<i32>} : memref<80xi32, #tpu.memory_space<vmem>>, vector<16xi32>,
    %swap3A_279 = vector.shape_cast %swap3A_278 : vector<16xi32> to vector<16xi32>
    %swap3A_280 = vector.shape_cast %get3A_272 : vector<16xi32> to vector<16xi32>
    tpu.vector_store %swap3A_276[%swap3A_277], %swap3A_280 {strides = array<i32>} : memref<80xi32, #tpu.memory_space<vmem>>, vector<16xi32>,
    %get3A_281 = arith.constant 0 : i32
    %get3A_282 = arith.constant 0 : i32
    %get3A_283 = tpu.memref_slice %arg16[%get3A_281, %get3A_282] : memref<2x80xi32, #tpu.memory_space<vmem>> -> memref<1x80xi32, #tpu.memory_space<vmem>>
    %get3A_284 = tpu.memref_squeeze %get3A_283 : memref<1x80xi32, #tpu.memory_space<vmem>> -> memref<80xi32, #tpu.memory_space<vmem>>
    %get3A_285 = arith.constant 16 : index
    %get3A_286 = tpu.vector_load %get3A_284[%get3A_285] {strides = array<i32>} : memref<80xi32, #tpu.memory_space<vmem>>, vector<16xi32>,
    %get3A_287 = vector.shape_cast %get3A_286 : vector<16xi32> to vector<16xi32>
    %swap3A_288 = arith.constant 0 : i32
    %swap3A_289 = arith.constant 0 : i32
    %swap3A_290 = tpu.memref_slice %arg17[%swap3A_288, %swap3A_289] : memref<2x80xi32, #tpu.memory_space<vmem>> -> memref<1x80xi32, #tpu.memory_space<vmem>>
    %swap3A_291 = tpu.memref_squeeze %swap3A_290 : memref<1x80xi32, #tpu.memory_space<vmem>> -> memref<80xi32, #tpu.memory_space<vmem>>
    %swap3A_292 = arith.constant 16 : index
    %swap3A_293 = tpu.vector_load %swap3A_291[%swap3A_292] {strides = array<i32>} : memref<80xi32, #tpu.memory_space<vmem>>, vector<16xi32>,
    %swap3A_294 = vector.shape_cast %swap3A_293 : vector<16xi32> to vector<16xi32>
    %swap3A_295 = vector.shape_cast %get3A_287 : vector<16xi32> to vector<16xi32>
    tpu.vector_store %swap3A_291[%swap3A_292], %swap3A_295 {strides = array<i32>} : memref<80xi32, #tpu.memory_space<vmem>>, vector<16xi32>,
    %get3A_296 = arith.constant 0 : i32
    %get3A_297 = arith.constant 0 : i32
    %get3A_298 = tpu.memref_slice %arg16[%get3A_296, %get3A_297] : memref<2x80xi32, #tpu.memory_space<vmem>> -> memref<1x80xi32, #tpu.memory_space<vmem>>
    %get3A_299 = tpu.memref_squeeze %get3A_298 : memref<1x80xi32, #tpu.memory_space<vmem>> -> memref<80xi32, #tpu.memory_space<vmem>>
    %get3A_300 = arith.constant 32 : index
    %get3A_301 = tpu.vector_load %get3A_299[%get3A_300] {strides = array<i32>} : memref<80xi32, #tpu.memory_space<vmem>>, vector<16xi32>,
    %get3A_302 = vector.shape_cast %get3A_301 : vector<16xi32> to vector<16xi32>
    %swap3A_303 = arith.constant 0 : i32
    %swap3A_304 = arith.constant 0 : i32
    %swap3A_305 = tpu.memref_slice %arg17[%swap3A_303, %swap3A_304] : memref<2x80xi32, #tpu.memory_space<vmem>> -> memref<1x80xi32, #tpu.memory_space<vmem>>
    %swap3A_306 = tpu.memref_squeeze %swap3A_305 : memref<1x80xi32, #tpu.memory_space<vmem>> -> memref<80xi32, #tpu.memory_space<vmem>>
    %swap3A_307 = arith.constant 32 : index
    %swap3A_308 = tpu.vector_load %swap3A_306[%swap3A_307] {strides = array<i32>} : memref<80xi32, #tpu.memory_space<vmem>>, vector<16xi32>,
    %swap3A_309 = vector.shape_cast %swap3A_308 : vector<16xi32> to vector<16xi32>
    %swap3A_310 = vector.shape_cast %get3A_302 : vector<16xi32> to vector<16xi32>
    tpu.vector_store %swap3A_306[%swap3A_307], %swap3A_310 {strides = array<i32>} : memref<80xi32, #tpu.memory_space<vmem>>, vector<16xi32>,
    %get3A_311 = arith.constant 0 : i32
    %get3A_312 = arith.constant 0 : i32
    %get3A_313 = tpu.memref_slice %arg16[%get3A_311, %get3A_312] : memref<2x80xi32, #tpu.memory_space<vmem>> -> memref<1x80xi32, #tpu.memory_space<vmem>>
    %get3A_314 = tpu.memref_squeeze %get3A_313 : memref<1x80xi32, #tpu.memory_space<vmem>> -> memref<80xi32, #tpu.memory_space<vmem>>
    %get3A_315 = arith.constant 48 : index
    %get3A_316 = tpu.vector_load %get3A_314[%get3A_315] {strides = array<i32>} : memref<80xi32, #tpu.memory_space<vmem>>, vector<16xi32>,
    %get3A_317 = vector.shape_cast %get3A_316 : vector<16xi32> to vector<16xi32>
    %swap3A_318 = arith.constant 0 : i32
    %swap3A_319 = arith.constant 0 : i32
    %swap3A_320 = tpu.memref_slice %arg17[%swap3A_318, %swap3A_319] : memref<2x80xi32, #tpu.memory_space<vmem>> -> memref<1x80xi32, #tpu.memory_space<vmem>>
    %swap3A_321 = tpu.memref_squeeze %swap3A_320 : memref<1x80xi32, #tpu.memory_space<vmem>> -> memref<80xi32, #tpu.memory_space<vmem>>
    %swap3A_322 = arith.constant 48 : index
    %swap3A_323 = tpu.vector_load %swap3A_321[%swap3A_322] {strides = array<i32>} : memref<80xi32, #tpu.memory_space<vmem>>, vector<16xi32>,
    %swap3A_324 = vector.shape_cast %swap3A_323 : vector<16xi32> to vector<16xi32>
    %swap3A_325 = vector.shape_cast %get3A_317 : vector<16xi32> to vector<16xi32>
    tpu.vector_store %swap3A_321[%swap3A_322], %swap3A_325 {strides = array<i32>} : memref<80xi32, #tpu.memory_space<vmem>>, vector<16xi32>,
    %get3A_326 = arith.constant 0 : i32
    %get3A_327 = arith.constant 0 : i32
    %get3A_328 = tpu.memref_slice %arg16[%get3A_326, %get3A_327] : memref<2x80xi32, #tpu.memory_space<vmem>> -> memref<1x80xi32, #tpu.memory_space<vmem>>
    %get3A_329 = tpu.memref_squeeze %get3A_328 : memref<1x80xi32, #tpu.memory_space<vmem>> -> memref<80xi32, #tpu.memory_space<vmem>>
    %get3A_330 = arith.constant 64 : index
    %get3A_331 = tpu.vector_load %get3A_329[%get3A_330] {strides = array<i32>} : memref<80xi32, #tpu.memory_space<vmem>>, vector<16xi32>,
    %get3A_332 = vector.shape_cast %get3A_331 : vector<16xi32> to vector<16xi32>
    %swap3A_333 = arith.constant 0 : i32
    %swap3A_334 = arith.constant 0 : i32
    %swap3A_335 = tpu.memref_slice %arg17[%swap3A_333, %swap3A_334] : memref<2x80xi32, #tpu.memory_space<vmem>> -> memref<1x80xi32, #tpu.memory_space<vmem>>
    %swap3A_336 = tpu.memref_squeeze %swap3A_335 : memref<1x80xi32, #tpu.memory_space<vmem>> -> memref<80xi32, #tpu.memory_space<vmem>>
    %swap3A_337 = arith.constant 64 : index
    %swap3A_338 = tpu.vector_load %swap3A_336[%swap3A_337] {strides = array<i32>} : memref<80xi32, #tpu.memory_space<vmem>>, vector<16xi32>,
    %swap3A_339 = vector.shape_cast %swap3A_338 : vector<16xi32> to vector<16xi32>
    %swap3A_340 = vector.shape_cast %get3A_332 : vector<16xi32> to vector<16xi32>
    tpu.vector_store %swap3A_336[%swap3A_337], %swap3A_340 {strides = array<i32>} : memref<80xi32, #tpu.memory_space<vmem>>, vector<16xi32>,
    %get3A_341 = arith.constant 0 : index
    %get3A_342 = tpu.vector_load %arg25[%get3A_341] {strides = array<i32>} : memref<16xf32, #tpu.memory_space<vmem>>, vector<16xf32>,
    %get3A_343 = vector.shape_cast %get3A_342 : vector<16xf32> to vector<16xf32>
    %scan3A_344 = arith.constant 0 : i32
    %scan3A_345 = arith.constant 0 : i32
    %scan3A_346 = arith.constant 0 : i32
    %scan3A_347 = arith.constant 0 : i32
    %scan3A_348 = arith.constant 0 : i32
    %scan3A_349 = arith.constant 0 : i32
    %scan3A_350 = arith.constant 0 : i32
    %scan3A_351 = arith.constant 0 : i32
    %scan3A_352 = arith.constant 40 : i32
    %scan3A_353 = arith.addi %scan3A_351, %scan3A_352 : i32
    %scan3A_354 = arith.constant 1 : i32
    scf.for %scan3A_429 = %scan3A_351 to %scan3A_353 step %scan3A_354  : i32 {
      %mul3A_430 = arith.constant 2 : i32
      %mul3A_431 = arith.muli %scan3A_429, %mul3A_430 : i32
      %add3A_432 = arith.constant 0 : i32
      %add3A_433 = arith.addi %mul3A_431, %add3A_432 : i32
      %get3A_434 = arith.constant 0 : i32
      %get3A_435 = arith.constant 0 : i32
      %get3A_436 = tpu.memref_slice %arg20[%scan3A_345, %get3A_434, %get3A_435] : memref<2x80x16xf32, #tpu.memory_space<vmem>> -> memref<1x80x16xf32, #tpu.memory_space<vmem>>
      %get3A_437 = tpu.memref_squeeze %get3A_436 : memref<1x80x16xf32, #tpu.memory_space<vmem>> -> memref<80x16xf32, #tpu.memory_space<vmem>>
      %get3A_438 = arith.index_cast %add3A_433 : i32 to index
      %get3A_439 = arith.constant 0 : index
      %get3A_440 = tpu.vector_load %get3A_437[%get3A_438, %get3A_439] {strides = array<i32>} : memref<80x16xf32, #tpu.memory_space<vmem>>, vector<1x16xf32>,
      %get3A_441 = vector.shape_cast %get3A_440 : vector<1x16xf32> to vector<16xf32>
      %get3A_442 = arith.constant 0 : i32
      %get3A_443 = arith.constant 0 : i32
      %get3A_444 = tpu.memref_slice %arg21[%scan3A_346, %get3A_442, %get3A_443] : memref<2x80x16xf32, #tpu.memory_space<vmem>> -> memref<1x80x16xf32, #tpu.memory_space<vmem>>
      %get3A_445 = tpu.memref_squeeze %get3A_444 : memref<1x80x16xf32, #tpu.memory_space<vmem>> -> memref<80x16xf32, #tpu.memory_space<vmem>>
      %get3A_446 = arith.index_cast %add3A_433 : i32 to index
      %get3A_447 = arith.constant 0 : index
      %get3A_448 = tpu.vector_load %get3A_445[%get3A_446, %get3A_447] {strides = array<i32>} : memref<80x16xf32, #tpu.memory_space<vmem>>, vector<1x16xf32>,
      %get3A_449 = vector.shape_cast %get3A_448 : vector<1x16xf32> to vector<16xf32>
      %add3A_450 = arith.addf %get3A_441, %get3A_449 : vector<16xf32>
      %get3A_451 = arith.constant 0 : i32
      %get3A_452 = arith.constant 0 : i32
      %get3A_453 = tpu.memref_slice %arg18[%scan3A_347, %get3A_451, %get3A_452] : memref<2x80x16xf32, #tpu.memory_space<vmem>> -> memref<1x80x16xf32, #tpu.memory_space<vmem>>
      %get3A_454 = tpu.memref_squeeze %get3A_453 : memref<1x80x16xf32, #tpu.memory_space<vmem>> -> memref<80x16xf32, #tpu.memory_space<vmem>>
      %get3A_455 = arith.index_cast %add3A_433 : i32 to index
      %get3A_456 = arith.constant 0 : index
      %get3A_457 = tpu.vector_load %get3A_454[%get3A_455, %get3A_456] {strides = array<i32>} : memref<80x16xf32, #tpu.memory_space<vmem>>, vector<1x16xf32>,
      %get3A_458 = vector.shape_cast %get3A_457 : vector<1x16xf32> to vector<16xf32>
      %add3A_459 = arith.addf %add3A_450, %get3A_458 : vector<16xf32>
      %gt3A = arith.constant 0.000000e+00 : f32
      %gt3A_460 = vector.broadcast %gt3A : f32 to vector<16xf32>
      %gt3A_461 = arith.cmpf ogt, %add3A_459, %gt3A_460 : vector<16xf32>
      %mul3A_462 = arith.constant 0.00999999977 : f32
      %mul3A_463 = vector.broadcast %mul3A_462 : f32 to vector<16xf32>
      %mul3A_464 = arith.mulf %add3A_459, %mul3A_463 : vector<16xf32>
      %select_n3A_465 = arith.select %gt3A_461, %add3A_459, %mul3A_464 : vector<16xi1>, vector<16xf32>
      %sub3A = arith.subf %select_n3A_465, %get3A_343 : vector<16xf32>
      %exp3A = math.exp %sub3A : vector<16xf32>
      %swap3A_466 = arith.constant 0 : i32
      %swap3A_467 = arith.constant 0 : i32
      %swap3A_468 = tpu.memref_slice %arg22[%scan3A_348, %swap3A_466, %swap3A_467] : memref<2x80x16xf32, #tpu.memory_space<vmem>> -> memref<1x80x16xf32, #tpu.memory_space<vmem>>
      %swap3A_469 = tpu.memref_squeeze %swap3A_468 : memref<1x80x16xf32, #tpu.memory_space<vmem>> -> memref<80x16xf32, #tpu.memory_space<vmem>>
      %swap3A_470 = arith.index_cast %add3A_433 : i32 to index
      %swap3A_471 = arith.constant 0 : index
      %swap3A_472 = tpu.vector_load %swap3A_469[%swap3A_470, %swap3A_471] {strides = array<i32>} : memref<80x16xf32, #tpu.memory_space<vmem>>, vector<1x16xf32>,
      %swap3A_473 = vector.shape_cast %swap3A_472 : vector<1x16xf32> to vector<16xf32>
      %swap3A_474 = vector.shape_cast %exp3A : vector<16xf32> to vector<1x16xf32>
      tpu.vector_store %swap3A_469[%swap3A_470, %swap3A_471], %swap3A_474 {strides = array<i32>} : memref<80x16xf32, #tpu.memory_space<vmem>>, vector<1x16xf32>,
      %get3A_475 = arith.constant 0 : i32
      %get3A_476 = arith.constant 0 : i32
      %get3A_477 = tpu.memref_slice %arg19[%scan3A_349, %get3A_475, %get3A_476] : memref<2x80x16xf32, #tpu.memory_space<vmem>> -> memref<1x80x16xf32, #tpu.memory_space<vmem>>
      %get3A_478 = tpu.memref_squeeze %get3A_477 : memref<1x80x16xf32, #tpu.memory_space<vmem>> -> memref<80x16xf32, #tpu.memory_space<vmem>>
      %get3A_479 = arith.index_cast %add3A_433 : i32 to index
      %get3A_480 = arith.constant 0 : index
      %get3A_481 = tpu.vector_load %get3A_478[%get3A_479, %get3A_480] {strides = array<i32>} : memref<80x16xf32, #tpu.memory_space<vmem>>, vector<1x16xf32>,
      %get3A_482 = vector.shape_cast %get3A_481 : vector<1x16xf32> to vector<16xf32>
      %slice3A = vector.extract_strided_slice %exp3A {offsets = [0], sizes = [1], strides = [1]} : vector<16xf32> to vector<1xf32>
      %squeeze3A = vector.extract %slice3A[0] : f32 from vector<1xf32>
      %mul3A_483 = vector.broadcast %squeeze3A : f32 to vector<16xf32>
      %mul3A_484 = arith.mulf %get3A_482, %mul3A_483 : vector<16xf32>
      %swap3A_485 = arith.constant 0 : i32
      %swap3A_486 = arith.constant 0 : i32
      %swap3A_487 = tpu.memref_slice %arg23[%scan3A_350, %swap3A_485, %swap3A_486] : memref<2x80x128xf32, #tpu.memory_space<vmem>> -> memref<1x80x128xf32, #tpu.memory_space<vmem>>
      %swap3A_488 = tpu.memref_squeeze %swap3A_487 : memref<1x80x128xf32, #tpu.memory_space<vmem>> -> memref<80x128xf32, #tpu.memory_space<vmem>>
      %swap3A_489 = arith.index_cast %add3A_433 : i32 to index
      %swap3A_490 = arith.constant 0 : index
      %swap3A_491 = tpu.vector_load %swap3A_488[%swap3A_489, %swap3A_490] {strides = array<i32>} : memref<80x128xf32, #tpu.memory_space<vmem>>, vector<1x16xf32>,
      %swap3A_492 = vector.shape_cast %swap3A_491 : vector<1x16xf32> to vector<16xf32>
      %swap3A_493 = vector.shape_cast %mul3A_484 : vector<16xf32> to vector<1x16xf32>
      tpu.vector_store %swap3A_488[%swap3A_489, %swap3A_490], %swap3A_493 {strides = array<i32>} : memref<80x128xf32, #tpu.memory_space<vmem>>, vector<1x16xf32>,
      %slice3A_494 = vector.extract_strided_slice %exp3A {offsets = [1], sizes = [1], strides = [1]} : vector<16xf32> to vector<1xf32>
      %squeeze3A_495 = vector.extract %slice3A_494[0] : f32 from vector<1xf32>
      %mul3A_496 = vector.broadcast %squeeze3A_495 : f32 to vector<16xf32>
      %mul3A_497 = arith.mulf %get3A_482, %mul3A_496 : vector<16xf32>
      %swap3A_498 = arith.constant 0 : i32
      %swap3A_499 = arith.constant 0 : i32
      %swap3A_500 = tpu.memref_slice %arg23[%scan3A_350, %swap3A_498, %swap3A_499] : memref<2x80x128xf32, #tpu.memory_space<vmem>> -> memref<1x80x128xf32, #tpu.memory_space<vmem>>
      %swap3A_501 = tpu.memref_squeeze %swap3A_500 : memref<1x80x128xf32, #tpu.memory_space<vmem>> -> memref<80x128xf32, #tpu.memory_space<vmem>>
      %swap3A_502 = arith.index_cast %add3A_433 : i32 to index
      %swap3A_503 = arith.constant 16 : index
      %swap3A_504 = tpu.vector_load %swap3A_501[%swap3A_502, %swap3A_503] {strides = array<i32>} : memref<80x128xf32, #tpu.memory_space<vmem>>, vector<1x16xf32>,
      %swap3A_505 = vector.shape_cast %swap3A_504 : vector<1x16xf32> to vector<16xf32>
      %swap3A_506 = vector.shape_cast %mul3A_497 : vector<16xf32> to vector<1x16xf32>
      tpu.vector_store %swap3A_501[%swap3A_502, %swap3A_503], %swap3A_506 {strides = array<i32>} : memref<80x128xf32, #tpu.memory_space<vmem>>, vector<1x16xf32>,
      %slice3A_507 = vector.extract_strided_slice %exp3A {offsets = [2], sizes = [1], strides = [1]} : vector<16xf32> to vector<1xf32>
      %squeeze3A_508 = vector.extract %slice3A_507[0] : f32 from vector<1xf32>
      %mul3A_509 = vector.broadcast %squeeze3A_508 : f32 to vector<16xf32>
      %mul3A_510 = arith.mulf %get3A_482, %mul3A_509 : vector<16xf32>
      %swap3A_511 = arith.constant 0 : i32
      %swap3A_512 = arith.constant 0 : i32
      %swap3A_513 = tpu.memref_slice %arg23[%scan3A_350, %swap3A_511, %swap3A_512] : memref<2x80x128xf32, #tpu.memory_space<vmem>> -> memref<1x80x128xf32, #tpu.memory_space<vmem>>
      %swap3A_514 = tpu.memref_squeeze %swap3A_513 : memref<1x80x128xf32, #tpu.memory_space<vmem>> -> memref<80x128xf32, #tpu.memory_space<vmem>>
      %swap3A_515 = arith.index_cast %add3A_433 : i32 to index
      %swap3A_516 = arith.constant 32 : index
      %swap3A_517 = tpu.vector_load %swap3A_514[%swap3A_515, %swap3A_516] {strides = array<i32>} : memref<80x128xf32, #tpu.memory_space<vmem>>, vector<1x16xf32>,
      %swap3A_518 = vector.shape_cast %swap3A_517 : vector<1x16xf32> to vector<16xf32>
      %swap3A_519 = vector.shape_cast %mul3A_510 : vector<16xf32> to vector<1x16xf32>
      tpu.vector_store %swap3A_514[%swap3A_515, %swap3A_516], %swap3A_519 {strides = array<i32>} : memref<80x128xf32, #tpu.memory_space<vmem>>, vector<1x16xf32>,
      %slice3A_520 = vector.extract_strided_slice %exp3A {offsets = [3], sizes = [1], strides = [1]} : vector<16xf32> to vector<1xf32>
      %squeeze3A_521 = vector.extract %slice3A_520[0] : f32 from vector<1xf32>
      %mul3A_522 = vector.broadcast %squeeze3A_521 : f32 to vector<16xf32>
      %mul3A_523 = arith.mulf %get3A_482, %mul3A_522 : vector<16xf32>
      %swap3A_524 = arith.constant 0 : i32
      %swap3A_525 = arith.constant 0 : i32
      %swap3A_526 = tpu.memref_slice %arg23[%scan3A_350, %swap3A_524, %swap3A_525] : memref<2x80x128xf32, #tpu.memory_space<vmem>> -> memref<1x80x128xf32, #tpu.memory_space<vmem>>
      %swap3A_527 = tpu.memref_squeeze %swap3A_526 : memref<1x80x128xf32, #tpu.memory_space<vmem>> -> memref<80x128xf32, #tpu.memory_space<vmem>>
      %swap3A_528 = arith.index_cast %add3A_433 : i32 to index
      %swap3A_529 = arith.constant 48 : index
      %swap3A_530 = tpu.vector_load %swap3A_527[%swap3A_528, %swap3A_529] {strides = array<i32>} : memref<80x128xf32, #tpu.memory_space<vmem>>, vector<1x16xf32>,
      %swap3A_531 = vector.shape_cast %swap3A_530 : vector<1x16xf32> to vector<16xf32>
      %swap3A_532 = vector.shape_cast %mul3A_523 : vector<16xf32> to vector<1x16xf32>
      tpu.vector_store %swap3A_527[%swap3A_528, %swap3A_529], %swap3A_532 {strides = array<i32>} : memref<80x128xf32, #tpu.memory_space<vmem>>, vector<1x16xf32>,
      %slice3A_533 = vector.extract_strided_slice %exp3A {offsets = [4], sizes = [1], strides = [1]} : vector<16xf32> to vector<1xf32>
      %squeeze3A_534 = vector.extract %slice3A_533[0] : f32 from vector<1xf32>
      %mul3A_535 = vector.broadcast %squeeze3A_534 : f32 to vector<16xf32>
      %mul3A_536 = arith.mulf %get3A_482, %mul3A_535 : vector<16xf32>
      %swap3A_537 = arith.constant 0 : i32
      %swap3A_538 = arith.constant 0 : i32
      %swap3A_539 = tpu.memref_slice %arg23[%scan3A_350, %swap3A_537, %swap3A_538] : memref<2x80x128xf32, #tpu.memory_space<vmem>> -> memref<1x80x128xf32, #tpu.memory_space<vmem>>
      %swap3A_540 = tpu.memref_squeeze %swap3A_539 : memref<1x80x128xf32, #tpu.memory_space<vmem>> -> memref<80x128xf32, #tpu.memory_space<vmem>>
      %swap3A_541 = arith.index_cast %add3A_433 : i32 to index
      %swap3A_542 = arith.constant 64 : index
      %swap3A_543 = tpu.vector_load %swap3A_540[%swap3A_541, %swap3A_542] {strides = array<i32>} : memref<80x128xf32, #tpu.memory_space<vmem>>, vector<1x16xf32>,
      %swap3A_544 = vector.shape_cast %swap3A_543 : vector<1x16xf32> to vector<16xf32>
      %swap3A_545 = vector.shape_cast %mul3A_536 : vector<16xf32> to vector<1x16xf32>
      tpu.vector_store %swap3A_540[%swap3A_541, %swap3A_542], %swap3A_545 {strides = array<i32>} : memref<80x128xf32, #tpu.memory_space<vmem>>, vector<1x16xf32>,
      %slice3A_546 = vector.extract_strided_slice %exp3A {offsets = [5], sizes = [1], strides = [1]} : vector<16xf32> to vector<1xf32>
      %squeeze3A_547 = vector.extract %slice3A_546[0] : f32 from vector<1xf32>
      %mul3A_548 = vector.broadcast %squeeze3A_547 : f32 to vector<16xf32>
      %mul3A_549 = arith.mulf %get3A_482, %mul3A_548 : vector<16xf32>
      %swap3A_550 = arith.constant 0 : i32
      %swap3A_551 = arith.constant 0 : i32
      %swap3A_552 = tpu.memref_slice %arg23[%scan3A_350, %swap3A_550, %swap3A_551] : memref<2x80x128xf32, #tpu.memory_space<vmem>> -> memref<1x80x128xf32, #tpu.memory_space<vmem>>
      %swap3A_553 = tpu.memref_squeeze %swap3A_552 : memref<1x80x128xf32, #tpu.memory_space<vmem>> -> memref<80x128xf32, #tpu.memory_space<vmem>>
      %swap3A_554 = arith.index_cast %add3A_433 : i32 to index
      %swap3A_555 = arith.constant 80 : index
      %swap3A_556 = tpu.vector_load %swap3A_553[%swap3A_554, %swap3A_555] {strides = array<i32>} : memref<80x128xf32, #tpu.memory_space<vmem>>, vector<1x16xf32>,
      %swap3A_557 = vector.shape_cast %swap3A_556 : vector<1x16xf32> to vector<16xf32>
      %swap3A_558 = vector.shape_cast %mul3A_549 : vector<16xf32> to vector<1x16xf32>
      tpu.vector_store %swap3A_553[%swap3A_554, %swap3A_555], %swap3A_558 {strides = array<i32>} : memref<80x128xf32, #tpu.memory_space<vmem>>, vector<1x16xf32>,
      %slice3A_559 = vector.extract_strided_slice %exp3A {offsets = [6], sizes = [1], strides = [1]} : vector<16xf32> to vector<1xf32>
      %squeeze3A_560 = vector.extract %slice3A_559[0] : f32 from vector<1xf32>
      %mul3A_561 = vector.broadcast %squeeze3A_560 : f32 to vector<16xf32>
      %mul3A_562 = arith.mulf %get3A_482, %mul3A_561 : vector<16xf32>
      %swap3A_563 = arith.constant 0 : i32
      %swap3A_564 = arith.constant 0 : i32
      %swap3A_565 = tpu.memref_slice %arg23[%scan3A_350, %swap3A_563, %swap3A_564] : memref<2x80x128xf32, #tpu.memory_space<vmem>> -> memref<1x80x128xf32, #tpu.memory_space<vmem>>
      %swap3A_566 = tpu.memref_squeeze %swap3A_565 : memref<1x80x128xf32, #tpu.memory_space<vmem>> -> memref<80x128xf32, #tpu.memory_space<vmem>>
      %swap3A_567 = arith.index_cast %add3A_433 : i32 to index
      %swap3A_568 = arith.constant 96 : index
      %swap3A_569 = tpu.vector_load %swap3A_566[%swap3A_567, %swap3A_568] {strides = array<i32>} : memref<80x128xf32, #tpu.memory_space<vmem>>, vector<1x16xf32>,
      %swap3A_570 = vector.shape_cast %swap3A_569 : vector<1x16xf32> to vector<16xf32>
      %swap3A_571 = vector.shape_cast %mul3A_562 : vector<16xf32> to vector<1x16xf32>
      tpu.vector_store %swap3A_566[%swap3A_567, %swap3A_568], %swap3A_571 {strides = array<i32>} : memref<80x128xf32, #tpu.memory_space<vmem>>, vector<1x16xf32>,
      %slice3A_572 = vector.extract_strided_slice %exp3A {offsets = [7], sizes = [1], strides = [1]} : vector<16xf32> to vector<1xf32>
      %squeeze3A_573 = vector.extract %slice3A_572[0] : f32 from vector<1xf32>
      %mul3A_574 = vector.broadcast %squeeze3A_573 : f32 to vector<16xf32>
      %mul3A_575 = arith.mulf %get3A_482, %mul3A_574 : vector<16xf32>
      %swap3A_576 = arith.constant 0 : i32
      %swap3A_577 = arith.constant 0 : i32
      %swap3A_578 = tpu.memref_slice %arg23[%scan3A_350, %swap3A_576, %swap3A_577] : memref<2x80x128xf32, #tpu.memory_space<vmem>> -> memref<1x80x128xf32, #tpu.memory_space<vmem>>
      %swap3A_579 = tpu.memref_squeeze %swap3A_578 : memref<1x80x128xf32, #tpu.memory_space<vmem>> -> memref<80x128xf32, #tpu.memory_space<vmem>>
      %swap3A_580 = arith.index_cast %add3A_433 : i32 to index
      %swap3A_581 = arith.constant 112 : index
      %swap3A_582 = tpu.vector_load %swap3A_579[%swap3A_580, %swap3A_581] {strides = array<i32>} : memref<80x128xf32, #tpu.memory_space<vmem>>, vector<1x16xf32>,
      %swap3A_583 = vector.shape_cast %swap3A_582 : vector<1x16xf32> to vector<16xf32>
      %swap3A_584 = vector.shape_cast %mul3A_575 : vector<16xf32> to vector<1x16xf32>
      tpu.vector_store %swap3A_579[%swap3A_580, %swap3A_581], %swap3A_584 {strides = array<i32>} : memref<80x128xf32, #tpu.memory_space<vmem>>, vector<1x16xf32>,
      %mul3A_585 = arith.constant 2 : i32
      %mul3A_586 = arith.muli %scan3A_429, %mul3A_585 : i32
      %add3A_587 = arith.constant 1 : i32
      %add3A_588 = arith.addi %mul3A_586, %add3A_587 : i32
      %get3A_589 = arith.constant 0 : i32
      %get3A_590 = arith.constant 0 : i32
      %get3A_591 = tpu.memref_slice %arg20[%scan3A_345, %get3A_589, %get3A_590] : memref<2x80x16xf32, #tpu.memory_space<vmem>> -> memref<1x80x16xf32, #tpu.memory_space<vmem>>
      %get3A_592 = tpu.memref_squeeze %get3A_591 : memref<1x80x16xf32, #tpu.memory_space<vmem>> -> memref<80x16xf32, #tpu.memory_space<vmem>>
      %get3A_593 = arith.index_cast %add3A_588 : i32 to index
      %get3A_594 = arith.constant 0 : index
      %get3A_595 = tpu.vector_load %get3A_592[%get3A_593, %get3A_594] {strides = array<i32>} : memref<80x16xf32, #tpu.memory_space<vmem>>, vector<1x16xf32>,
      %get3A_596 = vector.shape_cast %get3A_595 : vector<1x16xf32> to vector<16xf32>
      %get3A_597 = arith.constant 0 : i32
      %get3A_598 = arith.constant 0 : i32
      %get3A_599 = tpu.memref_slice %arg21[%scan3A_346, %get3A_597, %get3A_598] : memref<2x80x16xf32, #tpu.memory_space<vmem>> -> memref<1x80x16xf32, #tpu.memory_space<vmem>>
      %get3A_600 = tpu.memref_squeeze %get3A_599 : memref<1x80x16xf32, #tpu.memory_space<vmem>> -> memref<80x16xf32, #tpu.memory_space<vmem>>
      %get3A_601 = arith.index_cast %add3A_588 : i32 to index
      %get3A_602 = arith.constant 0 : index
      %get3A_603 = tpu.vector_load %get3A_600[%get3A_601, %get3A_602] {strides = array<i32>} : memref<80x16xf32, #tpu.memory_space<vmem>>, vector<1x16xf32>,
      %get3A_604 = vector.shape_cast %get3A_603 : vector<1x16xf32> to vector<16xf32>
      %add3A_605 = arith.addf %get3A_596, %get3A_604 : vector<16xf32>
      %get3A_606 = arith.constant 0 : i32
      %get3A_607 = arith.constant 0 : i32
      %get3A_608 = tpu.memref_slice %arg18[%scan3A_347, %get3A_606, %get3A_607] : memref<2x80x16xf32, #tpu.memory_space<vmem>> -> memref<1x80x16xf32, #tpu.memory_space<vmem>>
      %get3A_609 = tpu.memref_squeeze %get3A_608 : memref<1x80x16xf32, #tpu.memory_space<vmem>> -> memref<80x16xf32, #tpu.memory_space<vmem>>
      %get3A_610 = arith.index_cast %add3A_588 : i32 to index
      %get3A_611 = arith.constant 0 : index
      %get3A_612 = tpu.vector_load %get3A_609[%get3A_610, %get3A_611] {strides = array<i32>} : memref<80x16xf32, #tpu.memory_space<vmem>>, vector<1x16xf32>,
      %get3A_613 = vector.shape_cast %get3A_612 : vector<1x16xf32> to vector<16xf32>
      %add3A_614 = arith.addf %add3A_605, %get3A_613 : vector<16xf32>
      %gt3A_615 = arith.constant 0.000000e+00 : f32
      %gt3A_616 = vector.broadcast %gt3A_615 : f32 to vector<16xf32>
      %gt3A_617 = arith.cmpf ogt, %add3A_614, %gt3A_616 : vector<16xf32>
      %mul3A_618 = arith.constant 0.00999999977 : f32
      %mul3A_619 = vector.broadcast %mul3A_618 : f32 to vector<16xf32>
      %mul3A_620 = arith.mulf %add3A_614, %mul3A_619 : vector<16xf32>
      %select_n3A_621 = arith.select %gt3A_617, %add3A_614, %mul3A_620 : vector<16xi1>, vector<16xf32>
      %sub3A_622 = arith.subf %select_n3A_621, %get3A_343 : vector<16xf32>
      %exp3A_623 = math.exp %sub3A_622 : vector<16xf32>
      %swap3A_624 = arith.constant 0 : i32
      %swap3A_625 = arith.constant 0 : i32
      %swap3A_626 = tpu.memref_slice %arg22[%scan3A_348, %swap3A_624, %swap3A_625] : memref<2x80x16xf32, #tpu.memory_space<vmem>> -> memref<1x80x16xf32, #tpu.memory_space<vmem>>
      %swap3A_627 = tpu.memref_squeeze %swap3A_626 : memref<1x80x16xf32, #tpu.memory_space<vmem>> -> memref<80x16xf32, #tpu.memory_space<vmem>>
      %swap3A_628 = arith.index_cast %add3A_588 : i32 to index
      %swap3A_629 = arith.constant 0 : index
      %swap3A_630 = tpu.vector_load %swap3A_627[%swap3A_628, %swap3A_629] {strides = array<i32>} : memref<80x16xf32, #tpu.memory_space<vmem>>, vector<1x16xf32>,
      %swap3A_631 = vector.shape_cast %swap3A_630 : vector<1x16xf32> to vector<16xf32>
      %swap3A_632 = vector.shape_cast %exp3A_623 : vector<16xf32> to vector<1x16xf32>
      tpu.vector_store %swap3A_627[%swap3A_628, %swap3A_629], %swap3A_632 {strides = array<i32>} : memref<80x16xf32, #tpu.memory_space<vmem>>, vector<1x16xf32>,
      %get3A_633 = arith.constant 0 : i32
      %get3A_634 = arith.constant 0 : i32
      %get3A_635 = tpu.memref_slice %arg19[%scan3A_349, %get3A_633, %get3A_634] : memref<2x80x16xf32, #tpu.memory_space<vmem>> -> memref<1x80x16xf32, #tpu.memory_space<vmem>>
      %get3A_636 = tpu.memref_squeeze %get3A_635 : memref<1x80x16xf32, #tpu.memory_space<vmem>> -> memref<80x16xf32, #tpu.memory_space<vmem>>
      %get3A_637 = arith.index_cast %add3A_588 : i32 to index
      %get3A_638 = arith.constant 0 : index
      %get3A_639 = tpu.vector_load %get3A_636[%get3A_637, %get3A_638] {strides = array<i32>} : memref<80x16xf32, #tpu.memory_space<vmem>>, vector<1x16xf32>,
      %get3A_640 = vector.shape_cast %get3A_639 : vector<1x16xf32> to vector<16xf32>
      %slice3A_641 = vector.extract_strided_slice %exp3A_623 {offsets = [0], sizes = [1], strides = [1]} : vector<16xf32> to vector<1xf32>
      %squeeze3A_642 = vector.extract %slice3A_641[0] : f32 from vector<1xf32>
      %mul3A_643 = vector.broadcast %squeeze3A_642 : f32 to vector<16xf32>
      %mul3A_644 = arith.mulf %get3A_640, %mul3A_643 : vector<16xf32>
      %swap3A_645 = arith.constant 0 : i32
      %swap3A_646 = arith.constant 0 : i32
      %swap3A_647 = tpu.memref_slice %arg23[%scan3A_350, %swap3A_645, %swap3A_646] : memref<2x80x128xf32, #tpu.memory_space<vmem>> -> memref<1x80x128xf32, #tpu.memory_space<vmem>>
      %swap3A_648 = tpu.memref_squeeze %swap3A_647 : memref<1x80x128xf32, #tpu.memory_space<vmem>> -> memref<80x128xf32, #tpu.memory_space<vmem>>
      %swap3A_649 = arith.index_cast %add3A_588 : i32 to index
      %swap3A_650 = arith.constant 0 : index
      %swap3A_651 = tpu.vector_load %swap3A_648[%swap3A_649, %swap3A_650] {strides = array<i32>} : memref<80x128xf32, #tpu.memory_space<vmem>>, vector<1x16xf32>,
      %swap3A_652 = vector.shape_cast %swap3A_651 : vector<1x16xf32> to vector<16xf32>
      %swap3A_653 = vector.shape_cast %mul3A_644 : vector<16xf32> to vector<1x16xf32>
      tpu.vector_store %swap3A_648[%swap3A_649, %swap3A_650], %swap3A_653 {strides = array<i32>} : memref<80x128xf32, #tpu.memory_space<vmem>>, vector<1x16xf32>,
      %slice3A_654 = vector.extract_strided_slice %exp3A_623 {offsets = [1], sizes = [1], strides = [1]} : vector<16xf32> to vector<1xf32>
      %squeeze3A_655 = vector.extract %slice3A_654[0] : f32 from vector<1xf32>
      %mul3A_656 = vector.broadcast %squeeze3A_655 : f32 to vector<16xf32>
      %mul3A_657 = arith.mulf %get3A_640, %mul3A_656 : vector<16xf32>
      %swap3A_658 = arith.constant 0 : i32
      %swap3A_659 = arith.constant 0 : i32
      %swap3A_660 = tpu.memref_slice %arg23[%scan3A_350, %swap3A_658, %swap3A_659] : memref<2x80x128xf32, #tpu.memory_space<vmem>> -> memref<1x80x128xf32, #tpu.memory_space<vmem>>
      %swap3A_661 = tpu.memref_squeeze %swap3A_660 : memref<1x80x128xf32, #tpu.memory_space<vmem>> -> memref<80x128xf32, #tpu.memory_space<vmem>>
      %swap3A_662 = arith.index_cast %add3A_588 : i32 to index
      %swap3A_663 = arith.constant 16 : index
      %swap3A_664 = tpu.vector_load %swap3A_661[%swap3A_662, %swap3A_663] {strides = array<i32>} : memref<80x128xf32, #tpu.memory_space<vmem>>, vector<1x16xf32>,
      %swap3A_665 = vector.shape_cast %swap3A_664 : vector<1x16xf32> to vector<16xf32>
      %swap3A_666 = vector.shape_cast %mul3A_657 : vector<16xf32> to vector<1x16xf32>
      tpu.vector_store %swap3A_661[%swap3A_662, %swap3A_663], %swap3A_666 {strides = array<i32>} : memref<80x128xf32, #tpu.memory_space<vmem>>, vector<1x16xf32>,
      %slice3A_667 = vector.extract_strided_slice %exp3A_623 {offsets = [2], sizes = [1], strides = [1]} : vector<16xf32> to vector<1xf32>
      %squeeze3A_668 = vector.extract %slice3A_667[0] : f32 from vector<1xf32>
      %mul3A_669 = vector.broadcast %squeeze3A_668 : f32 to vector<16xf32>
      %mul3A_670 = arith.mulf %get3A_640, %mul3A_669 : vector<16xf32>
      %swap3A_671 = arith.constant 0 : i32
      %swap3A_672 = arith.constant 0 : i32
      %swap3A_673 = tpu.memref_slice %arg23[%scan3A_350, %swap3A_671, %swap3A_672] : memref<2x80x128xf32, #tpu.memory_space<vmem>> -> memref<1x80x128xf32, #tpu.memory_space<vmem>>
      %swap3A_674 = tpu.memref_squeeze %swap3A_673 : memref<1x80x128xf32, #tpu.memory_space<vmem>> -> memref<80x128xf32, #tpu.memory_space<vmem>>
      %swap3A_675 = arith.index_cast %add3A_588 : i32 to index
      %swap3A_676 = arith.constant 32 : index
      %swap3A_677 = tpu.vector_load %swap3A_674[%swap3A_675, %swap3A_676] {strides = array<i32>} : memref<80x128xf32, #tpu.memory_space<vmem>>, vector<1x16xf32>,
      %swap3A_678 = vector.shape_cast %swap3A_677 : vector<1x16xf32> to vector<16xf32>
      %swap3A_679 = vector.shape_cast %mul3A_670 : vector<16xf32> to vector<1x16xf32>
      tpu.vector_store %swap3A_674[%swap3A_675, %swap3A_676], %swap3A_679 {strides = array<i32>} : memref<80x128xf32, #tpu.memory_space<vmem>>, vector<1x16xf32>,
      %slice3A_680 = vector.extract_strided_slice %exp3A_623 {offsets = [3], sizes = [1], strides = [1]} : vector<16xf32> to vector<1xf32>
      %squeeze3A_681 = vector.extract %slice3A_680[0] : f32 from vector<1xf32>
      %mul3A_682 = vector.broadcast %squeeze3A_681 : f32 to vector<16xf32>
      %mul3A_683 = arith.mulf %get3A_640, %mul3A_682 : vector<16xf32>
      %swap3A_684 = arith.constant 0 : i32
      %swap3A_685 = arith.constant 0 : i32
      %swap3A_686 = tpu.memref_slice %arg23[%scan3A_350, %swap3A_684, %swap3A_685] : memref<2x80x128xf32, #tpu.memory_space<vmem>> -> memref<1x80x128xf32, #tpu.memory_space<vmem>>
      %swap3A_687 = tpu.memref_squeeze %swap3A_686 : memref<1x80x128xf32, #tpu.memory_space<vmem>> -> memref<80x128xf32, #tpu.memory_space<vmem>>
      %swap3A_688 = arith.index_cast %add3A_588 : i32 to index
      %swap3A_689 = arith.constant 48 : index
      %swap3A_690 = tpu.vector_load %swap3A_687[%swap3A_688, %swap3A_689] {strides = array<i32>} : memref<80x128xf32, #tpu.memory_space<vmem>>, vector<1x16xf32>,
      %swap3A_691 = vector.shape_cast %swap3A_690 : vector<1x16xf32> to vector<16xf32>
      %swap3A_692 = vector.shape_cast %mul3A_683 : vector<16xf32> to vector<1x16xf32>
      tpu.vector_store %swap3A_687[%swap3A_688, %swap3A_689], %swap3A_692 {strides = array<i32>} : memref<80x128xf32, #tpu.memory_space<vmem>>, vector<1x16xf32>,
      %slice3A_693 = vector.extract_strided_slice %exp3A_623 {offsets = [4], sizes = [1], strides = [1]} : vector<16xf32> to vector<1xf32>
      %squeeze3A_694 = vector.extract %slice3A_693[0] : f32 from vector<1xf32>
      %mul3A_695 = vector.broadcast %squeeze3A_694 : f32 to vector<16xf32>
      %mul3A_696 = arith.mulf %get3A_640, %mul3A_695 : vector<16xf32>
      %swap3A_697 = arith.constant 0 : i32
      %swap3A_698 = arith.constant 0 : i32
      %swap3A_699 = tpu.memref_slice %arg23[%scan3A_350, %swap3A_697, %swap3A_698] : memref<2x80x128xf32, #tpu.memory_space<vmem>> -> memref<1x80x128xf32, #tpu.memory_space<vmem>>
      %swap3A_700 = tpu.memref_squeeze %swap3A_699 : memref<1x80x128xf32, #tpu.memory_space<vmem>> -> memref<80x128xf32, #tpu.memory_space<vmem>>
      %swap3A_701 = arith.index_cast %add3A_588 : i32 to index
      %swap3A_702 = arith.constant 64 : index
      %swap3A_703 = tpu.vector_load %swap3A_700[%swap3A_701, %swap3A_702] {strides = array<i32>} : memref<80x128xf32, #tpu.memory_space<vmem>>, vector<1x16xf32>,
      %swap3A_704 = vector.shape_cast %swap3A_703 : vector<1x16xf32> to vector<16xf32>
      %swap3A_705 = vector.shape_cast %mul3A_696 : vector<16xf32> to vector<1x16xf32>
      tpu.vector_store %swap3A_700[%swap3A_701, %swap3A_702], %swap3A_705 {strides = array<i32>} : memref<80x128xf32, #tpu.memory_space<vmem>>, vector<1x16xf32>,
      %slice3A_706 = vector.extract_strided_slice %exp3A_623 {offsets = [5], sizes = [1], strides = [1]} : vector<16xf32> to vector<1xf32>
      %squeeze3A_707 = vector.extract %slice3A_706[0] : f32 from vector<1xf32>
      %mul3A_708 = vector.broadcast %squeeze3A_707 : f32 to vector<16xf32>
      %mul3A_709 = arith.mulf %get3A_640, %mul3A_708 : vector<16xf32>
      %swap3A_710 = arith.constant 0 : i32
      %swap3A_711 = arith.constant 0 : i32
      %swap3A_712 = tpu.memref_slice %arg23[%scan3A_350, %swap3A_710, %swap3A_711] : memref<2x80x128xf32, #tpu.memory_space<vmem>> -> memref<1x80x128xf32, #tpu.memory_space<vmem>>
      %swap3A_713 = tpu.memref_squeeze %swap3A_712 : memref<1x80x128xf32, #tpu.memory_space<vmem>> -> memref<80x128xf32, #tpu.memory_space<vmem>>
      %swap3A_714 = arith.index_cast %add3A_588 : i32 to index
      %swap3A_715 = arith.constant 80 : index
      %swap3A_716 = tpu.vector_load %swap3A_713[%swap3A_714, %swap3A_715] {strides = array<i32>} : memref<80x128xf32, #tpu.memory_space<vmem>>, vector<1x16xf32>,
      %swap3A_717 = vector.shape_cast %swap3A_716 : vector<1x16xf32> to vector<16xf32>
      %swap3A_718 = vector.shape_cast %mul3A_709 : vector<16xf32> to vector<1x16xf32>
      tpu.vector_store %swap3A_713[%swap3A_714, %swap3A_715], %swap3A_718 {strides = array<i32>} : memref<80x128xf32, #tpu.memory_space<vmem>>, vector<1x16xf32>,
      %slice3A_719 = vector.extract_strided_slice %exp3A_623 {offsets = [6], sizes = [1], strides = [1]} : vector<16xf32> to vector<1xf32>
      %squeeze3A_720 = vector.extract %slice3A_719[0] : f32 from vector<1xf32>
      %mul3A_721 = vector.broadcast %squeeze3A_720 : f32 to vector<16xf32>
      %mul3A_722 = arith.mulf %get3A_640, %mul3A_721 : vector<16xf32>
      %swap3A_723 = arith.constant 0 : i32
      %swap3A_724 = arith.constant 0 : i32
      %swap3A_725 = tpu.memref_slice %arg23[%scan3A_350, %swap3A_723, %swap3A_724] : memref<2x80x128xf32, #tpu.memory_space<vmem>> -> memref<1x80x128xf32, #tpu.memory_space<vmem>>
      %swap3A_726 = tpu.memref_squeeze %swap3A_725 : memref<1x80x128xf32, #tpu.memory_space<vmem>> -> memref<80x128xf32, #tpu.memory_space<vmem>>
      %swap3A_727 = arith.index_cast %add3A_588 : i32 to index
      %swap3A_728 = arith.constant 96 : index
      %swap3A_729 = tpu.vector_load %swap3A_726[%swap3A_727, %swap3A_728] {strides = array<i32>} : memref<80x128xf32, #tpu.memory_space<vmem>>, vector<1x16xf32>,
      %swap3A_730 = vector.shape_cast %swap3A_729 : vector<1x16xf32> to vector<16xf32>
      %swap3A_731 = vector.shape_cast %mul3A_722 : vector<16xf32> to vector<1x16xf32>
      tpu.vector_store %swap3A_726[%swap3A_727, %swap3A_728], %swap3A_731 {strides = array<i32>} : memref<80x128xf32, #tpu.memory_space<vmem>>, vector<1x16xf32>,
      %slice3A_732 = vector.extract_strided_slice %exp3A_623 {offsets = [7], sizes = [1], strides = [1]} : vector<16xf32> to vector<1xf32>
      %squeeze3A_733 = vector.extract %slice3A_732[0] : f32 from vector<1xf32>
      %mul3A_734 = vector.broadcast %squeeze3A_733 : f32 to vector<16xf32>
      %mul3A_735 = arith.mulf %get3A_640, %mul3A_734 : vector<16xf32>
      %swap3A_736 = arith.constant 0 : i32
      %swap3A_737 = arith.constant 0 : i32
      %swap3A_738 = tpu.memref_slice %arg23[%scan3A_350, %swap3A_736, %swap3A_737] : memref<2x80x128xf32, #tpu.memory_space<vmem>> -> memref<1x80x128xf32, #tpu.memory_space<vmem>>
      %swap3A_739 = tpu.memref_squeeze %swap3A_738 : memref<1x80x128xf32, #tpu.memory_space<vmem>> -> memref<80x128xf32, #tpu.memory_space<vmem>>
      %swap3A_740 = arith.index_cast %add3A_588 : i32 to index
      %swap3A_741 = arith.constant 112 : index
      %swap3A_742 = tpu.vector_load %swap3A_739[%swap3A_740, %swap3A_741] {strides = array<i32>} : memref<80x128xf32, #tpu.memory_space<vmem>>, vector<1x16xf32>,
      %swap3A_743 = vector.shape_cast %swap3A_742 : vector<1x16xf32> to vector<16xf32>
      %swap3A_744 = vector.shape_cast %mul3A_735 : vector<16xf32> to vector<1x16xf32>
      tpu.vector_store %swap3A_739[%swap3A_740, %swap3A_741], %swap3A_744 {strides = array<i32>} : memref<80x128xf32, #tpu.memory_space<vmem>>, vector<1x16xf32>,
    }
    %scan3A_355 = arith.constant 40 : i32
    %dma_start3A_356 = arith.constant 0 : i32
    %dma_start3A_357 = arith.constant 0 : i32
    %dma_start3A_358 = arith.constant 0 : i32
    %dma_start3A_359 = arith.constant 0 : i32
    %dma_start3A_360 = tpu.memref_slice %arg23[%dma_start3A_356, %dma_start3A_358, %dma_start3A_359] : memref<2x80x128xf32, #tpu.memory_space<vmem>> -> memref<1x80x128xf32, #tpu.memory_space<vmem>>
    %dma_start3A_361 = tpu.memref_squeeze %dma_start3A_360 : memref<1x80x128xf32, #tpu.memory_space<vmem>> -> memref<80x128xf32, #tpu.memory_space<vmem>>
    %dma_start3A_362 = arith.constant 0 : i32
    %dma_start3A_363 = tpu.memref_slice %arg17[%dma_start3A_357, %dma_start3A_362] : memref<2x80xi32, #tpu.memory_space<vmem>> -> memref<1x80xi32, #tpu.memory_space<vmem>>
    %dma_start3A_364 = tpu.memref_squeeze %dma_start3A_363 : memref<1x80xi32, #tpu.memory_space<vmem>> -> memref<80xi32, #tpu.memory_space<vmem>>
    %dma_start3A_365 = arith.constant 0 : i32
    %dma_start3A_366 = arith.constant 0 : i32
    %dma_start3A_367 = tpu.memref_slice %arg26[%dma_start3A_365, %dma_start3A_366] : memref<10240x128xf32, #tpu.memory_space<vmem_shared>> -> memref<10240x128xf32, #tpu.memory_space<vmem_shared>>
    tpu.enqueue_indirect_dma source(%dma_start3A_361 : memref<80x128xf32, #tpu.memory_space<vmem>>) target(%dma_start3A_367 : memref<10240x128xf32, #tpu.memory_space<vmem_shared>>) offsets(%dma_start3A_364 : memref<80xi32, #tpu.memory_space<vmem>>) semaphore(%arg31 : memref<!tpu.dma_semaphore, #tpu.memory_space<semaphore_mem>>) {add = true}
    %dma_start3A_368 = arith.constant 0 : i32
    %dma_start3A_369 = arith.constant 0 : i32
    %dma_start3A_370 = arith.constant 0 : i32
    %dma_start3A_371 = arith.constant 0 : i32
    %dma_start3A_372 = tpu.memref_slice %arg22[%dma_start3A_368, %dma_start3A_370, %dma_start3A_371] : memref<2x80x16xf32, #tpu.memory_space<vmem>> -> memref<1x80x16xf32, #tpu.memory_space<vmem>>
    %dma_start3A_373 = tpu.memref_squeeze %dma_start3A_372 : memref<1x80x16xf32, #tpu.memory_space<vmem>> -> memref<80x16xf32, #tpu.memory_space<vmem>>
    %dma_start3A_374 = arith.constant 0 : i32
    %dma_start3A_375 = tpu.memref_slice %arg17[%dma_start3A_369, %dma_start3A_374] : memref<2x80xi32, #tpu.memory_space<vmem>> -> memref<1x80xi32, #tpu.memory_space<vmem>>
    %dma_start3A_376 = tpu.memref_squeeze %dma_start3A_375 : memref<1x80xi32, #tpu.memory_space<vmem>> -> memref<80xi32, #tpu.memory_space<vmem>>
    %dma_start3A_377 = arith.constant 0 : i32
    %dma_start3A_378 = arith.constant 0 : i32
    %dma_start3A_379 = tpu.memref_slice %arg27[%dma_start3A_377, %dma_start3A_378] : memref<10240x16xf32, #tpu.memory_space<vmem_shared>> -> memref<10240x16xf32, #tpu.memory_space<vmem_shared>>
    tpu.enqueue_indirect_dma source(%dma_start3A_373 : memref<80x16xf32, #tpu.memory_space<vmem>>) target(%dma_start3A_379 : memref<10240x16xf32, #tpu.memory_space<vmem_shared>>) offsets(%dma_start3A_376 : memref<80xi32, #tpu.memory_space<vmem>>) semaphore(%arg32 : memref<!tpu.dma_semaphore, #tpu.memory_space<semaphore_mem>>) {add = true}
    %dma_wait3A_380 = arith.constant 1 : i32
    %dma_wait3A_381 = arith.constant 1 : i32
    %dma_wait3A_382 = arith.constant 0 : i32
    %dma_wait3A_383 = arith.constant 0 : i32
    %dma_wait3A_384 = tpu.memref_slice %arg23[%dma_wait3A_380, %dma_wait3A_382, %dma_wait3A_383] : memref<2x80x128xf32, #tpu.memory_space<vmem>> -> memref<1x80x128xf32, #tpu.memory_space<vmem>>
    %dma_wait3A_385 = tpu.memref_squeeze %dma_wait3A_384 : memref<1x80x128xf32, #tpu.memory_space<vmem>> -> memref<80x128xf32, #tpu.memory_space<vmem>>
    %dma_wait3A_386 = arith.constant 0 : i32
    %dma_wait3A_387 = tpu.memref_slice %arg17[%dma_wait3A_381, %dma_wait3A_386] : memref<2x80xi32, #tpu.memory_space<vmem>> -> memref<1x80xi32, #tpu.memory_space<vmem>>
    %dma_wait3A_388 = tpu.memref_squeeze %dma_wait3A_387 : memref<1x80xi32, #tpu.memory_space<vmem>> -> memref<80xi32, #tpu.memory_space<vmem>>
    %dma_wait3A_389 = arith.constant 0 : i32
    %dma_wait3A_390 = arith.constant 0 : i32
    %dma_wait3A_391 = tpu.memref_slice %arg26[%dma_wait3A_389, %dma_wait3A_390] : memref<10240x128xf32, #tpu.memory_space<vmem_shared>> -> memref<10240x128xf32, #tpu.memory_space<vmem_shared>>
    tpu.wait_indirect_dma semaphore(%arg31 : memref<!tpu.dma_semaphore, #tpu.memory_space<semaphore_mem>>) src(%dma_wait3A_385 : memref<80x128xf32, #tpu.memory_space<vmem>>) dst(%dma_wait3A_391 : memref<10240x128xf32, #tpu.memory_space<vmem_shared>>)
    %dma_wait3A_392 = arith.constant 1 : i32
    %dma_wait3A_393 = arith.constant 1 : i32
    %dma_wait3A_394 = arith.constant 0 : i32
    %dma_wait3A_395 = arith.constant 0 : i32
    %dma_wait3A_396 = tpu.memref_slice %arg22[%dma_wait3A_392, %dma_wait3A_394, %dma_wait3A_395] : memref<2x80x16xf32, #tpu.memory_space<vmem>> -> memref<1x80x16xf32, #tpu.memory_space<vmem>>
    %dma_wait3A_397 = tpu.memref_squeeze %dma_wait3A_396 : memref<1x80x16xf32, #tpu.memory_space<vmem>> -> memref<80x16xf32, #tpu.memory_space<vmem>>
    %dma_wait3A_398 = arith.constant 0 : i32
    %dma_wait3A_399 = tpu.memref_slice %arg17[%dma_wait3A_393, %dma_wait3A_398] : memref<2x80xi32, #tpu.memory_space<vmem>> -> memref<1x80xi32, #tpu.memory_space<vmem>>
    %dma_wait3A_400 = tpu.memref_squeeze %dma_wait3A_399 : memref<1x80xi32, #tpu.memory_space<vmem>> -> memref<80xi32, #tpu.memory_space<vmem>>
    %dma_wait3A_401 = arith.constant 0 : i32
    %dma_wait3A_402 = arith.constant 0 : i32
    %dma_wait3A_403 = tpu.memref_slice %arg27[%dma_wait3A_401, %dma_wait3A_402] : memref<10240x16xf32, #tpu.memory_space<vmem_shared>> -> memref<10240x16xf32, #tpu.memory_space<vmem_shared>>
    tpu.wait_indirect_dma semaphore(%arg32 : memref<!tpu.dma_semaphore, #tpu.memory_space<semaphore_mem>>) src(%dma_wait3A_397 : memref<80x16xf32, #tpu.memory_space<vmem>>) dst(%dma_wait3A_403 : memref<10240x16xf32, #tpu.memory_space<vmem_shared>>)
    %dma_wait3A_404 = arith.constant 0 : i32
    %dma_wait3A_405 = arith.constant 0 : i32
    %dma_wait3A_406 = arith.constant 0 : i32
    %dma_wait3A_407 = arith.constant 0 : i32
    %dma_wait3A_408 = tpu.memref_slice %arg23[%dma_wait3A_404, %dma_wait3A_406, %dma_wait3A_407] : memref<2x80x128xf32, #tpu.memory_space<vmem>> -> memref<1x80x128xf32, #tpu.memory_space<vmem>>
    %dma_wait3A_409 = tpu.memref_squeeze %dma_wait3A_408 : memref<1x80x128xf32, #tpu.memory_space<vmem>> -> memref<80x128xf32, #tpu.memory_space<vmem>>
    %dma_wait3A_410 = arith.constant 0 : i32
    %dma_wait3A_411 = tpu.memref_slice %arg17[%dma_wait3A_405, %dma_wait3A_410] : memref<2x80xi32, #tpu.memory_space<vmem>> -> memref<1x80xi32, #tpu.memory_space<vmem>>
    %dma_wait3A_412 = tpu.memref_squeeze %dma_wait3A_411 : memref<1x80xi32, #tpu.memory_space<vmem>> -> memref<80xi32, #tpu.memory_space<vmem>>
    %dma_wait3A_413 = arith.constant 0 : i32
    %dma_wait3A_414 = arith.constant 0 : i32
    %dma_wait3A_415 = tpu.memref_slice %arg26[%dma_wait3A_413, %dma_wait3A_414] : memref<10240x128xf32, #tpu.memory_space<vmem_shared>> -> memref<10240x128xf32, #tpu.memory_space<vmem_shared>>
    tpu.wait_indirect_dma semaphore(%arg31 : memref<!tpu.dma_semaphore, #tpu.memory_space<semaphore_mem>>) src(%dma_wait3A_409 : memref<80x128xf32, #tpu.memory_space<vmem>>) dst(%dma_wait3A_415 : memref<10240x128xf32, #tpu.memory_space<vmem_shared>>)
    %dma_wait3A_416 = arith.constant 0 : i32
    %dma_wait3A_417 = arith.constant 0 : i32
    %dma_wait3A_418 = arith.constant 0 : i32
    %dma_wait3A_419 = arith.constant 0 : i32
    %dma_wait3A_420 = tpu.memref_slice %arg22[%dma_wait3A_416, %dma_wait3A_418, %dma_wait3A_419] : memref<2x80x16xf32, #tpu.memory_space<vmem>> -> memref<1x80x16xf32, #tpu.memory_space<vmem>>
    %dma_wait3A_421 = tpu.memref_squeeze %dma_wait3A_420 : memref<1x80x16xf32, #tpu.memory_space<vmem>> -> memref<80x16xf32, #tpu.memory_space<vmem>>
    %dma_wait3A_422 = arith.constant 0 : i32
    %dma_wait3A_423 = tpu.memref_slice %arg17[%dma_wait3A_417, %dma_wait3A_422] : memref<2x80xi32, #tpu.memory_space<vmem>> -> memref<1x80xi32, #tpu.memory_space<vmem>>
    %dma_wait3A_424 = tpu.memref_squeeze %dma_wait3A_423 : memref<1x80xi32, #tpu.memory_space<vmem>> -> memref<80xi32, #tpu.memory_space<vmem>>
    %dma_wait3A_425 = arith.constant 0 : i32
    %dma_wait3A_426 = arith.constant 0 : i32
    %dma_wait3A_427 = tpu.memref_slice %arg27[%dma_wait3A_425, %dma_wait3A_426] : memref<10240x16xf32, #tpu.memory_space<vmem_shared>> -> memref<10240x16xf32, #tpu.memory_space<vmem_shared>>
    tpu.wait_indirect_dma semaphore(%arg32 : memref<!tpu.dma_semaphore, #tpu.memory_space<semaphore_mem>>) src(%dma_wait3A_421 : memref<80x16xf32, #tpu.memory_space<vmem>>) dst(%dma_wait3A_427 : memref<10240x16xf32, #tpu.memory_space<vmem_shared>>)
    %barrier3A_428 = arith.constant 0 : index
    tpu.barrier barrier_id(%barrier3A_428)
    "tpu.region"() ({
      %run_scoped3A_429 = tpu.sem_alloc : memref<!tpu.dma_semaphore, #tpu.memory_space<semaphore_mem>>
      %dma_start3A_430 = arith.constant 0 : i32
      %dma_start3A_431 = tpu.memref_slice %arg13[%arg0, %mul3A_2, %dma_start3A_430] : memref<2x10240x128xf32, #tpu.memory_space<hbm>> -> memref<1x640x128xf32, #tpu.memory_space<hbm>>
      %dma_start3A_432 = tpu.memref_squeeze %dma_start3A_431 : memref<1x640x128xf32, #tpu.memory_space<hbm>> -> memref<640x128xf32, #tpu.memory_space<hbm>>
      %dma_start3A_433 = arith.constant 0 : i32
      %dma_start3A_434 = tpu.memref_slice %arg26[%mul3A_2, %dma_start3A_433] : memref<10240x128xf32, #tpu.memory_space<vmem_shared>> -> memref<640x128xf32, #tpu.memory_space<vmem_shared>>
      tpu.enqueue_dma source(%dma_start3A_434 : memref<640x128xf32, #tpu.memory_space<vmem_shared>>) target(%dma_start3A_432 : memref<640x128xf32, #tpu.memory_space<hbm>>) target_semaphore(%run_scoped3A_429 : memref<!tpu.dma_semaphore, #tpu.memory_space<semaphore_mem>>)
      %dma_wait3A_435 = arith.constant 0 : i32
      %dma_wait3A_436 = tpu.memref_slice %arg13[%arg0, %mul3A_2, %dma_wait3A_435] : memref<2x10240x128xf32, #tpu.memory_space<hbm>> -> memref<1x640x128xf32, #tpu.memory_space<hbm>>
      %dma_wait3A_437 = tpu.memref_squeeze %dma_wait3A_436 : memref<1x640x128xf32, #tpu.memory_space<hbm>> -> memref<640x128xf32, #tpu.memory_space<hbm>>
      %dma_wait3A_438 = arith.constant 0 : i32
      %dma_wait3A_439 = tpu.memref_slice %arg26[%mul3A_2, %dma_wait3A_438] : memref<10240x128xf32, #tpu.memory_space<vmem_shared>> -> memref<640x128xf32, #tpu.memory_space<vmem_shared>>
      tpu.wait_dma2 semaphore(%run_scoped3A_429 : memref<!tpu.dma_semaphore, #tpu.memory_space<semaphore_mem>>) src(%dma_wait3A_439 : memref<640x128xf32, #tpu.memory_space<vmem_shared>>) dst(%dma_wait3A_437 : memref<640x128xf32, #tpu.memory_space<hbm>>)
      tpu.yield
    }) : () -> ()
    "tpu.region"() ({
      %run_scoped3A_429 = tpu.sem_alloc : memref<!tpu.dma_semaphore, #tpu.memory_space<semaphore_mem>>
      %dma_start3A_430 = arith.constant 0 : i32
      %dma_start3A_431 = tpu.memref_slice %arg14[%arg0, %mul3A_2, %dma_start3A_430] : memref<2x10240x16xf32, #tpu.memory_space<hbm>> -> memref<1x640x16xf32, #tpu.memory_space<hbm>>
      %dma_start3A_432 = tpu.memref_squeeze %dma_start3A_431 : memref<1x640x16xf32, #tpu.memory_space<hbm>> -> memref<640x16xf32, #tpu.memory_space<hbm>>
      %dma_start3A_433 = arith.constant 0 : i32
      %dma_start3A_434 = tpu.memref_slice %arg27[%mul3A_2, %dma_start3A_433] : memref<10240x16xf32, #tpu.memory_space<vmem_shared>> -> memref<640x16xf32, #tpu.memory_space<vmem_shared>>
      tpu.enqueue_dma source(%dma_start3A_434 : memref<640x16xf32, #tpu.memory_space<vmem_shared>>) target(%dma_start3A_432 : memref<640x16xf32, #tpu.memory_space<hbm>>) target_semaphore(%run_scoped3A_429 : memref<!tpu.dma_semaphore, #tpu.memory_space<semaphore_mem>>)
      %dma_wait3A_435 = arith.constant 0 : i32
      %dma_wait3A_436 = tpu.memref_slice %arg14[%arg0, %mul3A_2, %dma_wait3A_435] : memref<2x10240x16xf32, #tpu.memory_space<hbm>> -> memref<1x640x16xf32, #tpu.memory_space<hbm>>
      %dma_wait3A_437 = tpu.memref_squeeze %dma_wait3A_436 : memref<1x640x16xf32, #tpu.memory_space<hbm>> -> memref<640x16xf32, #tpu.memory_space<hbm>>
      %dma_wait3A_438 = arith.constant 0 : i32
      %dma_wait3A_439 = tpu.memref_slice %arg27[%mul3A_2, %dma_wait3A_438] : memref<10240x16xf32, #tpu.memory_space<vmem_shared>> -> memref<640x16xf32, #tpu.memory_space<vmem_shared>>
      tpu.wait_dma2 semaphore(%run_scoped3A_429 : memref<!tpu.dma_semaphore, #tpu.memory_space<semaphore_mem>>) src(%dma_wait3A_439 : memref<640x16xf32, #tpu.memory_space<vmem_shared>>) dst(%dma_wait3A_437 : memref<640x16xf32, #tpu.memory_space<hbm>>)
      tpu.yield
    }) : () -> ()
    return
  }
}

module attributes {stable_mosaic.version = 14 : i64} {
  func.func @_node_proj_body(%arg0: i32, %arg1: memref<2000x128xf32, #tpu.memory_space<vmem>>, %arg2: memref<128x128xf32, #tpu.memory_space<vmem>>, %arg3: memref<128x16xf32, #tpu.memory_space<vmem>>, %arg4: memref<128x16xf32, #tpu.memory_space<vmem>>, %arg5: memref<2000x128xf32, #tpu.memory_space<vmem>>, %arg6: memref<2000x16xf32, #tpu.memory_space<vmem>>, %arg7: memref<2000x16xf32, #tpu.memory_space<vmem>>, %arg8: memref<8x16xf32, #tpu.memory_space<vmem>>, %arg9: memref<8x16xf32, #tpu.memory_space<vmem>>) attributes {dimension_semantics = [#tpu.dimension_semantics<arbitrary>], iteration_bounds = array<i64: 5>, scalar_prefetch = 0 : i64, scratch_operands = 0 : i64, tpu.core_type = #tpu.core_type<tc>, window_params = [{transform_indices = @transform_0, window_bounds = array<i64: 2000, 128>}, {pipeline_mode = #tpu.pipeline_mode<synchronous>, transform_indices = @transform_1, window_bounds = array<i64: 128, 128>}, {pipeline_mode = #tpu.pipeline_mode<synchronous>, transform_indices = @transform_2, window_bounds = array<i64: 128, 16>}, {pipeline_mode = #tpu.pipeline_mode<synchronous>, transform_indices = @transform_3, window_bounds = array<i64: 128, 16>}, {transform_indices = @transform_4, window_bounds = array<i64: 2000, 128>}, {transform_indices = @transform_5, window_bounds = array<i64: 2000, 16>}, {transform_indices = @transform_6, window_bounds = array<i64: 2000, 16>}, {pipeline_mode = #tpu.pipeline_mode<synchronous>, transform_indices = @transform_7, window_bounds = array<i64: 8, 16>}, {pipeline_mode = #tpu.pipeline_mode<synchronous>, transform_indices = @transform_8, window_bounds = array<i64: 8, 16>}]} {
    %get3A = arith.constant 0 : index
    %get3A_0 = arith.constant 0 : index
    %get3A_1 = vector.load %arg1[%get3A, %get3A_0] : memref<2000x128xf32, #tpu.memory_space<vmem>>, vector<2000x128xf32>
    %get3A_2 = arith.constant 0 : index
    %get3A_3 = arith.constant 0 : index
    %get3A_4 = vector.load %arg2[%get3A_2, %get3A_3] : memref<128x128xf32, #tpu.memory_space<vmem>>, vector<128x128xf32>
    %dot_general3A = arith.constant dense<0.000000e+00> : vector<2000x128xf32>
    %dot_general3A_5 = tpu.matmul %get3A_1, %get3A_4, %dot_general3A {dimension_numbers = #tpu.dot_dimension_numbers<[1], [0], [0], [1], [0, 0, 1, 1], [], []>, transpose_lhs_hint = false} : vector<2000x128xf32>, vector<128x128xf32>, vector<2000x128xf32> -> vector<2000x128xf32>
    %swap3A = arith.constant 0 : index
    %swap3A_6 = arith.constant 0 : index
    %swap3A_7 = vector.load %arg5[%swap3A, %swap3A_6] : memref<2000x128xf32, #tpu.memory_space<vmem>>, vector<2000x128xf32>
    tpu.vector_store %arg5[%swap3A, %swap3A_6], %dot_general3A_5 {strides = array<i32>} : memref<2000x128xf32, #tpu.memory_space<vmem>>, vector<2000x128xf32>,
    %get3A_8 = arith.constant 0 : index
    %get3A_9 = arith.constant 0 : index
    %get3A_10 = vector.load %arg3[%get3A_8, %get3A_9] : memref<128x16xf32, #tpu.memory_space<vmem>>, vector<128x16xf32>
    %dot_general3A_11 = arith.constant dense<0.000000e+00> : vector<2000x16xf32>
    %dot_general3A_12 = tpu.matmul %dot_general3A_5, %get3A_10, %dot_general3A_11 {dimension_numbers = #tpu.dot_dimension_numbers<[1], [0], [0], [1], [0, 0, 1, 1], [], []>, transpose_lhs_hint = false} : vector<2000x128xf32>, vector<128x16xf32>, vector<2000x16xf32> -> vector<2000x16xf32>
    %get3A_13 = arith.constant 0 : index
    %get3A_14 = arith.constant 0 : index
    %get3A_15 = vector.load %arg4[%get3A_13, %get3A_14] : memref<128x16xf32, #tpu.memory_space<vmem>>, vector<128x16xf32>
    %dot_general3A_16 = arith.constant dense<0.000000e+00> : vector<2000x16xf32>
    %dot_general3A_17 = tpu.matmul %dot_general3A_5, %get3A_15, %dot_general3A_16 {dimension_numbers = #tpu.dot_dimension_numbers<[1], [0], [0], [1], [0, 0, 1, 1], [], []>, transpose_lhs_hint = false} : vector<2000x128xf32>, vector<128x16xf32>, vector<2000x16xf32> -> vector<2000x16xf32>
    %swap3A_18 = arith.constant 0 : index
    %swap3A_19 = arith.constant 0 : index
    %swap3A_20 = vector.load %arg6[%swap3A_18, %swap3A_19] : memref<2000x16xf32, #tpu.memory_space<vmem>>, vector<2000x16xf32>
    tpu.vector_store %arg6[%swap3A_18, %swap3A_19], %dot_general3A_12 {strides = array<i32>} : memref<2000x16xf32, #tpu.memory_space<vmem>>, vector<2000x16xf32>,
    %swap3A_21 = arith.constant 0 : index
    %swap3A_22 = arith.constant 0 : index
    %swap3A_23 = vector.load %arg7[%swap3A_21, %swap3A_22] : memref<2000x16xf32, #tpu.memory_space<vmem>>, vector<2000x16xf32>
    tpu.vector_store %arg7[%swap3A_21, %swap3A_22], %dot_general3A_17 {strides = array<i32>} : memref<2000x16xf32, #tpu.memory_space<vmem>>, vector<2000x16xf32>,
    %reduce_max3A = arith.constant dense<0xFF800000> : vector<16xf32>
    %reduce_max3A_24 = vector.multi_reduction <maximumf>, %dot_general3A_12, %reduce_max3A [0] : vector<2000x16xf32> to vector<16xf32>
    %broadcast_in_dim3A = vector.shape_cast %reduce_max3A_24 : vector<16xf32> to vector<1x16xf32>
    %broadcast_in_dim3A_25 = vector.shape_cast %broadcast_in_dim3A : vector<1x16xf32> to vector<1x16xf32>
    %broadcast_in_dim3A_26 = vector.broadcast %broadcast_in_dim3A_25 : vector<1x16xf32> to vector<8x16xf32>
    %reduce_max3A_27 = arith.constant dense<0xFF800000> : vector<16xf32>
    %reduce_max3A_28 = vector.multi_reduction <maximumf>, %dot_general3A_17, %reduce_max3A_27 [0] : vector<2000x16xf32> to vector<16xf32>
    %broadcast_in_dim3A_29 = vector.shape_cast %reduce_max3A_28 : vector<16xf32> to vector<1x16xf32>
    %broadcast_in_dim3A_30 = vector.shape_cast %broadcast_in_dim3A_29 : vector<1x16xf32> to vector<1x16xf32>
    %broadcast_in_dim3A_31 = vector.broadcast %broadcast_in_dim3A_30 : vector<1x16xf32> to vector<8x16xf32>
    %eq3A = arith.constant 0 : i32
    %eq3A_32 = arith.cmpi eq, %arg0, %eq3A : i32
    %convert_element_type3A = arith.extui %eq3A_32 : i1 to i32
    %cond3A = arith.constant 0 : i32
    %cond3A_33 = arith.cmpi ne, %convert_element_type3A, %cond3A : i32
    scf.if %cond3A_33 {
      %swap3A_38 = arith.constant 0 : index
      %swap3A_39 = arith.constant 0 : index
      %swap3A_40 = vector.load %arg8[%swap3A_38, %swap3A_39] : memref<8x16xf32, #tpu.memory_space<vmem>>, vector<8x16xf32>
      tpu.vector_store %arg8[%swap3A_38, %swap3A_39], %broadcast_in_dim3A_26 {strides = array<i32>} : memref<8x16xf32, #tpu.memory_space<vmem>>, vector<8x16xf32>,
      %swap3A_41 = arith.constant 0 : index
      %swap3A_42 = arith.constant 0 : index
      %swap3A_43 = vector.load %arg9[%swap3A_41, %swap3A_42] : memref<8x16xf32, #tpu.memory_space<vmem>>, vector<8x16xf32>
      tpu.vector_store %arg9[%swap3A_41, %swap3A_42], %broadcast_in_dim3A_31 {strides = array<i32>} : memref<8x16xf32, #tpu.memory_space<vmem>>, vector<8x16xf32>,
    } else {
    }
    %gt3A = arith.constant 0 : i32
    %gt3A_34 = arith.cmpi sgt, %arg0, %gt3A : i32
    %convert_element_type3A_35 = arith.extui %gt3A_34 : i1 to i32
    %cond3A_36 = arith.constant 0 : i32
    %cond3A_37 = arith.cmpi ne, %convert_element_type3A_35, %cond3A_36 : i32
    scf.if %cond3A_37 {
      %get3A_38 = arith.constant 0 : index
      %get3A_39 = arith.constant 0 : index
      %get3A_40 = vector.load %arg8[%get3A_38, %get3A_39] : memref<8x16xf32, #tpu.memory_space<vmem>>, vector<8x16xf32>
      %max3A = arith.maximumf %get3A_40, %broadcast_in_dim3A_26 : vector<8x16xf32>
      %swap3A_41 = arith.constant 0 : index
      %swap3A_42 = arith.constant 0 : index
      %swap3A_43 = vector.load %arg8[%swap3A_41, %swap3A_42] : memref<8x16xf32, #tpu.memory_space<vmem>>, vector<8x16xf32>
      tpu.vector_store %arg8[%swap3A_41, %swap3A_42], %max3A {strides = array<i32>} : memref<8x16xf32, #tpu.memory_space<vmem>>, vector<8x16xf32>,
      %get3A_44 = arith.constant 0 : index
      %get3A_45 = arith.constant 0 : index
      %get3A_46 = vector.load %arg9[%get3A_44, %get3A_45] : memref<8x16xf32, #tpu.memory_space<vmem>>, vector<8x16xf32>
      %max3A_47 = arith.maximumf %get3A_46, %broadcast_in_dim3A_31 : vector<8x16xf32>
      %swap3A_48 = arith.constant 0 : index
      %swap3A_49 = arith.constant 0 : index
      %swap3A_50 = vector.load %arg9[%swap3A_48, %swap3A_49] : memref<8x16xf32, #tpu.memory_space<vmem>>, vector<8x16xf32>
      tpu.vector_store %arg9[%swap3A_48, %swap3A_49], %max3A_47 {strides = array<i32>} : memref<8x16xf32, #tpu.memory_space<vmem>>, vector<8x16xf32>,
    } else {
    }
    return
  }
  func.func @transform_0(%arg0: i32) -> (i32, i32) {
    %c0_i32 = arith.constant 0 : i32
    %c0_i32_0 = arith.constant 0 : i32
    return %arg0, %c0_i32 : i32, i32
  }
  func.func @transform_1(%arg0: i32) -> (i32, i32) {
    %c0_i32 = arith.constant 0 : i32
    %c0_i32_0 = arith.constant 0 : i32
    %c0_i32_1 = arith.constant 0 : i32
    return %c0_i32, %c0_i32_0 : i32, i32
  }
  func.func @transform_2(%arg0: i32) -> (i32, i32) {
    %c0_i32 = arith.constant 0 : i32
    %c0_i32_0 = arith.constant 0 : i32
    %c0_i32_1 = arith.constant 0 : i32
    return %c0_i32, %c0_i32_0 : i32, i32
  }
  func.func @transform_3(%arg0: i32) -> (i32, i32) {
    %c0_i32 = arith.constant 0 : i32
    %c0_i32_0 = arith.constant 0 : i32
    %c0_i32_1 = arith.constant 0 : i32
    return %c0_i32, %c0_i32_0 : i32, i32
  }
  func.func @transform_4(%arg0: i32) -> (i32, i32) {
    %c0_i32 = arith.constant 0 : i32
    %c0_i32_0 = arith.constant 0 : i32
    return %arg0, %c0_i32 : i32, i32
  }
  func.func @transform_5(%arg0: i32) -> (i32, i32) {
    %c0_i32 = arith.constant 0 : i32
    %c0_i32_0 = arith.constant 0 : i32
    return %arg0, %c0_i32 : i32, i32
  }
  func.func @transform_6(%arg0: i32) -> (i32, i32) {
    %c0_i32 = arith.constant 0 : i32
    %c0_i32_0 = arith.constant 0 : i32
    return %arg0, %c0_i32 : i32, i32
  }
  func.func @transform_7(%arg0: i32) -> (i32, i32) {
    %c0_i32 = arith.constant 0 : i32
    %c0_i32_0 = arith.constant 0 : i32
    %c0_i32_1 = arith.constant 0 : i32
    return %c0_i32, %c0_i32_0 : i32, i32
  }
  func.func @transform_8(%arg0: i32) -> (i32, i32) {
    %c0_i32 = arith.constant 0 : i32
    %c0_i32_0 = arith.constant 0 : i32
    %c0_i32_1 = arith.constant 0 : i32
    return %c0_i32, %c0_i32_0 : i32, i32
  }
}

module attributes {stable_mosaic.version = 14 : i64} {
  func.func @_edge_proj_body(%arg0: i32, %arg1: memref<8000x16xf32, #tpu.memory_space<vmem>>, %arg2: memref<16x16xf32, #tpu.memory_space<vmem>>, %arg3: memref<8000x16xf32, #tpu.memory_space<vmem>>, %arg4: memref<8x16xf32, #tpu.memory_space<vmem>>) attributes {dimension_semantics = [#tpu.dimension_semantics<arbitrary>], iteration_bounds = array<i64: 40>, scalar_prefetch = 0 : i64, scratch_operands = 0 : i64, tpu.core_type = #tpu.core_type<tc>, window_params = [{transform_indices = @transform_0, window_bounds = array<i64: 8000, 16>}, {pipeline_mode = #tpu.pipeline_mode<synchronous>, transform_indices = @transform_1, window_bounds = array<i64: 16, 16>}, {transform_indices = @transform_2, window_bounds = array<i64: 8000, 16>}, {pipeline_mode = #tpu.pipeline_mode<synchronous>, transform_indices = @transform_3, window_bounds = array<i64: 8, 16>}]} {
    %get3A = arith.constant 0 : index
    %get3A_0 = arith.constant 0 : index
    %get3A_1 = vector.load %arg1[%get3A, %get3A_0] : memref<8000x16xf32, #tpu.memory_space<vmem>>, vector<8000x16xf32>
    %get3A_2 = arith.constant 0 : index
    %get3A_3 = arith.constant 0 : index
    %get3A_4 = vector.load %arg2[%get3A_2, %get3A_3] : memref<16x16xf32, #tpu.memory_space<vmem>>, vector<16x16xf32>
    %dot_general3A = arith.constant dense<0.000000e+00> : vector<8000x16xf32>
    %dot_general3A_5 = tpu.matmul %get3A_1, %get3A_4, %dot_general3A {dimension_numbers = #tpu.dot_dimension_numbers<[1], [0], [0], [1], [0, 0, 1, 1], [], []>, transpose_lhs_hint = false} : vector<8000x16xf32>, vector<16x16xf32>, vector<8000x16xf32> -> vector<8000x16xf32>
    %swap3A = arith.constant 0 : index
    %swap3A_6 = arith.constant 0 : index
    %swap3A_7 = vector.load %arg3[%swap3A, %swap3A_6] : memref<8000x16xf32, #tpu.memory_space<vmem>>, vector<8000x16xf32>
    tpu.vector_store %arg3[%swap3A, %swap3A_6], %dot_general3A_5 {strides = array<i32>} : memref<8000x16xf32, #tpu.memory_space<vmem>>, vector<8000x16xf32>,
    %reduce_max3A = arith.constant dense<0xFF800000> : vector<16xf32>
    %reduce_max3A_8 = vector.multi_reduction <maximumf>, %dot_general3A_5, %reduce_max3A [0] : vector<8000x16xf32> to vector<16xf32>
    %broadcast_in_dim3A = vector.shape_cast %reduce_max3A_8 : vector<16xf32> to vector<1x16xf32>
    %broadcast_in_dim3A_9 = vector.shape_cast %broadcast_in_dim3A : vector<1x16xf32> to vector<1x16xf32>
    %broadcast_in_dim3A_10 = vector.broadcast %broadcast_in_dim3A_9 : vector<1x16xf32> to vector<8x16xf32>
    %eq3A = arith.constant 0 : i32
    %eq3A_11 = arith.cmpi eq, %arg0, %eq3A : i32
    %convert_element_type3A = arith.extui %eq3A_11 : i1 to i32
    %cond3A = arith.constant 0 : i32
    %cond3A_12 = arith.cmpi ne, %convert_element_type3A, %cond3A : i32
    scf.if %cond3A_12 {
      %swap3A_17 = arith.constant 0 : index
      %swap3A_18 = arith.constant 0 : index
      %swap3A_19 = vector.load %arg4[%swap3A_17, %swap3A_18] : memref<8x16xf32, #tpu.memory_space<vmem>>, vector<8x16xf32>
      tpu.vector_store %arg4[%swap3A_17, %swap3A_18], %broadcast_in_dim3A_10 {strides = array<i32>} : memref<8x16xf32, #tpu.memory_space<vmem>>, vector<8x16xf32>,
    } else {
    }
    %gt3A = arith.constant 0 : i32
    %gt3A_13 = arith.cmpi sgt, %arg0, %gt3A : i32
    %convert_element_type3A_14 = arith.extui %gt3A_13 : i1 to i32
    %cond3A_15 = arith.constant 0 : i32
    %cond3A_16 = arith.cmpi ne, %convert_element_type3A_14, %cond3A_15 : i32
    scf.if %cond3A_16 {
      %get3A_17 = arith.constant 0 : index
      %get3A_18 = arith.constant 0 : index
      %get3A_19 = vector.load %arg4[%get3A_17, %get3A_18] : memref<8x16xf32, #tpu.memory_space<vmem>>, vector<8x16xf32>
      %max3A = arith.maximumf %get3A_19, %broadcast_in_dim3A_10 : vector<8x16xf32>
      %swap3A_20 = arith.constant 0 : index
      %swap3A_21 = arith.constant 0 : index
      %swap3A_22 = vector.load %arg4[%swap3A_20, %swap3A_21] : memref<8x16xf32, #tpu.memory_space<vmem>>, vector<8x16xf32>
      tpu.vector_store %arg4[%swap3A_20, %swap3A_21], %max3A {strides = array<i32>} : memref<8x16xf32, #tpu.memory_space<vmem>>, vector<8x16xf32>,
    } else {
    }
    return
  }
  func.func @transform_0(%arg0: i32) -> (i32, i32) {
    %c0_i32 = arith.constant 0 : i32
    %c0_i32_0 = arith.constant 0 : i32
    return %arg0, %c0_i32 : i32, i32
  }
  func.func @transform_1(%arg0: i32) -> (i32, i32) {
    %c0_i32 = arith.constant 0 : i32
    %c0_i32_0 = arith.constant 0 : i32
    %c0_i32_1 = arith.constant 0 : i32
    return %c0_i32, %c0_i32_0 : i32, i32
  }
  func.func @transform_2(%arg0: i32) -> (i32, i32) {
    %c0_i32 = arith.constant 0 : i32
    %c0_i32_0 = arith.constant 0 : i32
    return %arg0, %c0_i32 : i32, i32
  }
  func.func @transform_3(%arg0: i32) -> (i32, i32) {
    %c0_i32 = arith.constant 0 : i32
    %c0_i32_0 = arith.constant 0 : i32
    %c0_i32_1 = arith.constant 0 : i32
    return %c0_i32, %c0_i32_0 : i32, i32
  }
}

module attributes {stable_mosaic.version = 14 : i64} {
  func.func @_combine_body(%arg0: i32, %arg1: memref<2x2000x128xf32, #tpu.memory_space<vmem>>, %arg2: memref<2x2000x16xf32, #tpu.memory_space<vmem>>, %arg3: memref<2000x128xf32, #tpu.memory_space<vmem>>, %arg4: memref<16x128xf32, #tpu.memory_space<vmem>>, %arg5: memref<128x128xf32, #tpu.memory_space<vmem>>, %arg6: memref<128x16xf32, #tpu.memory_space<vmem>>, %arg7: memref<2000x16xf32, #tpu.memory_space<vmem>>) attributes {dimension_semantics = [#tpu.dimension_semantics<arbitrary>], iteration_bounds = array<i64: 5>, scalar_prefetch = 0 : i64, scratch_operands = 0 : i64, tpu.core_type = #tpu.core_type<tc>, window_params = [{transform_indices = @transform_0, window_bounds = array<i64: 2, 2000, 128>}, {transform_indices = @transform_1, window_bounds = array<i64: 2, 2000, 16>}, {transform_indices = @transform_2, window_bounds = array<i64: 2000, 128>}, {pipeline_mode = #tpu.pipeline_mode<synchronous>, transform_indices = @transform_3, window_bounds = array<i64: 16, 128>}, {pipeline_mode = #tpu.pipeline_mode<synchronous>, transform_indices = @transform_4, window_bounds = array<i64: 128, 128>}, {pipeline_mode = #tpu.pipeline_mode<synchronous>, transform_indices = @transform_5, window_bounds = array<i64: 128, 16>}, {transform_indices = @transform_6, window_bounds = array<i64: 2000, 16>}]} {
    %get3A = arith.constant 0 : index
    %get3A_0 = arith.constant 0 : index
    %get3A_1 = arith.constant 0 : index
    %get3A_2 = vector.load %arg1[%get3A, %get3A_0, %get3A_1] : memref<2x2000x128xf32, #tpu.memory_space<vmem>>, vector<1x2000x128xf32>
    %get3A_3 = vector.shape_cast %get3A_2 : vector<1x2000x128xf32> to vector<2000x128xf32>
    %get3A_4 = arith.constant 1 : index
    %get3A_5 = arith.constant 0 : index
    %get3A_6 = arith.constant 0 : index
    %get3A_7 = vector.load %arg1[%get3A_4, %get3A_5, %get3A_6] : memref<2x2000x128xf32, #tpu.memory_space<vmem>>, vector<1x2000x128xf32>
    %get3A_8 = vector.shape_cast %get3A_7 : vector<1x2000x128xf32> to vector<2000x128xf32>
    %add3A = arith.addf %get3A_3, %get3A_8 : vector<2000x128xf32>
    %get3A_9 = arith.constant 0 : index
    %get3A_10 = arith.constant 0 : index
    %get3A_11 = arith.constant 0 : index
    %get3A_12 = vector.load %arg2[%get3A_9, %get3A_10, %get3A_11] : memref<2x2000x16xf32, #tpu.memory_space<vmem>>, vector<1x2000x16xf32>
    %get3A_13 = vector.shape_cast %get3A_12 : vector<1x2000x16xf32> to vector<2000x16xf32>
    %get3A_14 = arith.constant 1 : index
    %get3A_15 = arith.constant 0 : index
    %get3A_16 = arith.constant 0 : index
    %get3A_17 = vector.load %arg2[%get3A_14, %get3A_15, %get3A_16] : memref<2x2000x16xf32, #tpu.memory_space<vmem>>, vector<1x2000x16xf32>
    %get3A_18 = vector.shape_cast %get3A_17 : vector<1x2000x16xf32> to vector<2000x16xf32>
    %add3A_19 = arith.addf %get3A_13, %get3A_18 : vector<2000x16xf32>
    %get3A_20 = arith.constant 0 : index
    %get3A_21 = arith.constant 0 : index
    %get3A_22 = vector.load %arg4[%get3A_20, %get3A_21] : memref<16x128xf32, #tpu.memory_space<vmem>>, vector<16x128xf32>
    %dot_general3A = arith.constant dense<0.000000e+00> : vector<2000x128xf32>
    %dot_general3A_23 = tpu.matmul %add3A_19, %get3A_22, %dot_general3A {dimension_numbers = #tpu.dot_dimension_numbers<[1], [0], [0], [1], [0, 0, 1, 1], [], []>, transpose_lhs_hint = false} : vector<2000x16xf32>, vector<16x128xf32>, vector<2000x128xf32> -> vector<2000x128xf32>
    %gt3A = arith.constant 0.000000e+00 : f32
    %gt3A_24 = vector.broadcast %gt3A : f32 to vector<2000x128xf32>
    %gt3A_25 = arith.cmpf ogt, %dot_general3A_23, %gt3A_24 : vector<2000x128xf32>
    %jit3A = arith.constant 1.000000e+00 : f32
    %broadcast_in_dim3A = vector.broadcast %jit3A : f32 to vector<2000x128xf32>
    %select_n3A = arith.select %gt3A_25, %dot_general3A_23, %broadcast_in_dim3A : vector<2000x128xi1>, vector<2000x128xf32>
    %div3A = arith.divf %add3A, %select_n3A : vector<2000x128xf32>
    %get3A_26 = arith.constant 0 : index
    %get3A_27 = arith.constant 0 : index
    %get3A_28 = vector.load %arg5[%get3A_26, %get3A_27] : memref<128x128xf32, #tpu.memory_space<vmem>>, vector<128x128xf32>
    %dot_general3A_29 = arith.constant dense<0.000000e+00> : vector<2000x128xf32>
    %dot_general3A_30 = tpu.matmul %div3A, %get3A_28, %dot_general3A_29 {dimension_numbers = #tpu.dot_dimension_numbers<[1], [0], [0], [1], [0, 0, 1, 1], [], []>, transpose_lhs_hint = false} : vector<2000x128xf32>, vector<128x128xf32>, vector<2000x128xf32> -> vector<2000x128xf32>
    %get3A_31 = arith.constant 0 : index
    %get3A_32 = arith.constant 0 : index
    %get3A_33 = vector.load %arg3[%get3A_31, %get3A_32] : memref<2000x128xf32, #tpu.memory_space<vmem>>, vector<2000x128xf32>
    %select_n3A_34 = arith.select %gt3A_25, %dot_general3A_30, %get3A_33 : vector<2000x128xi1>, vector<2000x128xf32>
    %get3A_35 = arith.constant 0 : index
    %get3A_36 = arith.constant 0 : index
    %get3A_37 = vector.load %arg6[%get3A_35, %get3A_36] : memref<128x16xf32, #tpu.memory_space<vmem>>, vector<128x16xf32>
    %dot_general3A_38 = arith.constant dense<0.000000e+00> : vector<2000x16xf32>
    %dot_general3A_39 = tpu.matmul %select_n3A_34, %get3A_37, %dot_general3A_38 {dimension_numbers = #tpu.dot_dimension_numbers<[1], [0], [0], [1], [0, 0, 1, 1], [], []>, transpose_lhs_hint = false} : vector<2000x128xf32>, vector<128x16xf32>, vector<2000x16xf32> -> vector<2000x16xf32>
    %max3A = arith.constant 0.000000e+00 : f32
    %max3A_40 = vector.broadcast %max3A : f32 to vector<2000x16xf32>
    %max3A_41 = arith.maximumf %dot_general3A_39, %max3A_40 : vector<2000x16xf32>
    %swap3A = arith.constant 0 : index
    %swap3A_42 = arith.constant 0 : index
    %swap3A_43 = vector.load %arg7[%swap3A, %swap3A_42] : memref<2000x16xf32, #tpu.memory_space<vmem>>, vector<2000x16xf32>
    tpu.vector_store %arg7[%swap3A, %swap3A_42], %max3A_41 {strides = array<i32>} : memref<2000x16xf32, #tpu.memory_space<vmem>>, vector<2000x16xf32>,
    return
  }
  func.func @transform_0(%arg0: i32) -> (i32, i32, i32) {
    %c0_i32 = arith.constant 0 : i32
    %c0_i32_0 = arith.constant 0 : i32
    %c0_i32_1 = arith.constant 0 : i32
    return %c0_i32, %arg0, %c0_i32_0 : i32, i32, i32
  }
  func.func @transform_1(%arg0: i32) -> (i32, i32, i32) {
    %c0_i32 = arith.constant 0 : i32
    %c0_i32_0 = arith.constant 0 : i32
    %c0_i32_1 = arith.constant 0 : i32
    return %c0_i32, %arg0, %c0_i32_0 : i32, i32, i32
  }
  func.func @transform_2(%arg0: i32) -> (i32, i32) {
    %c0_i32 = arith.constant 0 : i32
    %c0_i32_0 = arith.constant 0 : i32
    return %arg0, %c0_i32 : i32, i32
  }
  func.func @transform_3(%arg0: i32) -> (i32, i32) {
    %c0_i32 = arith.constant 0 : i32
    %c0_i32_0 = arith.constant 0 : i32
    %c0_i32_1 = arith.constant 0 : i32
    return %c0_i32, %c0_i32_0 : i32, i32
  }
  func.func @transform_4(%arg0: i32) -> (i32, i32) {
    %c0_i32 = arith.constant 0 : i32
    %c0_i32_0 = arith.constant 0 : i32
    %c0_i32_1 = arith.constant 0 : i32
    return %c0_i32, %c0_i32_0 : i32, i32
  }
  func.func @transform_5(%arg0: i32) -> (i32, i32) {
    %c0_i32 = arith.constant 0 : i32
    %c0_i32_0 = arith.constant 0 : i32
    %c0_i32_1 = arith.constant 0 : i32
    return %c0_i32, %c0_i32_0 : i32, i32
  }
  func.func @transform_6(%arg0: i32) -> (i32, i32) {
    %c0_i32 = arith.constant 0 : i32
    %c0_i32_0 = arith.constant 0 : i32
    return %arg0, %c0_i32 : i32, i32
  }
}

</mosaic_0001>

<sc_bundles>
// kernel: kernel.6.cloned.1.call-start
scs
__scs_entry_jumppad:
0x0: {  	(pc) =	sbr.rel $0x88, $3  }
0x1: {  	(tag) =	ssettag $0x0;
	lr =	simm.s32 $0x1  }
0x2: {  	[smem:$0x3F9A] =	sst lr;
	_ =	strace $0xD0000000  }
0x3: {  	_ = 	snop  }
0x4: {  	_ = 	snop  }
0x5: {  	_ = 	snop  }
0x6: {  	_ = 	snop  }
0x7: {  	_ = 	snop  }
__scs_overlays_trampoline_lowered:
0x8: {  	[smem:$0x3FA9] =	sst s0  }
0x9: {  	[smem:$0x3FAA] =	sst s1  }
0xa: {  	[smem:$0x3FAB] =	sst s2  }
0xb: {  	[smem:$0x3FAC] =	sst s3  }
0xc: {  	[smem:$0x3FAD] =	sst s4  }
0xd: {  	[smem:$0x3FAE] =	sst s5  }
0xe: {  	[smem:$0x3FAF] =	sst s6  }
0xf: {  	[smem:$0x3FB0] =	sst s7  }
0x10: {  	[smem:$0x3FB1] =	sst s8  }
0x11: {  	[smem:$0x3FB2] =	sst s9;
	s0 =	simm.s32 @!p0 $0x0  }
0x12: {  	s1 =	sld [smem:$0x3F98];
	s0 =	simm.s32 @p0 $0x1  }
0x13: {  	[smem:$0x3FB3] =	sst s0;
	s0 =	simm.s32 @!p1 $0x0  }
0x14: {  	s2 =	sld [smem:$0x3F97];
	s0 =	simm.s32 @p1 $0x1  }
0x15: {  	[smem:$0x3FB4] =	sst s0;
	s0 =	simm.s32 @!p2 $0x0  }
0x16: {  	s3 =	sld [smem:$0x3FDB];
	s0 =	simm.s32 @p2 $0x1  }
0x17: {  	s4 =	simm.s32 $0x1BF5;
	[smem:$0x3FB6] =	sst s0  }
0x18: {  	s0 =	sld [smem:$0x3F99];
	_ =	swait.ge [sflag:s4], $0x0  }
0x19: {  	s7 =	sld [smem:$0x3F9A]  }
0x1a: {  	s8 =	sadd.s32 $0xFFFFE003, lr  }
0x1b: {  	s9 =	sadd.s32 $0xFFFFFEF7, lr;
	s5 =	simm.s32 $0xFFFFFFFF;
	p2 =	slt.u32 s8, $0xFFFFF086  }
0x1c: {  	p1 =	slt.u32 s9, $0xF7A;
	s5 =	simm.s32 @!p2 $0x0  }
0x1d: {  	s5 =	simm.s32 @p1 $0x1;
	p0 =	seq.s32 s7, s2  }
0x1e: {  	s7 =	smul.u32 @!p0 $0xF7A, s2;
	p2 =	seq.s32 @!p0 s5, $0x0  }
0x1f: {  	s9 =	smul.u32 $0xF7A, s1;
	s8 =	simm.s32 @!p0 $0x1BF5;
	p2 =	por !p2, p0  }
0x20: {  	[sflag:s8] =	ssyncset.s32 @!p0 $0xFFFFF086;
	s6 =	sadd.s32 @!p0 s3, s7;
	s7 =	simm.s32 @!p0 $0x108  }
0x21: {  	s3 =	sadd.s32 s3, s9;
	s6 =	sadd.s32 @!p0 $0x88, s6;
	s7 =	simm.s32 @p2 $0x1082  }
0x22: {  	[simem:s7], [sflag:s8] =	dma.local @!p0 [hbm:s6], $0xF7A  }
0x23: {  	s9 =	sor.u32 $0xD0000000, s2;
	s6 =	simm.s32 $0x108;
	_ =	swait.ge @!p0 [sflag:s8], $0x0  }
0x24: {  	s3 =	sadd.s32 $0x88, s3;
	s6 =	simm.s32 @!p1 $0x1082;
	[sflag:s4] =	ssyncset.s32 $0xFFFFF086  }
0x25: {  	[simem:s6], [sflag:s4] =	dma.local [hbm:s3], $0xF7A  }
0x26: {  	[smem:$0x3F9A] =	sst s1;
	(tag) =	ssettag s2;
	_ =	strace s9  }
0x27: {  	s1 =	sld [smem:$0x3FAA]  }
0x28: {  	s2 =	sld [smem:$0x3FAB]  }
0x29: {  	s4 =	sld [smem:$0x3FAD]  }
0x2a: {  	p0 =	seq.s32 s5, $0x0;
	s5 =	sld [smem:$0x3FAE]  }
0x2b: {  	s6 =	sld [smem:$0x3FAF]  }
0x2c: {  	s7 =	sld [smem:$0x3FB0]  }
0x2d: {  	s3 =	simm.s32 $0x108;
	s8 =	sld [smem:$0x3FB1]  }
0x2e: {  	s3 =	simm.s32 @!p0 $0x1082;
	s9 =	sld [smem:$0x3FB2]  }
0x2f: {  	lr =	sadd.s32 s0, s3;
	s0 =	sld [smem:$0x3FA9]  }
0x30: {  	s3 =	sld [smem:$0x3FAC]  }
0x31: {  	[smem:$0x3FB5] =	sst s10  }
0x32: {  	s10 =	sld [smem:$0x3FB3];
	_ =	sdelay $0x3  }
0x33: {  	p0 =	seq.s32 s10, $0x1;
	s10 =	sld [smem:$0x3FB5];
	_ =	sdelay $0x3  }
0x34: {  	[smem:$0x3FB5] =	sst s10  }
0x35: {  	s10 =	sld [smem:$0x3FB4];
	_ =	sdelay $0x3  }
0x36: {  	p1 =	seq.s32 s10, $0x1;
	s10 =	sld [smem:$0x3FB5];
	_ =	sdelay $0x3  }
0x37: {  	[smem:$0x3FB5] =	sst s10  }
0x38: {  	s10 =	sld [smem:$0x3FB6]  }
0x39: {  	_ = 	snop;
	(pc) =	sbr.ind lr, $3  }
0x3a: {  	_ = 	snop  }
0x3b: {  	_ = 	snop  }
0x3c: {  	p2 =	seq.s32 s10, $0x1;
	s10 =	sld [smem:$0x3FB5]  }
0x3d: {  	_ =	shalt  }
0x3e: {  	_ =	shalt  }
0x3f: {  	_ =	shalt  }
0x40: {  	_ =	shalt  }
0x41: {  	_ =	shalt  }
0x42: {  	_ =	shalt  }
0x43: {  	_ =	shalt  }
0x44: {  	_ =	shalt  }
0x45: {  	_ =	shalt  }
0x46: {  	_ =	shalt  }
0x47: {  	_ =	shalt  }
0x48: {  	_ =	shalt  }
0x49: {  	_ =	shalt  }
0x4a: {  	_ =	shalt  }
0x4b: {  	_ =	shalt  }
0x4c: {  	_ =	shalt  }
0x4d: {  	_ =	shalt  }
0x4e: {  	_ =	shalt  }
0x4f: {  	_ =	shalt  }
0x50: {  	_ =	shalt  }
0x51: {  	_ =	shalt  }
0x52: {  	_ =	shalt  }
0x53: {  	_ =	shalt  }
0x54: {  	_ =	shalt  }
0x55: {  	_ =	shalt  }
0x56: {  	_ =	shalt  }
0x57: {  	_ =	shalt  }
0x58: {  	_ =	shalt  }
0x59: {  	_ =	shalt  }
0x5a: {  	_ =	shalt  }
0x5b: {  	_ =	shalt  }
0x5c: {  	_ =	shalt  }
0x5d: {  	_ =	shalt  }
0x5e: {  	_ =	shalt  }
0x5f: {  	_ =	shalt  }
0x60: {  	_ =	shalt  }
0x61: {  	_ =	shalt  }
0x62: {  	_ =	shalt  }
0x63: {  	_ =	shalt  }
0x64: {  	_ =	shalt  }
0x65: {  	_ =	shalt  }
0x66: {  	_ =	shalt  }
0x67: {  	_ =	shalt  }
0x68: {  	_ =	shalt  }
0x69: {  	_ =	shalt  }
0x6a: {  	_ =	shalt  }
0x6b: {  	_ =	shalt  }
0x6c: {  	_ =	shalt  }
0x6d: {  	_ =	shalt  }
0x6e: {  	_ =	shalt  }
0x6f: {  	_ =	shalt  }
0x70: {  	_ =	shalt  }
0x71: {  	_ =	shalt  }
0x72: {  	_ =	shalt  }
0x73: {  	_ =	shalt  }
0x74: {  	_ =	shalt  }
0x75: {  	_ =	shalt  }
0x76: {  	_ =	shalt  }
0x77: {  	_ =	shalt  }
0x78: {  	_ =	shalt  }
0x79: {  	_ =	shalt  }
0x7a: {  	_ =	shalt  }
0x7b: {  	_ =	shalt  }
0x7c: {  	_ =	shalt  }
0x7d: {  	_ =	shalt  }
0x7e: {  	_ =	shalt  }
0x7f: {  	_ =	shalt  }
0x80: {  	_ =	shalt  }
0x81: {  	_ =	shalt  }
0x82: {  	_ =	shalt  }
0x83: {  	_ =	shalt  }
0x84: {  	_ =	shalt  }
0x85: {  	_ =	shalt  }
0x86: {  	_ =	shalt  }
0x87: {  	_ =	shalt  }
.Lfunc_end0:
.L_simem_size_0:
called_computation_lowered:
.L_overlay_start_0:
0x88: {  	s2 =	sld [smem:$0x3FD9]  }
0x89: {  	s3 =	sld [smem:$0x3FFE];
	_ =	sdelay $0x1  }
0x8a: {  	s1 =	srdreg.scid  }
0x8b: {  	s0 =	sand.u32 $0x1, s1  }
0x8c: {  	s17 =	sshll.u32 s0, $0xA;
	s2 =	sadd.s32 s3, s2  }
0x8d: {  	s2 =	sadd.s32 s2, s17  }
0x8e: {  	[smem:$0x3FC1] =	sst s2  }
0x8f: {  	_ = 	snop  }
0x90: {  	s2 =	sld [smem:$0x3FD0];
	(tm) =	ssettm $0x1  }
0x91: {  	s18 =	sld [smem:$0x3FFB];
	_ =	sdelay $0x3  }
0x92: {  	_ =	strace s18  }
0x93: {  	s3 =	sld [smem:$0x3FFC];
	_ =	sdelay $0x3  }
0x94: {  	_ =	strace s3  }
0x95: {  	s3 =	sld [smem:$0x3FFD];
	_ =	sdelay $0x3  }
0x96: {  	_ =	strace s3  }
0x97: {  	_ =	strace $0x8FFFFFFF  }
0x98: {  	s19 =	sld [smem:$0x3FDB];
	_ =	sdelay $0x1  }
0x99: {  	s4 =	simm.s32 $_scs_section_size  }
0x9a: {  	s5 =	simm.s32 $_size__tile_overlayer_lowered;
	s6 =	simm.s32 $_tile_overlayer_lowered  }
0x9b: {  	s22 =	simm.s32 $0x1BFF;
	s21 =	sshll.u32 s6, $0x1;
	s3 =	sadd.s32 s4, s19  }
0x9c: {  	s7 =	simm.s32 $0x0;
	s20 =	sshll.u32 s5, $0x1;
	s5 =	sadd.s32 s21, s3  }
0x9d: {  	[timem:s7], [sflag:s22] =	dma.local [hbm:s5], s20  }
0x9e: {  	_ =	swait.ge [sflag:s22], s20  }
0x9f: {  	s4 =	ssub.s32 $0x0, s20;
	[sflag:s22] =	ssyncset.done $0x0  }
0xa0: {  	[sflag:s22] =	ssyncadd.s32 s4;
	_ =	sdelay $0x1  }
0xa1: {  	s23 =	simm.s32 $0x1B8B  }
0xa2: {  	_ =	swait.ge [sflag:s23], $0x1  }
0xa3: {  	[sflag:s23] =	ssyncset.done $0x0  }
0xa4: {  	s25 =	simm.s32 $0x1B8E;
	s24 =	sld [smem:$0x3FFE];
	[sflag:s23] =	ssyncadd.s32 $0xFFFFFFFF  }
0xa5: {  	s26 =	simm.s32 $execute0_lowered;
	[smem:$0x3FD2] =	sst s25  }
0xa6: {  	s5 =	sshll.u32 s26, $0x1;
	_ =	strace $0x80000046;
	[dreg:$0x1] =	wrdreg $0xFFFFFFFF  }
0xa7: {  	s28 =	simm.s32 $_size_execute0_lowered;
	s3 =	sadd.s32 s3, s5;
	[dreg:$0x0] =	wrdreg $0x0  }
0xa8: {  	s5 =	sshll.u32 s28, $0x1;
	[dreg:$0x2] =	wrdreg s3  }
0xa9: {  	[dreg:$0x3] =	wrdreg s5  }
0xaa: {  	[dreg:$0x4] =	wrdreg $0xC0  }
0xab: {  	_ =	task [dreg:s7], $0x5FFFF  }
0xac: {  	[dreg:$0x1] =	wrdreg $0xFFFFFFFF  }
0xad: {  	[dreg:$0x0] =	wrdreg $0x60  }
0xae: {  	[dreg:$0x2] =	wrdreg s2  }
0xaf: {  	[dreg:$0x3] =	wrdreg s24  }
0xb0: {  	[dreg:$0x4] =	wrdreg $0x85700  }
0xb1: {  	[dreg:$0x5] =	wrdreg $0x1C5700  }
0xb2: {  	[dreg:$0x6] =	wrdreg $0x9  }
0xb3: {  	_ =	task.clear_ibuf [dreg:s7], $0x7FFFF;
	_ =	strace $0x90000046  }
0xb4: {  	s29 =	simm.s32 $0x9;
	_ =	strace $0x80000048  }
0xb5: {  	_ =	swait.ge [sflag:s29], $0x1  }
0xb6: {  	[sflag:s29] =	ssyncadd.s32 $0xFFFFFFFF  }
0xb7: {  	_ =	strace $0x90000048  }
0xb8: {  	_ =	sfence  }
0xb9: {  	s30 =	sld [smem:$0x0];
	_ =	sdelay $0x2  }
0xba: {  	s31 =	sshll.u32 s1, $0xD;
	s1 =	sshrl.u32 s1, $0x2  }
0xbb: {  	s3 =	sand.u32 $0x4000, s31;
	s1 =	sadd.s32 s1, s30  }
0xbc: {  	s0 =	sor.u32 s3, s0;
	s1 =	sshll.u32 s1, $0x11  }
0xbd: {  	s0 =	sor.u32 s1, s0  }
0xbe: {  	s0 =	sadd.s32 $0x8F2B, s0  }
0xbf: {  	[sflag:s0] =	ssyncadd.remote.s32 $0x1  }
0xc0: {  	_ =	sfence.sel $0xFFFF  }
0xc1: {  	[dreg:$0x0] =	wrdreg $0xFFFFFFFF;
	(pc) =	sbr.abs _section_cstart, $3  }
0xc2: {  	[dreg:$0x1] =	wrdreg $0xFFFFFFFF  }
0xc3: {  	_ =	task.clear_ibuf [dreg:s7], $0x2FFFF;
	_ =	strace $0x9FFFFFFF  }
0xc4: {  	(tm) =	ssettm $0x7FFFFFFF  }
0xc5: {  	_ =	shalt  }
tec
execute0_lowered:
.L_overlay_start_1:
0x0: {  	(tag) =	ssettag $0x1  }
0x1: {  	s1 =	rddreg [dreg:$0x0]  }
0x2: {  	s0 =	rddreg [dreg:$0x1]  }
0x3: {  	s2 =	rddreg [dreg:$0x2]  }
0x4: {  	s3 =	rddreg [dreg:$0x3];
	s4 =	simm.s32 $0x0  }
0x5: {  	s5 =	srdreg.scid;
	s18 =	stileid.u32;
	s30 =	simm.s32 $0x33E0  }
0x6: {  	s31 =	simm.s32 $0x29E0;
	[smem:$0x7FF] =	sst s4;
	s6 =	sadd.s32 $0x29400, s0  }
0x7: {  	s7 =	sadd.s32 $0x2E800, s0;
	s5 =	sand.u32 $0x1, s5;
	s11 =	smul.u32 $0x14000, s18  }
0x8: {  	s8 =	sadd.s32 $0x510800, s0;
	s9 =	sadd.s32 $0xD4C00, s0;
	s10 =	sadd.s32 $0xCAE00, s0  }
0x9: {  	s13 =	sadd.s32 $0x2E600, s0;
	s16 =	sadd.s32 $0x2E400, s0;
	s17 =	sadd.s32 $0xCAC00, s0  }
0xa: {  	s19 =	smul.u32 $0x2800, s18;
	_ =	strace $0x80000047;
	[dreg:$0x5] =	wrdreg s13  }
0xb: {  	s14 =	sadd.s32 $0xDEA00, s0;
	s15 =	sadd.s32 $0xE1200, s0;
	[dreg:$0x6] =	wrdreg s16  }
0xc: {  	s22 =	sshll.u32 s18, $0x1;
	s12 =	smul.u32 $0x140000, s5;
	[dreg:$0x7] =	wrdreg s17  }
0xd: {  	s24 =	sshll.u32 s18, $0x6;
	[dreg:$0x8] =	wrdreg s14;
	s21 =	smul.u32 $0x28000, s5  }
0xe: {  	[dreg:$0x9] =	wrdreg s15;
	s16 =	ssub.s32 $0x2, s5;
	s5 =	sor.u32 s5, s22  }
0xf: {  	s20 =	sor.u32 $0x1C06, s24;
	s15 =	simm.s32 $0x50;
	s17 =	smul.u32 $0x2710, s5  }
0x10: {  	s23 =	sshrl.u32 s16, $0x1;
	s5 =	smul.u32 $0x4E20, s5;
	s26 =	sadd.s32 s19, s3  }
0x11: {  	[dreg:$0xb] =	wrdreg s20;
	s12 =	sadd.s32 s11, s12;
	s14 =	sadd.s32 s19, s21  }
0x12: {  	s11 =	sadd.s32 s11, s2;
	[dreg:$0xc] =	wrdreg s26;
	s12 =	sshrl.u32 s12, $0x3  }
0x13: {  	s14 =	sshrl.u32 s14, $0x3;
	[dreg:$0xa] =	wrdreg s11;
	s25 =	sshrl.u32 s17, $0x3  }
0x14: {  	s18 =	sadd.s32 s7, s5;
	s19 =	sadd.s32 $0x50, s17;
	s5 =	sadd.s32 s8, s5  }
0x15: {  	s28 =	sadd.s32 $0xA0, s17;
	s29 =	sadd.s32 $0xF0, s17;
	s17 =	simm.s32 $0x0  }
0x16: {  	s12 =	sadd.s32 s12, s0;
	s0 =	sadd.s32 s14, s0;
	[dreg:$0xf] =	wrdreg s18  }
0x17: {  	s14 =	ssub.s32 s16, s23;
	s13 =	sadd.s32 s9, s25;
	[dreg:$0x10] =	wrdreg s5  }
0x18: {  	s16 =	sadd.s32 s10, s25;
	s21 =	sshrl.u32 s19, $0x3;
	[dreg:$0xd] =	wrdreg s13  }
0x19: {  	s11 =	sshll.u32 s19, $0x1;
	[dreg:$0xe] =	wrdreg s16;
	s22 =	sadd.s32 s9, s21  }
0x1a: {  	s18 =	simm.s32 $0x1FE0;
	s5 =	sadd.s32 s10, s21;
	[dreg:$0x11] =	wrdreg s22  }
0x1b: {  	s19 =	simm.s32 $0xF0;
	s23 =	sadd.s32 s7, s11;
	[dreg:$0x12] =	wrdreg s5  }
0x1c: {  	s24 =	sadd.s32 s8, s11;
	s25 =	sadd.s32 $0xEB800, s12;
	[dreg:$0x13] =	wrdreg s23  }
0x1d: {  	s0 =	sadd.s32 $0xE1800, s0;
	s26 =	smax.u32 s14, $0x1;
	[dreg:$0x14] =	wrdreg s24  }
0x1e: {  	s12 =	simm.s32 $0x6;
	s11 =	simm.s32 $0xA0;
	[dreg:$0x15] =	wrdreg s25  }
0x1f: {  	s13 =	simm.s32 $0xBE0;
	s14 =	simm.s32 $0x1;
	[dreg:$0x16] =	wrdreg s0  }
0x20: {  	s16 =	simm.s32 $0x15E0;
	[dreg:$0x17] =	wrdreg s26;
	s22 =	simm.s32 $0x2  }
0x21: {  	vm0 =	vmmov $0xff;
	s23 =	simm.s32 $0x3;
	s26 =	simm.s32 $0x140;
	s0 =	simm.s32 $0x190  }
.LBB2_1:
0x22: {  	[dreg:$0x18] =	wrdreg s17  }
0x23: {  	s5 =	rddreg [dreg:$0xa]  }
0x24: {  	s24 =	rddreg [dreg:$0x8];
	s21 =	sshrl.u32 s5, $0x3  }
0x25: {  	[dreg:$0x19] =	wrdreg s21  }
0x26: {  	[spmem:s21], [sflag:s20] =	dma.local [hbm:s24], $0x2800  }
0x27: {  	_ =	swait.ge [sflag:s12], $0x2800  }
0x28: {  	s25 =	rddreg [dreg:$0xc]  }
0x29: {  	[sflag:s12] =	ssyncset.done $0x0;
	s21 =	rddreg [dreg:$0x9];
	s5 =	sshrl.u32 s25, $0x3  }
0x2a: {  	[sflag:s12] =	ssyncadd.s32 $0xFFFFD800;
	[dreg:$0x1a] =	wrdreg s5  }
0x2b: {  	[spmem:s5], [sflag:s20] =	dma.local [hbm:s21], $0x500  }
0x2c: {  	_ =	swait.ge [sflag:s12], $0x500  }
0x2d: {  	[sflag:s12] =	ssyncset.done $0x0  }
0x2e: {  	s25 =	simm.s32 $0x83E0;
	s24 =	rddreg [dreg:$0x5];
	[sflag:s12] =	ssyncadd.s32 $0xFFFFFB00  }
0x2f: {  	[tilespmem:s25], [sflag:$0x6] =	stream.linear.gather [hbm4b:s24+s4], $0x80, $0x38;
	[tilespmem:$0x1ED70] =	vst v63  }
0x30: {  	_ =	swait.ge [sflag:s12], $0x80  }
0x31: {  	[sflag:s12] =	ssyncset.done $0x0  }
0x32: {  	s21 =	simm.s32 $0x8460;
	s20 =	rddreg [dreg:$0x6];
	[sflag:s12] =	ssyncadd.s32 $0xFFFFFF80  }
0x33: {  	[tilespmem:s21], [sflag:$0x6] =	stream.linear.gather [hbm4b:s20+s4], $0x80, $0x38;
	[tilespmem:$0x1ED70] =	vst v63  }
0x34: {  	_ =	swait.ge [sflag:s12], $0x80  }
0x35: {  	[sflag:s12] =	ssyncset.done $0x0  }
0x36: {  	s25 =	simm.s32 $0x84E0;
	s24 =	rddreg [dreg:$0x7];
	[sflag:s12] =	ssyncadd.s32 $0xFFFFFF80  }
0x37: {  	[tilespmem:s25], [sflag:$0x6] =	stream.linear.gather [hbm4b:s24+s4], $0x80, $0x38;
	[tilespmem:$0x1ED70] =	vst v63  }
0x38: {  	_ =	swait.ge [sflag:s12], $0x80  }
0x39: {  	[sflag:s12] =	ssyncset.done $0x0  }
0x3a: {  	[sflag:s12] =	ssyncadd.s32 $0xFFFFFF80  }
0x3b: {  	v0 =	vld [tilespmem:$0x83E0]  }
0x3c: {  	v1 =	vld [tilespmem:$0x8460];
	_ =	sdelay $0x1  }
0x3d: {  	v2 =	vld [tilespmem:$0x84E0];
	_ =	sdelay $0x2  }
0x3e: {  	v0 =	vadd.f32 v1, v0;
	_ =	sdelay $0x1  }
0x3f: {  	v0 =	vadd.f32 v2, v0;
	_ =	sdelay $0x1  }
0x40: {  	v0 =	vmax.f32 v0, $0.0e+00  }
0x41: {  	v0 =	vnsel vm0, $0x7149F2CA, v0  }
0x42: {  	[tilespmem:$0x8560] =	vst v0  }
0x43: {  	[bflag:$0x0] =	sbarrier.arrive $0xFFFF  }
0x44: {  	s17 =	rddreg [dreg:$0xd]  }
0x45: {  	[tilespmem:s4], [sflag:$0x1] =	stream.linear.gather [hbm4b:s17+s4], $0x50, $0x38;
	[tilespmem:$0x1ED70] =	vst v63  }
0x46: {  	s20 =	rddreg [dreg:$0xe]  }
0x47: {  	[tilespmem:s11], [sflag:$0x1] =	stream.linear.gather [hbm4b:s20+s4], $0x50, $0x38;
	[tilespmem:$0x1ED70] =	vst v63  }
0x48: {  	s24 =	simm.s32 $0x1E0;
	s21 =	rddreg [dreg:$0xf]  }
0x49: {  	[tilespmem:s24], [sflag:$0x1] =	stream.linear.gather [hbm4b:s21+s4], $0x500, $0x38;
	[tilespmem:$0x1ED70] =	vst v63  }
0x4a: {  	s25 =	rddreg [dreg:$0x10]  }
0x4b: {  	[tilespmem:s13], [sflag:$0x1] =	stream.linear.gather [hbm4b:s25+s4], $0x500, $0x38;
	[tilespmem:$0x1ED70] =	vst v63  }
0x4c: {  	_ =	swait.ge [sflag:s14], $0x50  }
0x4d: {  	[sflag:s14] =	ssyncset.done $0x0  }
0x4e: {  	[sflag:s14] =	ssyncadd.s32 $0xFFFFFFB0  }
0x4f: {  	_ =	swait.ge [sflag:s14], $0x50  }
0x50: {  	[sflag:s14] =	ssyncset.done $0x0  }
0x51: {  	[sflag:s14] =	ssyncadd.s32 $0xFFFFFFB0  }
0x52: {  	_ =	swait.ge [sflag:s14], $0x500  }
0x53: {  	[sflag:s14] =	ssyncset.done $0x0  }
0x54: {  	[sflag:s14] =	ssyncadd.s32 $0xFFFFFB00  }
0x55: {  	_ =	swait.ge [sflag:s14], $0x500  }
0x56: {  	[sflag:s14] =	ssyncset.done $0x0  }
0x57: {  	[sflag:s14] =	ssyncadd.s32 $0xFFFFFB00  }
0x58: {  	[tilespmem:s16], [sflag:$0x2] =	stream.indirect.gather [hbm4b:s1+s15], $0x10, s4, s15, $0xb8;
	[tilespmem:$0x1ED70] =	vst v63  }
0x59: {  	_ = 	snop  }
0x5a: {  	[tilespmem:s18], [sflag:$0x3] =	stream.indirect.gather [hbm4b:s6+s15], $0x10, s11, s15, $0xb8;
	[tilespmem:$0x1ED70] =	vst v63  }
0x5b: {  	s12 =	rddreg [dreg:$0x11]  }
0x5c: {  	[tilespmem:s15], [sflag:$0x1] =	stream.linear.gather [hbm4b:s12+s4], $0x50, $0x38;
	[tilespmem:$0x1ED70] =	vst v63  }
0x5d: {  	s17 =	rddreg [dreg:$0x12]  }
0x5e: {  	[tilespmem:s19], [sflag:$0x1] =	stream.linear.gather [hbm4b:s17+s4], $0x50, $0x38;
	[tilespmem:$0x1ED70] =	vst v63  }
0x5f: {  	s21 =	simm.s32 $0x6E0;
	s20 =	rddreg [dreg:$0x13]  }
0x60: {  	[tilespmem:s21], [sflag:$0x1] =	stream.linear.gather [hbm4b:s20+s4], $0x500, $0x38;
	[tilespmem:$0x1ED70] =	vst v63  }
0x61: {  	s25 =	simm.s32 $0x10E0;
	s24 =	rddreg [dreg:$0x14];
	s20 =	simm.s32 $0x0  }
0x62: {  	[tilespmem:s25], [sflag:$0x1] =	stream.linear.gather [hbm4b:s24+s4], $0x500, $0x38;
	[tilespmem:$0x1ED70] =	vst v63  }
.LBB2_2:
0x63: {  	_ =	swait.ge [sflag:s22], $0x500  }
0x64: {  	[sflag:s22] =	ssyncset.done $0x0  }
0x65: {  	[sflag:s22] =	ssyncadd.s32 $0xFFFFFB00  }
0x66: {  	_ =	swait.ge [sflag:s23], $0x500  }
0x67: {  	[sflag:s23] =	ssyncset.done $0x0  }
0x68: {  	[sflag:s23] =	ssyncadd.s32 $0xFFFFFB00  }
0x69: {  	_ =	swait.ge [sflag:s14], $0x50  }
0x6a: {  	[sflag:s14] =	ssyncset.done $0x0  }
0x6b: {  	[sflag:s14] =	ssyncadd.s32 $0xFFFFFFB0  }
0x6c: {  	_ =	swait.ge [sflag:s14], $0x50  }
0x6d: {  	[sflag:s14] =	ssyncset.done $0x0  }
0x6e: {  	[sflag:s14] =	ssyncadd.s32 $0xFFFFFFB0  }
0x6f: {  	_ =	swait.ge [sflag:s14], $0x500  }
0x70: {  	[sflag:s14] =	ssyncset.done $0x0  }
0x71: {  	[sflag:s14] =	ssyncadd.s32 $0xFFFFFB00  }
0x72: {  	_ =	swait.ge [sflag:s14], $0x500  }
0x73: {  	[sflag:s14] =	ssyncset.done $0x0  }
0x74: {  	s5 =	simm.s32 $0x1AE0;
	p0 =	seq.s32 s20, $0x0;
	[sflag:s14] =	ssyncadd.s32 $0xFFFFFB00  }
0x75: {  	[tilespmem:s5], [sflag:$0x2] =	stream.indirect.gather [hbm4b:s1+s15], $0x10, s15, s15, $0xb8;
	[tilespmem:$0x1ED70] =	vst v63  }
0x76: {  	s25 =	simm.s32 $0x24E0;
	s5 =	simm.s32 @!p0 $0x4  }
0x77: {  	[tilespmem:s25], [sflag:$0x3] =	stream.indirect.gather [hbm4b:s6+s15], $0x10, s19, s15, $0xb8;
	[tilespmem:$0x1ED70] =	vst v63  }
0x78: {  	_ =	swait.ge @!p0 [sflag:s5], $0x2800  }
0x79: {  	[sflag:s5] =	ssyncset.done @!p0 $0x0  }
0x7a: {  	[sflag:s5] =	ssyncadd.s32 @!p0 $0xFFFFD800;
	s5 =	simm.s32 @!p0 $0x5  }
0x7b: {  	_ =	swait.ge @!p0 [sflag:s5], $0x500  }
0x7c: {  	[sflag:s5] =	ssyncset.done @!p0 $0x0  }
0x7d: {  	[sflag:s5] =	ssyncadd.s32 @!p0 $0xFFFFFB00  }
0x7e: {  	v0 =	vld [tilespmem:$0xA0]  }
0x7f: {  	v1 =	vld [tilespmem:$0xB0]  }
0x80: {  	v2 =	vld [tilespmem:$0xC0]  }
0x81: {  	v3 =	vld [tilespmem:$0xD0]  }
0x82: {  	v4 =	vld [tilespmem:$0xE0]  }
0x83: {  	[tilespmem:$0x140] =	vst v0  }
0x84: {  	[tilespmem:$0x150] =	vst v1  }
0x85: {  	[tilespmem:$0x160] =	vst v2  }
0x86: {  	[tilespmem:$0x170] =	vst v3  }
0x87: {  	s21 =	simm.s32 $0x10;
	[tilespmem:$0x180] =	vst v4  }
0x88: {  	v0 =	vld [tilespmem:s21+$0x15D0]  }
0x89: {  	v1 =	vld [tilespmem:s21+$0x1FD0];
	_ =	sdelay $0x1  }
0x8a: {  	v2 =	vld [tilespmem:s21+$0x1D0];
	_ =	sdelay $0x2  }
0x8b: {  	v1 =	vadd.f32 v1, v0;
	_ =	sdelay $0x1  }
0x8c: {  	v0 =	vld [tilespmem:$0x8560];
	v1 =	vadd.f32 v2, v1;
	_ =	sdelay $0x1  }
0x8d: {  	v2 =	vmul.f32 $9.999999770e-03, v1  }
0x8e: {  	vm1 =	vgt.f32 v1, $0.0e+00  }
0x8f: {  	v1 =	vsel vm1, v1, v2  }
0x90: {  	v1 =	vsub.f32 v1, v0;
	_ =	sdelay $0x1  }
0x91: {  	v1 =	vmul.f32 $1.442695020e+00, v1;
	_ =	sdelay $0x1  }
0x92: {  	(erf) = vpow2.f32 v1;
	_ =	sdelay $0x6  }
0x93: {  	v1 =	vld [tilespmem:s21+$0xBD0];
	_ =	sdelay $0x1  }
0x94: {  	v2 =	vpop (erf)  }
0x95: {  	v3 =	vbroadcast v2, $0x7  }
0x96: {  	v62 =	vbroadcast v2, $0x5  }
0x97: {  	v5 =	vbroadcast v2, $0x4;
	v3 =	vmul.f32 v3, v1  }
0x98: {  	s24 =	simm.s32 $0x3460;
	[tilespmem:s21+$0x29D0] =	vst v2;
	v6 =	vbroadcast v2, $0x0;
	v4 =	vmul.f32 v62, v1  }
0x99: {  	v7 =	vbroadcast v2, $0x2;
	v5 =	vmul.f32 v5, v1;
	[tilespmem:s24+$0xFFFFFFF0] =	vst v3  }
0x9a: {  	v63 =	vbroadcast v2, $0x3;
	v6 =	vmul.f32 v6, v1;
	[tilespmem:s24+$0xFFFFFFD0] =	vst v4  }
0x9b: {  	v7 =	vmul.f32 v7, v1;
	v3 =	vbroadcast v2, $0x1;
	[tilespmem:s24+$0xFFFFFFC0] =	vst v5  }
0x9c: {  	v2 =	vbroadcast v2, $0x6;
	[tilespmem:s24+$0xFFFFFF80] =	vst v6;
	v4 =	vmul.f32 v63, v1  }
0x9d: {  	[tilespmem:s24+$0xFFFFFFA0] =	vst v7;
	v3 =	vmul.f32 v3, v1  }
0x9e: {  	v1 =	vmul.f32 v2, v1;
	[tilespmem:s24+$0xFFFFFFB0] =	vst v4  }
0x9f: {  	[tilespmem:s24+$0xFFFFFF90] =	vst v3  }
0xa0: {  	[tilespmem:s24+$0xFFFFFFE0] =	vst v1  }
0xa1: {  	v1 =	vld [tilespmem:s21+$0x15E0]  }
0xa2: {  	v2 =	vld [tilespmem:s21+$0x1FE0];
	_ =	sdelay $0x1  }
0xa3: {  	v3 =	vld [tilespmem:s21+$0x1E0];
	_ =	sdelay $0x2  }
0xa4: {  	v1 =	vadd.f32 v2, v1;
	_ =	sdelay $0x1  }
0xa5: {  	v1 =	vadd.f32 v3, v1;
	_ =	sdelay $0x1  }
0xa6: {  	v2 =	vmul.f32 $9.999999770e-03, v1  }
0xa7: {  	vm1 =	vgt.f32 v1, $0.0e+00  }
0xa8: {  	v1 =	vsel vm1, v1, v2  }
0xa9: {  	v1 =	vsub.f32 v1, v0;
	_ =	sdelay $0x1  }
0xaa: {  	v1 =	vmul.f32 $1.442695020e+00, v1;
	_ =	sdelay $0x1  }
0xab: {  	s17 =	simm.s32 $0xC0;
	s25 =	simm.s32 $0x3460;
	(erf) = vpow2.f32 v1  }
.LBB2_3:
0xac: {  	p1 =	sne.s32 s17, $0x13C0  }
0xad: {  	s24 =	sadd.s32 $0x100, s24;
	s5 =	smov.u32 s17;
	s17 =	sadd.s32 $0x80, s17  }
0xae: {  	_ =	sdelay $0x4  }
0xaf: {  	v1 =	vld [tilespmem:s21+$0xBE0];
	_ =	sdelay $0x1  }
0xb0: {  	v2 =	vpop (erf)  }
0xb1: {  	v3 =	vbroadcast v2, $0x4;
	v4 =	vbroadcast v2, $0x5  }
0xb2: {  	v5 =	vbroadcast v2, $0x0;
	v6 =	vbroadcast v2, $0x6  }
0xb3: {  	v7 =	vbroadcast v2, $0x1;
	v3 =	vmul.f32 v3, v1  }
0xb4: {  	v5 =	vmul.f32 v5, v1;
	v4 =	vmul.f32 v4, v1;
	[tilespmem:s21+$0x29E0] =	vst v2  }
0xb5: {  	v8 =	vbroadcast v2, $0x2;
	[tilespmem:s25+$0x40] =	vst v3;
	v3 =	vmul.f32 v6, v1  }
0xb6: {  	v6 =	vbroadcast v2, $0x3;
	v2 =	vbroadcast v2, $0x7;
	[tilespmem:s25+$0x50] =	vst v4  }
0xb7: {  	v4 =	vmul.f32 v7, v1;
	v7 =	vmul.f32 v8, v1;
	[tilespmem:s25+$0x60] =	vst v3  }
0xb8: {  	v3 =	vmul.f32 v6, v1;
	v1 =	vmul.f32 v2, v1;
	[tilespmem:s25+$0x0] =	vst v5  }
0xb9: {  	s21 =	sshra.s32 s5, $0x2;
	[tilespmem:s25+$0x10] =	vst v4  }
0xba: {  	[tilespmem:s25+$0x30] =	vst v3  }
0xbb: {  	[tilespmem:s25+$0x70] =	vst v1  }
0xbc: {  	[tilespmem:s25+$0x20] =	vst v7;
	s25 =	smov.u32 s24  }
0xbd: {  	v1 =	vld [tilespmem:s21+$0x15D0]  }
0xbe: {  	v2 =	vld [tilespmem:s21+$0x1FD0]  }
0xbf: {  	v3 =	vld [tilespmem:s21+$0x1D0];
	_ =	sdelay $0x3  }
0xc0: {  	v1 =	vadd.f32 v2, v1;
	_ =	sdelay $0x1  }
0xc1: {  	v1 =	vadd.f32 v3, v1;
	_ =	sdelay $0x1  }
0xc2: {  	v2 =	vmul.f32 $9.999999770e-03, v1  }
0xc3: {  	vm1 =	vgt.f32 v1, $0.0e+00  }
0xc4: {  	v1 =	vsel vm1, v1, v2  }
0xc5: {  	v1 =	vsub.f32 v1, v0;
	_ =	sdelay $0x1  }
0xc6: {  	v1 =	vmul.f32 $1.442695020e+00, v1;
	_ =	sdelay $0x1  }
0xc7: {  	(erf) = vpow2.f32 v1;
	_ =	sdelay $0x6  }
0xc8: {  	v1 =	vld [tilespmem:s21+$0xBD0];
	_ =	sdelay $0x1  }
0xc9: {  	v2 =	vpop (erf)  }
0xca: {  	[tilespmem:s21+$0x29D0] =	vst v2;
	v3 =	vbroadcast v2, $0x1;
	v4 =	vbroadcast v2, $0x7  }
0xcb: {  	v5 =	vbroadcast v2, $0x4;
	v6 =	vbroadcast v2, $0x6  }
0xcc: {  	v7 =	vbroadcast v2, $0x5;
	v4 =	vmul.f32 v4, v1  }
0xcd: {  	v5 =	vmul.f32 v5, v1;
	v6 =	vmul.f32 v6, v1  }
0xce: {  	v8 =	vbroadcast v2, $0x0;
	v7 =	vmul.f32 v7, v1  }
0xcf: {  	v9 =	vbroadcast v2, $0x2;
	v2 =	vbroadcast v2, $0x3;
	[tilespmem:s24+$0xFFFFFFF0] =	vst v4  }
0xd0: {  	v3 =	vmul.f32 v3, v1;
	v4 =	vmul.f32 v8, v1;
	[tilespmem:s24+$0xFFFFFFD0] =	vst v7  }
0xd1: {  	v7 =	vmul.f32 v9, v1;
	v1 =	vmul.f32 v2, v1;
	[tilespmem:s24+$0xFFFFFFC0] =	vst v5  }
0xd2: {  	[tilespmem:s24+$0xFFFFFF80] =	vst v4  }
0xd3: {  	[tilespmem:s24+$0xFFFFFFA0] =	vst v7  }
0xd4: {  	[tilespmem:s24+$0xFFFFFF90] =	vst v3  }
0xd5: {  	[tilespmem:s24+$0xFFFFFFB0] =	vst v1  }
0xd6: {  	[tilespmem:s24+$0xFFFFFFE0] =	vst v6  }
0xd7: {  	v1 =	vld [tilespmem:s21+$0x15E0]  }
0xd8: {  	v2 =	vld [tilespmem:s21+$0x1FE0];
	_ =	sdelay $0x1  }
0xd9: {  	v3 =	vld [tilespmem:s21+$0x1E0];
	_ =	sdelay $0x2  }
0xda: {  	v1 =	vadd.f32 v2, v1;
	_ =	sdelay $0x1  }
0xdb: {  	v1 =	vadd.f32 v3, v1;
	_ =	sdelay $0x1  }
0xdc: {  	v2 =	vmul.f32 $9.999999770e-03, v1  }
0xdd: {  	vm1 =	vgt.f32 v1, $0.0e+00  }
0xde: {  	v1 =	vsel vm1, v1, v2  }
.Ltmp0:
0xdf: {  	v1 =	vsub.f32 v1, v0;
	(pc) =	sbr.rel @p1 .LBB2_3-.Ltmp0, $3  }
0xe0: {  	_ = 	snop  }
0xe1: {  	v1 =	vmul.f32 $1.442695020e+00, v1;
	_ =	sdelay $0x1  }
0xe2: {  	(erf) = vpow2.f32 v1  }
0xe3: {  	_ =	sdelay $0x5  }
0xe4: {  	v0 =	vld [tilespmem:s21+$0xBE0];
	_ =	sdelay $0x1  }
0xe5: {  	v1 =	vpop (erf)  }
0xe6: {  	v2 =	vbroadcast v1, $0x4  }
0xe7: {  	v3 =	vbroadcast v1, $0x5  }
0xe8: {  	v5 =	vbroadcast v1, $0x0;
	v2 =	vmul.f32 v2, v0  }
0xe9: {  	v4 =	vbroadcast v1, $0x6;
	[tilespmem:s21+$0x29E0] =	vst v1;
	v3 =	vmul.f32 v3, v0  }
0xea: {  	v6 =	vbroadcast v1, $0x1;
	v57 =	vmul.f32 v5, v0;
	[tilespmem:s25+$0x40] =	vst v2  }
0xeb: {  	v58 =	vbroadcast v1, $0x3;
	v2 =	vmul.f32 v4, v0;
	[tilespmem:s25+$0x50] =	vst v3  }
0xec: {  	v6 =	vmul.f32 v6, v0;
	v3 =	vbroadcast v1, $0x7;
	[tilespmem:s25+$0x0] =	vst v57  }
0xed: {  	v1 =	vbroadcast v1, $0x2;
	[tilespmem:s25+$0x60] =	vst v2;
	v2 =	vmul.f32 v58, v0  }
0xee: {  	[tilespmem:s25+$0x10] =	vst v6;
	v3 =	vmul.f32 v3, v0  }
0xef: {  	s21 =	smul.u32 $0xA0, s20;
	v0 =	vmul.f32 v1, v0;
	[tilespmem:s25+$0x30] =	vst v2  }
0xf0: {  	[tilespmem:s25+$0x70] =	vst v3  }
0xf1: {  	s5 =	sadd.s32 s21, s28;
	[tilespmem:s25+$0x20] =	vst v0  }
0xf2: {  	[spmem:s2] =	stream.indirect.scatter.add.f32 [tilespmem:s30], [sflag:$0x4], $0x80, s26, s15, $0xb8;
	[tilespmem:$0x1ED70] =	vst v63  }
0xf3: {  	s17 =	sshrl.u32 s5, $0x3  }
0xf4: {  	[spmem:s3] =	stream.indirect.scatter.add.f32 [tilespmem:s31], [sflag:$0x5], $0x10, s26, s15, $0xb8;
	[tilespmem:$0x1ED70] =	vst v63  }
0xf5: {  	s5 =	sshll.u32 s5, $0x1;
	s24 =	sadd.s32 s9, s17  }
0xf6: {  	[tilespmem:s4], [sflag:$0x1] =	stream.linear.gather [hbm4b:s24+s4], $0x50, $0x38;
	[tilespmem:$0x1ED70] =	vst v63  }
0xf7: {  	s17 =	sadd.s32 s10, s17;
	s5 =	sand.u32 $0x1FFFFFE0, s5  }
0xf8: {  	[tilespmem:s11], [sflag:$0x1] =	stream.linear.gather [hbm4b:s17+s4], $0x50, $0x38;
	[tilespmem:$0x1ED70] =	vst v63  }
0xf9: {  	s12 =	simm.s32 $0x1E0;
	s25 =	sadd.s32 s7, s5  }
0xfa: {  	[tilespmem:s12], [sflag:$0x1] =	stream.linear.gather [hbm4b:s25+s4], $0x500, $0x38;
	[tilespmem:$0x1ED70] =	vst v63  }
0xfb: {  	s5 =	sadd.s32 s8, s5  }
0xfc: {  	[tilespmem:s13], [sflag:$0x1] =	stream.linear.gather [hbm4b:s5+s4], $0x500, $0x38;
	[tilespmem:$0x1ED70] =	vst v63  }
0xfd: {  	_ =	swait.ge [sflag:s22], $0x500  }
0xfe: {  	[sflag:s22] =	ssyncset.done $0x0  }
0xff: {  	[sflag:s22] =	ssyncadd.s32 $0xFFFFFB00  }
0x100: {  	_ =	swait.ge [sflag:s23], $0x500  }
0x101: {  	[sflag:s23] =	ssyncset.done $0x0  }
0x102: {  	[sflag:s23] =	ssyncadd.s32 $0xFFFFFB00  }
0x103: {  	_ =	swait.ge [sflag:s14], $0x50  }
0x104: {  	[sflag:s14] =	ssyncset.done $0x0  }
0x105: {  	[sflag:s14] =	ssyncadd.s32 $0xFFFFFFB0  }
0x106: {  	_ =	swait.ge [sflag:s14], $0x50  }
0x107: {  	[sflag:s14] =	ssyncset.done $0x0  }
0x108: {  	[sflag:s14] =	ssyncadd.s32 $0xFFFFFFB0  }
0x109: {  	_ =	swait.ge [sflag:s14], $0x500  }
0x10a: {  	[sflag:s14] =	ssyncset.done $0x0  }
0x10b: {  	[sflag:s14] =	ssyncadd.s32 $0xFFFFFB00  }
0x10c: {  	_ =	swait.ge [sflag:s14], $0x500  }
0x10d: {  	[sflag:s14] =	ssyncset.done $0x0  }
0x10e: {  	[sflag:s14] =	ssyncadd.s32 $0xFFFFFB00  }
0x10f: {  	[tilespmem:s16], [sflag:$0x2] =	stream.indirect.gather [hbm4b:s1+s15], $0x10, s4, s15, $0xb8;
	[tilespmem:$0x1ED70] =	vst v63  }
0x110: {  	s5 =	simm.s32 @!p0 $0x4  }
0x111: {  	[tilespmem:s18], [sflag:$0x3] =	stream.indirect.gather [hbm4b:s6+s15], $0x10, s11, s15, $0xb8;
	[tilespmem:$0x1ED70] =	vst v63  }
0x112: {  	_ =	swait.ge @!p0 [sflag:s5], $0x2800  }
0x113: {  	[sflag:s5] =	ssyncset.done @!p0 $0x0  }
0x114: {  	[sflag:s5] =	ssyncadd.s32 @!p0 $0xFFFFD800;
	s5 =	simm.s32 @!p0 $0x5  }
0x115: {  	_ =	swait.ge @!p0 [sflag:s5], $0x500  }
0x116: {  	[sflag:s5] =	ssyncset.done @!p0 $0x0  }
0x117: {  	[sflag:s5] =	ssyncadd.s32 @!p0 $0xFFFFFB00  }
0x118: {  	v0 =	vld [tilespmem:$0xF0]  }
0x119: {  	v1 =	vld [tilespmem:$0x100]  }
0x11a: {  	v2 =	vld [tilespmem:$0x110]  }
0x11b: {  	v3 =	vld [tilespmem:$0x120]  }
0x11c: {  	v59 =	vld [tilespmem:$0x130]  }
0x11d: {  	[tilespmem:$0x190] =	vst v0  }
0x11e: {  	[tilespmem:$0x1A0] =	vst v1  }
0x11f: {  	[tilespmem:$0x1B0] =	vst v2  }
0x120: {  	[tilespmem:$0x1C0] =	vst v3  }
0x121: {  	s24 =	simm.s32 $0x0;
	[tilespmem:$0x1D0] =	vst v59  }
0x122: {  	v0 =	vld [tilespmem:s24+$0x1AE0]  }
0x123: {  	v1 =	vld [tilespmem:s24+$0x24E0];
	_ =	sdelay $0x1  }
0x124: {  	v2 =	vld [tilespmem:s24+$0x6E0];
	_ =	sdelay $0x2  }
0x125: {  	v1 =	vadd.f32 v1, v0;
	_ =	sdelay $0x1  }
0x126: {  	v0 =	vld [tilespmem:$0x8560];
	v1 =	vadd.f32 v2, v1;
	_ =	sdelay $0x1  }
0x127: {  	v2 =	vmul.f32 $9.999999770e-03, v1  }
0x128: {  	vm1 =	vgt.f32 v1, $0.0e+00  }
0x129: {  	v1 =	vsel vm1, v1, v2  }
0x12a: {  	v1 =	vsub.f32 v1, v0;
	_ =	sdelay $0x1  }
0x12b: {  	v1 =	vmul.f32 $1.442695020e+00, v1;
	_ =	sdelay $0x1  }
0x12c: {  	(erf) = vpow2.f32 v1;
	_ =	sdelay $0x6  }
0x12d: {  	v1 =	vld [tilespmem:s24+$0x10E0];
	_ =	sdelay $0x1  }
0x12e: {  	v2 =	vpop (erf)  }
0x12f: {  	v3 =	vbroadcast v2, $0x7  }
0x130: {  	v60 =	vbroadcast v2, $0x5  }
0x131: {  	v61 =	vbroadcast v2, $0x4;
	v3 =	vmul.f32 v3, v1  }
0x132: {  	s25 =	simm.s32 $0x5CD0;
	[tilespmem:s24+$0x2EE0] =	vst v2;
	v62 =	vbroadcast v2, $0x0;
	v4 =	vmul.f32 v60, v1  }
0x133: {  	v7 =	vbroadcast v2, $0x2;
	v5 =	vmul.f32 v61, v1;
	[tilespmem:s25+$0xFFFFFF80] =	vst v3  }
0x134: {  	v63 =	vbroadcast v2, $0x3;
	v6 =	vmul.f32 v62, v1;
	[tilespmem:s25+$0xFFFFFF60] =	vst v4  }
0x135: {  	v7 =	vmul.f32 v7, v1;
	v3 =	vbroadcast v2, $0x1;
	[tilespmem:s25+$0xFFFFFF50] =	vst v5  }
0x136: {  	v2 =	vbroadcast v2, $0x6;
	[tilespmem:s25+$0xFFFFFF10] =	vst v6;
	v4 =	vmul.f32 v63, v1  }
0x137: {  	[tilespmem:s25+$0xFFFFFF30] =	vst v7;
	v3 =	vmul.f32 v3, v1  }
0x138: {  	v1 =	vmul.f32 v2, v1;
	[tilespmem:s25+$0xFFFFFF40] =	vst v4  }
0x139: {  	[tilespmem:s25+$0xFFFFFF20] =	vst v3  }
0x13a: {  	[tilespmem:s25+$0xFFFFFF70] =	vst v1  }
0x13b: {  	v1 =	vld [tilespmem:s24+$0x1AF0]  }
0x13c: {  	v2 =	vld [tilespmem:s24+$0x24F0];
	_ =	sdelay $0x1  }
0x13d: {  	v3 =	vld [tilespmem:s24+$0x6F0];
	_ =	sdelay $0x2  }
0x13e: {  	v1 =	vadd.f32 v2, v1;
	_ =	sdelay $0x1  }
0x13f: {  	v1 =	vadd.f32 v3, v1;
	_ =	sdelay $0x1  }
0x140: {  	v2 =	vmul.f32 $9.999999770e-03, v1  }
0x141: {  	vm1 =	vgt.f32 v1, $0.0e+00  }
0x142: {  	v1 =	vsel vm1, v1, v2  }
0x143: {  	v1 =	vsub.f32 v1, v0;
	_ =	sdelay $0x1  }
0x144: {  	v1 =	vmul.f32 $1.442695020e+00, v1;
	_ =	sdelay $0x1  }
0x145: {  	s17 =	simm.s32 $0x5CD0;
	s5 =	simm.s32 $0x80;
	(erf) = vpow2.f32 v1  }
.LBB2_5:
0x146: {  	p0 =	sne.s32 s5, $0x1380  }
0x147: {  	s25 =	sadd.s32 $0x100, s25;
	s12 =	smov.u32 s5;
	s5 =	sadd.s32 $0x80, s5  }
0x148: {  	_ =	sdelay $0x4  }
0x149: {  	v1 =	vld [tilespmem:s24+$0x10F0];
	_ =	sdelay $0x1  }
0x14a: {  	v2 =	vpop (erf)  }
0x14b: {  	v3 =	vbroadcast v2, $0x4;
	v4 =	vbroadcast v2, $0x5  }
0x14c: {  	v5 =	vbroadcast v2, $0x0;
	v6 =	vbroadcast v2, $0x6  }
0x14d: {  	v7 =	vbroadcast v2, $0x1;
	v3 =	vmul.f32 v3, v1  }
0x14e: {  	v5 =	vmul.f32 v5, v1;
	v4 =	vmul.f32 v4, v1;
	[tilespmem:s24+$0x2EF0] =	vst v2  }
0x14f: {  	v8 =	vbroadcast v2, $0x2;
	[tilespmem:s17+$0xFFFFFFD0] =	vst v3;
	v3 =	vmul.f32 v6, v1  }
0x150: {  	v6 =	vbroadcast v2, $0x3;
	v2 =	vbroadcast v2, $0x7;
	[tilespmem:s17+$0xFFFFFFE0] =	vst v4  }
0x151: {  	v4 =	vmul.f32 v7, v1;
	v7 =	vmul.f32 v8, v1;
	[tilespmem:s17+$0xFFFFFFF0] =	vst v3  }
0x152: {  	v3 =	vmul.f32 v6, v1;
	v1 =	vmul.f32 v2, v1;
	[tilespmem:s17+$0xFFFFFF90] =	vst v5  }
0x153: {  	s24 =	sshra.s32 s12, $0x2;
	[tilespmem:s17+$0xFFFFFFA0] =	vst v4  }
0x154: {  	[tilespmem:s17+$0xFFFFFFC0] =	vst v3  }
0x155: {  	[tilespmem:s17+$0x0] =	vst v1  }
0x156: {  	[tilespmem:s17+$0xFFFFFFB0] =	vst v7;
	s17 =	smov.u32 s25  }
0x157: {  	v1 =	vld [tilespmem:s24+$0x1AE0]  }
0x158: {  	v2 =	vld [tilespmem:s24+$0x24E0]  }
0x159: {  	v3 =	vld [tilespmem:s24+$0x6E0];
	_ =	sdelay $0x3  }
0x15a: {  	v1 =	vadd.f32 v2, v1;
	_ =	sdelay $0x1  }
0x15b: {  	v1 =	vadd.f32 v3, v1;
	_ =	sdelay $0x1  }
0x15c: {  	v2 =	vmul.f32 $9.999999770e-03, v1  }
0x15d: {  	vm1 =	vgt.f32 v1, $0.0e+00  }
0x15e: {  	v1 =	vsel vm1, v1, v2  }
0x15f: {  	v1 =	vsub.f32 v1, v0;
	_ =	sdelay $0x1  }
0x160: {  	v1 =	vmul.f32 $1.442695020e+00, v1;
	_ =	sdelay $0x1  }
0x161: {  	(erf) = vpow2.f32 v1;
	_ =	sdelay $0x6  }
0x162: {  	v1 =	vld [tilespmem:s24+$0x10E0];
	_ =	sdelay $0x1  }
0x163: {  	v2 =	vpop (erf)  }
0x164: {  	[tilespmem:s24+$0x2EE0] =	vst v2;
	v3 =	vbroadcast v2, $0x1;
	v4 =	vbroadcast v2, $0x7  }
0x165: {  	v5 =	vbroadcast v2, $0x4;
	v6 =	vbroadcast v2, $0x6  }
0x166: {  	v7 =	vbroadcast v2, $0x5;
	v4 =	vmul.f32 v4, v1  }
0x167: {  	v5 =	vmul.f32 v5, v1;
	v6 =	vmul.f32 v6, v1  }
0x168: {  	v8 =	vbroadcast v2, $0x0;
	v7 =	vmul.f32 v7, v1  }
0x169: {  	v9 =	vbroadcast v2, $0x2;
	v2 =	vbroadcast v2, $0x3;
	[tilespmem:s25+$0xFFFFFF80] =	vst v4  }
0x16a: {  	v3 =	vmul.f32 v3, v1;
	v4 =	vmul.f32 v8, v1;
	[tilespmem:s25+$0xFFFFFF60] =	vst v7  }
0x16b: {  	v7 =	vmul.f32 v9, v1;
	v1 =	vmul.f32 v2, v1;
	[tilespmem:s25+$0xFFFFFF50] =	vst v5  }
0x16c: {  	[tilespmem:s25+$0xFFFFFF10] =	vst v4  }
0x16d: {  	[tilespmem:s25+$0xFFFFFF30] =	vst v7  }
0x16e: {  	[tilespmem:s25+$0xFFFFFF20] =	vst v3  }
0x16f: {  	[tilespmem:s25+$0xFFFFFF40] =	vst v1  }
0x170: {  	[tilespmem:s25+$0xFFFFFF70] =	vst v6  }
0x171: {  	v1 =	vld [tilespmem:s24+$0x1AF0]  }
0x172: {  	v2 =	vld [tilespmem:s24+$0x24F0];
	_ =	sdelay $0x1  }
0x173: {  	v3 =	vld [tilespmem:s24+$0x6F0];
	_ =	sdelay $0x2  }
0x174: {  	v1 =	vadd.f32 v2, v1;
	_ =	sdelay $0x1  }
0x175: {  	v1 =	vadd.f32 v3, v1;
	_ =	sdelay $0x1  }
0x176: {  	v2 =	vmul.f32 $9.999999770e-03, v1  }
0x177: {  	vm1 =	vgt.f32 v1, $0.0e+00  }
0x178: {  	v1 =	vsel vm1, v1, v2  }
.Ltmp1:
0x179: {  	v1 =	vsub.f32 v1, v0;
	(pc) =	sbr.rel @p0 .LBB2_5-.Ltmp1, $3  }
0x17a: {  	_ = 	snop  }
0x17b: {  	v1 =	vmul.f32 $1.442695020e+00, v1;
	_ =	sdelay $0x1  }
0x17c: {  	(erf) = vpow2.f32 v1  }
0x17d: {  	_ =	sdelay $0x5  }
0x17e: {  	v0 =	vld [tilespmem:s24+$0x10F0];
	_ =	sdelay $0x1  }
0x17f: {  	v1 =	vpop (erf)  }
0x180: {  	v2 =	vbroadcast v1, $0x4  }
0x181: {  	v3 =	vbroadcast v1, $0x5  }
0x182: {  	v4 =	vbroadcast v1, $0x6;
	v2 =	vmul.f32 v2, v0  }
0x183: {  	v5 =	vbroadcast v1, $0x0;
	[tilespmem:s24+$0x2EF0] =	vst v1;
	v3 =	vmul.f32 v3, v0  }
0x184: {  	v6 =	vbroadcast v1, $0x1;
	v59 =	vmul.f32 v4, v0;
	[tilespmem:s17+$0xFFFFFFD0] =	vst v2  }
0x185: {  	v61 =	vbroadcast v1, $0x3;
	v60 =	vmul.f32 v5, v0;
	[tilespmem:s17+$0xFFFFFFE0] =	vst v3  }
0x186: {  	v62 =	vbroadcast v1, $0x7;
	v6 =	vmul.f32 v6, v0;
	[tilespmem:s17+$0xFFFFFFF0] =	vst v59  }
0x187: {  	v1 =	vbroadcast v1, $0x2;
	v63 =	vmul.f32 v61, v0;
	[tilespmem:s17+$0xFFFFFF90] =	vst v60  }
0x188: {  	v3 =	vmul.f32 v62, v0;
	[tilespmem:s17+$0xFFFFFFA0] =	vst v6  }
0x189: {  	p0 =	seq.s32 s20, $0x3D;
	v0 =	vmul.f32 v1, v0;
	[tilespmem:s17+$0xFFFFFFC0] =	vst v63  }
.Ltmp2:
0x18a: {  	[tilespmem:s17+$0x0] =	vst v3;
	(pc) =	sbr.rel @p0 .LBB2_8-.Ltmp2, $4  }
0x18b: {  	s5 =	simm.s32 $0x5BE0;
	[tilespmem:s17+$0xFFFFFFB0] =	vst v0  }
0x18c: {  	[spmem:s2] =	stream.indirect.scatter.add.f32 [tilespmem:s5], [sflag:$0x4], $0x80, s0, s15, $0xb8;
	[tilespmem:$0x1ED70] =	vst v63  }
0x18d: {  	s25 =	simm.s32 $0x2EE0  }
0x18e: {  	[spmem:s3] =	stream.indirect.scatter.add.f32 [tilespmem:s25], [sflag:$0x5], $0x10, s0, s15, $0xb8;
	[tilespmem:$0x1ED70] =	vst v63  }
0x18f: {  	s5 =	sadd.s32 s21, s29  }
0x190: {  	s12 =	sshrl.u32 s5, $0x3  }
0x191: {  	s17 =	sadd.s32 s9, s12  }
0x192: {  	[tilespmem:s15], [sflag:$0x1] =	stream.linear.gather [hbm4b:s17+s4], $0x50, $0x38;
	[tilespmem:$0x1ED70] =	vst v63  }
0x193: {  	s5 =	sshll.u32 s5, $0x1;
	s12 =	sadd.s32 s10, s12  }
0x194: {  	[tilespmem:s19], [sflag:$0x1] =	stream.linear.gather [hbm4b:s12+s4], $0x50, $0x38;
	[tilespmem:$0x1ED70] =	vst v63  }
.Ltmp3:
0x195: {  	s5 =	sand.u32 $0x1FFFFFE0, s5;
	(pc) =	sbr.rel .LBB2_2-.Ltmp3, $4  }
0x196: {  	s24 =	simm.s32 $0x6E0;
	s21 =	sadd.s32 s7, s5  }
0x197: {  	[tilespmem:s24], [sflag:$0x1] =	stream.linear.gather [hbm4b:s21+s4], $0x500, $0x38;
	[tilespmem:$0x1ED70] =	vst v63  }
0x198: {  	s25 =	simm.s32 $0x10E0;
	s20 =	sadd.s32 $0x1, s20;
	s5 =	sadd.s32 s8, s5  }
0x199: {  	[tilespmem:s25], [sflag:$0x1] =	stream.linear.gather [hbm4b:s5+s4], $0x500, $0x38;
	[tilespmem:$0x1ED70] =	vst v63  }
.LBB2_8:
0x19a: {  	_ =	swait.ge [sflag:s22], $0x500  }
0x19b: {  	[sflag:s22] =	ssyncset.done $0x0  }
0x19c: {  	[sflag:s22] =	ssyncadd.s32 $0xFFFFFB00  }
0x19d: {  	_ =	swait.ge [sflag:s23], $0x500  }
0x19e: {  	[sflag:s23] =	ssyncset.done $0x0  }
0x19f: {  	s24 =	simm.s32 $0x4;
	[sflag:s23] =	ssyncadd.s32 $0xFFFFFB00  }
0x1a0: {  	_ =	swait.ge [sflag:s24], $0x2800  }
0x1a1: {  	[sflag:s24] =	ssyncset.done $0x0  }
0x1a2: {  	s25 =	simm.s32 $0x5;
	[sflag:s24] =	ssyncadd.s32 $0xFFFFD800  }
0x1a3: {  	_ =	swait.ge [sflag:s25], $0x500  }
0x1a4: {  	[sflag:s25] =	ssyncset.done $0x0  }
0x1a5: {  	[sflag:s25] =	ssyncadd.s32 $0xFFFFFB00  }
0x1a6: {  	v0 =	vld [tilespmem:$0xA0]  }
0x1a7: {  	v1 =	vld [tilespmem:$0xB0]  }
0x1a8: {  	v2 =	vld [tilespmem:$0xC0]  }
0x1a9: {  	v3 =	vld [tilespmem:$0xD0]  }
0x1aa: {  	v4 =	vld [tilespmem:$0xE0]  }
0x1ab: {  	[tilespmem:$0x140] =	vst v0  }
0x1ac: {  	[tilespmem:$0x150] =	vst v1  }
0x1ad: {  	[tilespmem:$0x160] =	vst v2  }
0x1ae: {  	[tilespmem:$0x170] =	vst v3  }
0x1af: {  	s20 =	simm.s32 $0x10;
	[tilespmem:$0x180] =	vst v4  }
0x1b0: {  	v0 =	vld [tilespmem:s20+$0x15D0]  }
0x1b1: {  	v1 =	vld [tilespmem:s20+$0x1FD0];
	_ =	sdelay $0x1  }
0x1b2: {  	v2 =	vld [tilespmem:s20+$0x1D0];
	_ =	sdelay $0x2  }
0x1b3: {  	v1 =	vadd.f32 v1, v0;
	_ =	sdelay $0x1  }
0x1b4: {  	v0 =	vld [tilespmem:$0x8560];
	v1 =	vadd.f32 v2, v1;
	_ =	sdelay $0x1  }
0x1b5: {  	v2 =	vmul.f32 $9.999999770e-03, v1  }
0x1b6: {  	vm1 =	vgt.f32 v1, $0.0e+00  }
0x1b7: {  	v1 =	vsel vm1, v1, v2  }
0x1b8: {  	v1 =	vsub.f32 v1, v0;
	_ =	sdelay $0x1  }
0x1b9: {  	v1 =	vmul.f32 $1.442695020e+00, v1;
	_ =	sdelay $0x1  }
0x1ba: {  	(erf) = vpow2.f32 v1;
	_ =	sdelay $0x6  }
0x1bb: {  	v1 =	vld [tilespmem:s20+$0xBD0];
	_ =	sdelay $0x1  }
0x1bc: {  	v2 =	vpop (erf)  }
0x1bd: {  	v3 =	vbroadcast v2, $0x7  }
0x1be: {  	v62 =	vbroadcast v2, $0x5  }
0x1bf: {  	v5 =	vbroadcast v2, $0x4;
	v3 =	vmul.f32 v3, v1  }
0x1c0: {  	s21 =	simm.s32 $0x3460;
	[tilespmem:s20+$0x29D0] =	vst v2;
	v6 =	vbroadcast v2, $0x0;
	v4 =	vmul.f32 v62, v1  }
0x1c1: {  	v7 =	vbroadcast v2, $0x2;
	v5 =	vmul.f32 v5, v1;
	[tilespmem:s21+$0xFFFFFFF0] =	vst v3  }
0x1c2: {  	v63 =	vbroadcast v2, $0x3;
	v6 =	vmul.f32 v6, v1;
	[tilespmem:s21+$0xFFFFFFD0] =	vst v4  }
0x1c3: {  	v7 =	vmul.f32 v7, v1;
	v3 =	vbroadcast v2, $0x1;
	[tilespmem:s21+$0xFFFFFFC0] =	vst v5  }
0x1c4: {  	v2 =	vbroadcast v2, $0x6;
	[tilespmem:s21+$0xFFFFFF80] =	vst v6;
	v4 =	vmul.f32 v63, v1  }
0x1c5: {  	[tilespmem:s21+$0xFFFFFFA0] =	vst v7;
	v3 =	vmul.f32 v3, v1  }
0x1c6: {  	v1 =	vmul.f32 v2, v1;
	[tilespmem:s21+$0xFFFFFFB0] =	vst v4  }
0x1c7: {  	[tilespmem:s21+$0xFFFFFF90] =	vst v3  }
0x1c8: {  	[tilespmem:s21+$0xFFFFFFE0] =	vst v1  }
0x1c9: {  	v1 =	vld [tilespmem:s20+$0x15E0]  }
0x1ca: {  	v2 =	vld [tilespmem:s20+$0x1FE0];
	_ =	sdelay $0x1  }
0x1cb: {  	v3 =	vld [tilespmem:s20+$0x1E0];
	_ =	sdelay $0x2  }
0x1cc: {  	v1 =	vadd.f32 v2, v1;
	_ =	sdelay $0x1  }
0x1cd: {  	v1 =	vadd.f32 v3, v1;
	_ =	sdelay $0x1  }
0x1ce: {  	v2 =	vmul.f32 $9.999999770e-03, v1  }
0x1cf: {  	vm1 =	vgt.f32 v1, $0.0e+00  }
0x1d0: {  	v1 =	vsel vm1, v1, v2  }
0x1d1: {  	v1 =	vsub.f32 v1, v0;
	_ =	sdelay $0x1  }
0x1d2: {  	v1 =	vmul.f32 $1.442695020e+00, v1;
	_ =	sdelay $0x1  }
0x1d3: {  	s5 =	simm.s32 $0xC0;
	s17 =	simm.s32 $0x3460;
	(erf) = vpow2.f32 v1  }
.LBB2_9:
0x1d4: {  	p0 =	sne.s32 s5, $0x13C0  }
0x1d5: {  	s21 =	sadd.s32 $0x100, s21;
	s12 =	smov.u32 s5;
	s5 =	sadd.s32 $0x80, s5  }
0x1d6: {  	_ =	sdelay $0x4  }
0x1d7: {  	v1 =	vld [tilespmem:s20+$0xBE0];
	_ =	sdelay $0x1  }
0x1d8: {  	v2 =	vpop (erf)  }
0x1d9: {  	v3 =	vbroadcast v2, $0x4;
	v4 =	vbroadcast v2, $0x5  }
0x1da: {  	v5 =	vbroadcast v2, $0x0;
	v6 =	vbroadcast v2, $0x6  }
0x1db: {  	v7 =	vbroadcast v2, $0x1;
	v3 =	vmul.f32 v3, v1  }
0x1dc: {  	v5 =	vmul.f32 v5, v1;
	v4 =	vmul.f32 v4, v1;
	[tilespmem:s20+$0x29E0] =	vst v2  }
0x1dd: {  	v8 =	vbroadcast v2, $0x2;
	[tilespmem:s17+$0x40] =	vst v3;
	v3 =	vmul.f32 v6, v1  }
0x1de: {  	v6 =	vbroadcast v2, $0x3;
	v2 =	vbroadcast v2, $0x7;
	[tilespmem:s17+$0x50] =	vst v4  }
0x1df: {  	v4 =	vmul.f32 v7, v1;
	v7 =	vmul.f32 v8, v1;
	[tilespmem:s17+$0x60] =	vst v3  }
0x1e0: {  	v3 =	vmul.f32 v6, v1;
	v1 =	vmul.f32 v2, v1;
	[tilespmem:s17+$0x0] =	vst v5  }
0x1e1: {  	s20 =	sshra.s32 s12, $0x2;
	[tilespmem:s17+$0x10] =	vst v4  }
0x1e2: {  	[tilespmem:s17+$0x30] =	vst v3  }
0x1e3: {  	[tilespmem:s17+$0x70] =	vst v1  }
0x1e4: {  	[tilespmem:s17+$0x20] =	vst v7;
	s17 =	smov.u32 s21  }
0x1e5: {  	v1 =	vld [tilespmem:s20+$0x15D0]  }
0x1e6: {  	v2 =	vld [tilespmem:s20+$0x1FD0]  }
0x1e7: {  	v3 =	vld [tilespmem:s20+$0x1D0];
	_ =	sdelay $0x3  }
0x1e8: {  	v1 =	vadd.f32 v2, v1;
	_ =	sdelay $0x1  }
0x1e9: {  	v1 =	vadd.f32 v3, v1;
	_ =	sdelay $0x1  }
0x1ea: {  	v2 =	vmul.f32 $9.999999770e-03, v1  }
0x1eb: {  	vm1 =	vgt.f32 v1, $0.0e+00  }
0x1ec: {  	v1 =	vsel vm1, v1, v2  }
0x1ed: {  	v1 =	vsub.f32 v1, v0;
	_ =	sdelay $0x1  }
0x1ee: {  	v1 =	vmul.f32 $1.442695020e+00, v1;
	_ =	sdelay $0x1  }
0x1ef: {  	(erf) = vpow2.f32 v1;
	_ =	sdelay $0x6  }
0x1f0: {  	v1 =	vld [tilespmem:s20+$0xBD0];
	_ =	sdelay $0x1  }
0x1f1: {  	v2 =	vpop (erf)  }
0x1f2: {  	[tilespmem:s20+$0x29D0] =	vst v2;
	v3 =	vbroadcast v2, $0x1;
	v4 =	vbroadcast v2, $0x7  }
0x1f3: {  	v5 =	vbroadcast v2, $0x4;
	v6 =	vbroadcast v2, $0x6  }
0x1f4: {  	v7 =	vbroadcast v2, $0x5;
	v4 =	vmul.f32 v4, v1  }
0x1f5: {  	v5 =	vmul.f32 v5, v1;
	v6 =	vmul.f32 v6, v1  }
0x1f6: {  	v8 =	vbroadcast v2, $0x0;
	v7 =	vmul.f32 v7, v1  }
0x1f7: {  	v9 =	vbroadcast v2, $0x2;
	v2 =	vbroadcast v2, $0x3;
	[tilespmem:s21+$0xFFFFFFF0] =	vst v4  }
0x1f8: {  	v3 =	vmul.f32 v3, v1;
	v4 =	vmul.f32 v8, v1;
	[tilespmem:s21+$0xFFFFFFD0] =	vst v7  }
0x1f9: {  	v7 =	vmul.f32 v9, v1;
	v1 =	vmul.f32 v2, v1;
	[tilespmem:s21+$0xFFFFFFC0] =	vst v5  }
0x1fa: {  	[tilespmem:s21+$0xFFFFFF80] =	vst v4  }
0x1fb: {  	[tilespmem:s21+$0xFFFFFFA0] =	vst v7  }
0x1fc: {  	[tilespmem:s21+$0xFFFFFF90] =	vst v3  }
0x1fd: {  	[tilespmem:s21+$0xFFFFFFB0] =	vst v1  }
0x1fe: {  	[tilespmem:s21+$0xFFFFFFE0] =	vst v6  }
0x1ff: {  	v1 =	vld [tilespmem:s20+$0x15E0]  }
0x200: {  	v2 =	vld [tilespmem:s20+$0x1FE0];
	_ =	sdelay $0x1  }
0x201: {  	v3 =	vld [tilespmem:s20+$0x1E0];
	_ =	sdelay $0x2  }
0x202: {  	v1 =	vadd.f32 v2, v1;
	_ =	sdelay $0x1  }
0x203: {  	v1 =	vadd.f32 v3, v1;
	_ =	sdelay $0x1  }
0x204: {  	v2 =	vmul.f32 $9.999999770e-03, v1  }
0x205: {  	vm1 =	vgt.f32 v1, $0.0e+00  }
0x206: {  	v1 =	vsel vm1, v1, v2  }
.Ltmp4:
0x207: {  	v1 =	vsub.f32 v1, v0;
	(pc) =	sbr.rel @p0 .LBB2_9-.Ltmp4, $3  }
0x208: {  	_ = 	snop  }
0x209: {  	v1 =	vmul.f32 $1.442695020e+00, v1;
	_ =	sdelay $0x1  }
0x20a: {  	(erf) = vpow2.f32 v1  }
0x20b: {  	_ =	sdelay $0x5  }
0x20c: {  	v0 =	vld [tilespmem:s20+$0xBE0];
	_ =	sdelay $0x1  }
0x20d: {  	v1 =	vpop (erf)  }
0x20e: {  	v2 =	vbroadcast v1, $0x4  }
0x20f: {  	v3 =	vbroadcast v1, $0x5  }
0x210: {  	v4 =	vbroadcast v1, $0x6;
	v2 =	vmul.f32 v2, v0  }
0x211: {  	v5 =	vbroadcast v1, $0x0;
	[tilespmem:s20+$0x29E0] =	vst v1;
	v3 =	vmul.f32 v3, v0  }
0x212: {  	v6 =	vbroadcast v1, $0x1;
	v59 =	vmul.f32 v4, v0;
	[tilespmem:s17+$0x40] =	vst v2  }
0x213: {  	v61 =	vbroadcast v1, $0x3;
	v60 =	vmul.f32 v5, v0;
	[tilespmem:s17+$0x50] =	vst v3  }
0x214: {  	v62 =	vbroadcast v1, $0x7;
	v6 =	vmul.f32 v6, v0;
	[tilespmem:s17+$0x60] =	vst v59  }
0x215: {  	v1 =	vbroadcast v1, $0x2;
	v63 =	vmul.f32 v61, v0;
	[tilespmem:s17+$0x0] =	vst v60  }
0x216: {  	v3 =	vmul.f32 v62, v0;
	[tilespmem:s17+$0x10] =	vst v6  }
0x217: {  	v0 =	vmul.f32 v1, v0;
	[tilespmem:s17+$0x30] =	vst v63  }
0x218: {  	[tilespmem:s17+$0x70] =	vst v3  }
0x219: {  	[tilespmem:s17+$0x20] =	vst v0  }
0x21a: {  	[spmem:s2] =	stream.indirect.scatter.add.f32 [tilespmem:s30], [sflag:$0x4], $0x80, s26, s15, $0xb8;
	[tilespmem:$0x1ED70] =	vst v63  }
0x21b: {  	_ = 	snop  }
0x21c: {  	[spmem:s3] =	stream.indirect.scatter.add.f32 [tilespmem:s31], [sflag:$0x5], $0x10, s26, s15, $0xb8;
	[tilespmem:$0x1ED70] =	vst v63  }
0x21d: {  	_ =	swait.ge [sflag:s24], $0x2800  }
0x21e: {  	[sflag:s24] =	ssyncset.done $0x0  }
0x21f: {  	[sflag:s24] =	ssyncadd.s32 $0xFFFFD800  }
0x220: {  	_ =	swait.ge [sflag:s25], $0x500  }
0x221: {  	[sflag:s25] =	ssyncset.done $0x0  }
0x222: {  	[sflag:s25] =	ssyncadd.s32 $0xFFFFFB00  }
0x223: {  	_ =	swait.ge [sflag:s24], $0x2800  }
0x224: {  	[sflag:s24] =	ssyncset.done $0x0  }
0x225: {  	[sflag:s24] =	ssyncadd.s32 $0xFFFFD800  }
0x226: {  	_ =	swait.ge [sflag:s25], $0x500  }
0x227: {  	[sflag:s25] =	ssyncset.done $0x0  }
0x228: {  	[sflag:s25] =	ssyncadd.s32 $0xFFFFFB00  }
0x229: {  	[bflag:$0x0] =	sbarrier.arrive $0xFFFF  }
0x22a: {  	s20 =	rddreg [dreg:$0xb]  }
0x22b: {  	s5 =	rddreg [dreg:$0x15]  }
0x22c: {  	s12 =	rddreg [dreg:$0x19]  }
0x22d: {  	[hbm:s5], [sflag:s20] =	dma.local [spmem:s12], $0x2800  }
0x22e: {  	s12 =	simm.s32 $0x6  }
0x22f: {  	_ =	swait.ge [sflag:s12], $0x2800  }
0x230: {  	[sflag:s12] =	ssyncset.done $0x0;
	s17 =	rddreg [dreg:$0x16]  }
0x231: {  	s21 =	rddreg [dreg:$0x1a];
	[sflag:s12] =	ssyncadd.s32 $0xFFFFD800  }
0x232: {  	[hbm:s17], [sflag:s20] =	dma.local [spmem:s21], $0x500  }
0x233: {  	_ =	swait.ge [sflag:s12], $0x500  }
0x234: {  	s24 =	rddreg [dreg:$0x18]  }
0x235: {  	s25 =	rddreg [dreg:$0x17];
	s17 =	sadd.s32 $0x1, s24  }
0x236: {  	p0 =	sne.s32 s17, s25  }
.Ltmp5:
0x237: {  	_ = 	snop;
	(pc) =	sbr.rel @p0 .LBB2_1-.Ltmp5, $3  }
0x238: {  	_ =	sdelay $0x1  }
0x239: {  	[sflag:s12] =	ssyncset.done $0x0  }
0x23a: {  	[sflag:s12] =	ssyncadd.s32 $0xFFFFFB00  }
0x23b: {  	_ =	sfence.sel $0x180000  }
0x23c: {  	[bflag:$0x0] =	sbarrier.arrive $0xFFFF  }
0x23d: {  	_ =	strace $0x90000047  }
0x23e: {  	s0 =	stileid.u32;
	[bflag:$0x2] =	sbarrier.arrive $0xFFFF  }
0x23f: {  	p0 =	sne.s32 s0, $0x0;
	s0 =	rddreg [dreg:$0x4]  }
0x240: {  	s0 =	sadd.s32 @!p0 $0x100000, s0  }
0x241: {  	[sflag:s0] =	ssyncadd.tile.s32 @!p0 $0x1;
	_ =	shalt  }
.Lfunc_end2:
_tile_overlayer_lowered:
.L_overlay_start_2:
0x242: {  	(tag) =	ssettag $0x2  }
0x243: {  	s0 =	rddreg [dreg:$0x0];
	s2 =	stileid.u32  }
0x244: {  	s1 =	rddreg [dreg:$0x1];
	p0 =	sne.s32 s2, $0x0  }
0x245: {  	s3 =	rddreg [dreg:$0x2];
	[bflag:$0x3] =	sbarrier.arrive $0xFFFF;
	s2 =	simm.s32 @!p0 $0x1C06  }
0x246: {  	[timem:s3], [sflag:s2] =	dma.local @!p0 [hbm:s0], s1  }
0x247: {  	s0 =	simm.s32 @!p0 $0x6  }
0x248: {  	_ =	swait.ge @!p0 [sflag:s0], s1  }
0x249: {  	s1 =	ssub.s32 @!p0 $0x0, s1;
	[sflag:s0] =	ssyncset.done @!p0 $0x0  }
0x24a: {  	[sflag:s0] =	ssyncadd.s32 @!p0 s1  }
0x24b: {  	[bflag:$0x3] =	sbarrier.arrive $0xFFFF  }
0x24c: {  	_ =	shalt  }

</sc_bundles>
